<compile_context>
chip_gen: v7x
topology: tpu7x:2x2x1
jax: 0.10.2.dev20260603
libtpu: 0.0.44.dev20260713+nightly
codegen_flags: <defaults>
</compile_context>

<pallas_src>
import functools

import jax
import jax.numpy as jnp
from jax import lax
from jax.experimental import pallas as pl
from jax.experimental.pallas import tpu as pltpu
from jax.experimental.pallas import tpu_sc as plsc

N = 10000
E = 320000
H = 128
K = 128
NCHUNKS = E // K

_info = plsc.get_sparse_core_info()
NC = _info.num_cores
NS = _info.num_subcores
NW = NC * NS

TILE_STRIDE = 624
ROW_CHUNK = 128
OUT_CHUNKS = 5


def _ab_body(hv_ref, wa_ref, wb_ref, b1_ref, a_ref, b_ref):
    x = hv_ref[...]
    a_ref[...] = jnp.dot(x, wa_ref[...], preferred_element_type=jnp.float32) + b1_ref[...]
    b_ref[...] = jnp.dot(x, wb_ref[...], preferred_element_type=jnp.float32)


def _make_ab(blk=2000):
    grid = N // blk
    return pl.pallas_call(
        _ab_body,
        grid=(grid,),
        in_specs=[
            pl.BlockSpec((blk, H), lambda i: (i, 0)),
            pl.BlockSpec((H, H), lambda i: (0, 0)),
            pl.BlockSpec((H, H), lambda i: (0, 0)),
            pl.BlockSpec((1, H), lambda i: (0, 0)),
        ],
        out_specs=[
            pl.BlockSpec((blk, H), lambda i: (i, 0)),
            pl.BlockSpec((blk, H), lambda i: (i, 0)),
        ],
        out_shape=[
            jax.ShapeDtypeStruct((N, H), jnp.float32),
            jax.ShapeDtypeStruct((N, H), jnp.float32),
        ],
    )


def _c_body(he_ref, wc_ref, c_ref):
    c_ref[...] = jnp.dot(he_ref[...], wc_ref[...], preferred_element_type=jnp.float32)


def _make_c(blk=2000):
    grid = E // blk
    return pl.pallas_call(
        _c_body,
        grid=(grid,),
        in_specs=[
            pl.BlockSpec((blk, H), lambda i: (i, 0)),
            pl.BlockSpec((H, H), lambda i: (0, 0)),
        ],
        out_specs=pl.BlockSpec((blk, H), lambda i: (i, 0)),
        out_shape=jax.ShapeDtypeStruct((E, H), jnp.float32),
    )


KC = 64
NCH = E // KC


GRP = 8


def _sc_body(src_hbm, dst_hbm, a_hbm, b_hbm, c_hbm, out_s,
             src_g, dst_g, dst_c0, a0, b0, c0,
             dst_c1, a1, b1, c1,
             s_sh, sa0, sb0, sc0, sa1, sb1, sc1, sct0, sct1):
    cid = lax.axis_index("c")
    sid = lax.axis_index("s")
    wid = sid * NC + cid
    start = (wid * NCH) // NW
    n = ((wid + 1) * NCH) // NW - start

    slots = ((dst_c0, a0, b0, c0, sa0, sb0, sc0, sct0),
             (dst_c1, a1, b1, c1, sa1, sb1, sc1, sct1))

    zeros16 = jnp.zeros((16,), jnp.float32)

    @pl.loop(0, KC)
    def _(r):
        for k in range(H // 16):
            a0[r, pl.ds(k * 16, 16)] = zeros16

    r_tile = sid * TILE_STRIDE
    for j in range(OUT_CHUNKS * (ROW_CHUNK // KC)):
        r0 = r_tile + j * KC
        pltpu.sync_copy(a0, s_sh.at[pl.ds(r0, KC)])

    plsc.subcore_barrier()

    def issue(j, slot):
        dv, ba, bb, bc, sa, sb, sc_, sct = slots[slot]

        @pl.when(j >= 2)
        def _():
            pltpu.make_async_copy(bc, s_sh.at[dv], sct).wait()

        @pl.when(j % GRP == 0)
        def _():
            gbase = (start + j) * KC
            pltpu.sync_copy(src_hbm.at[pl.ds(gbase, GRP * KC)], src_g)
            pltpu.sync_copy(dst_hbm.at[pl.ds(gbase, GRP * KC)], dst_g)

        base = (start + j) * KC
        goff = (j % GRP) * KC
        for k in range(KC // 16):
            sl = pl.ds(goff + k * 16, 16)
            dv[pl.ds(k * 16, 16)] = dst_g[sl]
        pltpu.async_copy(a_hbm.at[src_g.at[pl.ds(goff, KC)]], ba, sa)
        pltpu.async_copy(b_hbm.at[dv], bb, sb)
        pltpu.async_copy(c_hbm.at[pl.ds(base, KC)], bc, sc_)

    def wait_slot(slot):
        dv, ba, bb, bc, sa, sb, sc_, sct = slots[slot]
        pltpu.make_async_copy(a_hbm.at[dv], ba, sa).wait()
        pltpu.make_async_copy(b_hbm.at[dv], bb, sb).wait()
        pltpu.make_async_copy(c_hbm.at[pl.ds(0, KC)], bc, sc_).wait()

    def compute_scatter(slot):
        dv, ba, bb, bc, sa, sb, sc_, sct = slots[slot]

        @pl.loop(0, KC)
        def _(r):
            for k in range(H // 16):
                sl = pl.ds(k * 16, 16)
                bc[r, sl] = jnp.maximum(ba[r, sl] + bb[r, sl] + bc[r, sl], 0.0)

        pltpu.async_copy(bc, s_sh.at[dv], sct, add=True)

    issue(jnp.int32(0), 0)

    @pl.loop(0, (NCH // NW + 2) // 2)
    def _(g):
        for b in range(2):
            i = g * 2 + b

            @pl.when(i < n)
            def _():
                wait_slot(b)

                @pl.when(i + 1 < n)
                def _():
                    issue(i + 1, 1 - b)

                compute_scatter(b)

    pltpu.make_async_copy(c0, s_sh.at[dst_c0], sct0).wait()
    pltpu.make_async_copy(c1, s_sh.at[dst_c1], sct1).wait()
    plsc.subcore_barrier()

    for j in range(OUT_CHUNKS * (ROW_CHUNK // KC)):
        r0 = r_tile + j * KC
        pltpu.sync_copy(s_sh.at[pl.ds(r0, KC)], a0)
        pltpu.sync_copy(a0, out_s.at[cid, pl.ds(r0, KC)])


_sc_scatter = functools.partial(
    pl.kernel,
    out_type=jax.ShapeDtypeStruct((NC, N, H), jnp.float32),
    mesh=plsc.VectorSubcoreMesh(core_axis_name="c", subcore_axis_name="s"),
    scratch_types=[
        pltpu.VMEM((GRP * KC,), jnp.int32),
        pltpu.VMEM((GRP * KC,), jnp.int32),
        pltpu.VMEM((KC,), jnp.int32),
        pltpu.VMEM((KC, H), jnp.float32),
        pltpu.VMEM((KC, H), jnp.float32),
        pltpu.VMEM((KC, H), jnp.float32),
        pltpu.VMEM((KC,), jnp.int32),
        pltpu.VMEM((KC, H), jnp.float32),
        pltpu.VMEM((KC, H), jnp.float32),
        pltpu.VMEM((KC, H), jnp.float32),
        pltpu.VMEM_SHARED((N, H), jnp.float32),
        pltpu.SemaphoreType.DMA,
        pltpu.SemaphoreType.DMA,
        pltpu.SemaphoreType.DMA,
        pltpu.SemaphoreType.DMA,
        pltpu.SemaphoreType.DMA,
        pltpu.SemaphoreType.DMA,
        pltpu.SemaphoreType.DMA,
        pltpu.SemaphoreType.DMA,
    ],
)(_sc_body)


def _sc_cnt_body(dst_hbm, out_cnt, dst_v, ones_b, cnt_v, stage_c, cnt_sh):
    cid = lax.axis_index("c")
    sid = lax.axis_index("s")
    wid = sid * NC + cid

    zeros16 = jnp.zeros((16,), jnp.float32)
    ones16 = jnp.full((16,), 1.0, jnp.float32)

    for k in range(K // 16):
        ones_b[pl.ds(k * 16, 16)] = ones16

    @pl.loop(0, OUT_CHUNKS * ROW_CHUNK // 16)
    def _(i):
        stage_c[pl.ds(i * 16, 16)] = zeros16

    r_tile = sid * TILE_STRIDE
    pltpu.sync_copy(stage_c, cnt_sh.at[pl.ds(r_tile, OUT_CHUNKS * ROW_CHUNK)])
    plsc.subcore_barrier()

    n_my_chunks = (NCHUNKS - wid + NW - 1) // NW

    @pl.loop(0, n_my_chunks)
    def _(i):
        base = (wid + i * NW) * K
        pltpu.sync_copy(dst_hbm.at[pl.ds(base, K)], dst_v)
        pltpu.sync_copy(ones_b, cnt_sh.at[dst_v], add=True)

    plsc.subcore_barrier()
    pltpu.sync_copy(cnt_sh.at[pl.ds(r_tile, OUT_CHUNKS * ROW_CHUNK)], cnt_v)
    pltpu.sync_copy(cnt_v, out_cnt.at[pl.ds(cid * N + r_tile, OUT_CHUNKS * ROW_CHUNK)])


_sc_count = functools.partial(
    pl.kernel,
    out_type=jax.ShapeDtypeStruct((NC * N,), jnp.float32),
    mesh=plsc.VectorSubcoreMesh(core_axis_name="c", subcore_axis_name="s"),
    scratch_types=[
        pltpu.VMEM((K,), jnp.int32),
        pltpu.VMEM((K,), jnp.float32),
        pltpu.VMEM((OUT_CHUNKS * ROW_CHUNK,), jnp.float32),
        pltpu.VMEM((OUT_CHUNKS * ROW_CHUNK,), jnp.float32),
        pltpu.VMEM_SHARED((N,), jnp.float32),
    ],
)(_sc_cnt_body)


def _final_body(sp_ref, cnt_ref, hv_ref, w2m_ref, b2m_ref, wua_ref, wub_ref,
                b1u_ref, w2u_ref, b2u_ref, out_ref):
    s = sp_ref[0] + sp_ref[1]
    c = cnt_ref[0] + cnt_ref[1]
    agg = jnp.dot(w2m_ref[...], s, preferred_element_type=jnp.float32)
    agg = (agg + c * b2m_ref[...]) / jnp.maximum(c, 1.0)
    h = jnp.dot(wua_ref[...], hv_ref[...], preferred_element_type=jnp.float32)
    h = h + jnp.dot(wub_ref[...], agg, preferred_element_type=jnp.float32) + b1u_ref[...]
    h = jnp.maximum(h, 0.0)
    out_ref[...] = jnp.dot(w2u_ref[...], h, preferred_element_type=jnp.float32) + b2u_ref[...]


def _make_final(blk=2048):
    grid = (N + blk - 1) // blk
    full = lambda i: (0, 0)
    return pl.pallas_call(
        _final_body,
        grid=(grid,),
        in_specs=[
            pl.BlockSpec((NC, H, blk), lambda i: (0, 0, i)),
            pl.BlockSpec((NC, 1, blk), lambda i: (0, 0, i)),
            pl.BlockSpec((H, blk), lambda i: (0, i)),
            pl.BlockSpec((H, H), full),
            pl.BlockSpec((H, 1), full),
            pl.BlockSpec((H, H), full),
            pl.BlockSpec((H, H), full),
            pl.BlockSpec((H, 1), full),
            pl.BlockSpec((H, H), full),
            pl.BlockSpec((H, 1), full),
        ],
        out_specs=pl.BlockSpec((H, blk), lambda i: (0, i)),
        out_shape=jax.ShapeDtypeStruct((H, N), jnp.float32),
    )


def kernel(h_v, edge_index, h_e, W1m, b1m, W2m, b2m, W1u, b1u, W2u, b2u):
    src = edge_index[0].astype(jnp.int32)
    dst = edge_index[1].astype(jnp.int32)
    wa = W1m[:H]
    wb = W1m[H:2 * H]
    wc = W1m[2 * H:]

    pad = jnp.zeros((GRP * KC,), jnp.int32)
    src_p = jnp.concatenate([src, pad])
    dst_p = jnp.concatenate([dst, pad])

    cnt_part = _sc_count(dst)
    a_tab, b_tab = _make_ab()(h_v, wa, wb, b1m.reshape(1, H))
    c_mat = _make_c()(h_e, wc)
    s_part = _sc_scatter(src_p, dst_p, a_tab, b_tab, c_mat)
    out_t = _make_final()(
        jnp.transpose(s_part, (0, 2, 1)), cnt_part.reshape(NC, 1, N), h_v.T,
        W2m.T, b2m.reshape(H, 1), W1u[:H].T, W1u[H:].T, b1u.reshape(H, 1),
        W2u.T, b2u.reshape(H, 1),
    )
    return out_t.T

# --- scband reference (transcript-rebuilt; emitter-appended) ---
"""Pipeline reference for scband-message-passing-layer-57518202028476 (READ-ONLY COPY).

The authoritative reference and input builder live on the scoring server;
editing this copy changes nothing except your own understanding.
"""

import jax, jax.numpy as jnp
import numpy as np

N_NODES = 10000
N_EDGES = 320000
HID = 128


def _mlp2(x, W1, b1, W2, b2):
    h = jax.nn.relu(x @ W1 + b1)
    return h @ W2 + b2


def setup_inputs(seed: int = 0) -> dict:
    key = jax.random.key(seed)
    ks = jax.random.split(key, 12)
    h_v = jax.random.normal(ks[0], (N_NODES, HID), dtype=jnp.float32)
    edge_index = jax.random.randint(ks[1], (2, N_EDGES), 0, N_NODES, dtype=jnp.int64)
    h_e = jax.random.normal(ks[2], (N_EDGES, HID), dtype=jnp.float32)
    # message MLP (mlp_layers=2): Linear(3*HID, HID) -> ReLU -> Linear(HID, HID)
    W1m = jax.random.normal(ks[3], (3 * HID, HID), dtype=jnp.float32) * (1.0 / np.sqrt(3 * HID))
    b1m = jnp.zeros((HID,), dtype=jnp.float32)
    W2m = jax.random.normal(ks[4], (HID, HID), dtype=jnp.float32) * (1.0 / np.sqrt(HID))
    b2m = jnp.zeros((HID,), dtype=jnp.float32)
    # update MLP (mlp_layers=2): Linear(2*HID, HID) -> ReLU -> Linear(HID, HID)
    W1u = jax.random.normal(ks[5], (2 * HID, HID), dtype=jnp.float32) * (1.0 / np.sqrt(2 * HID))
    b1u = jnp.zeros((HID,), dtype=jnp.float32)
    W2u = jax.random.normal(ks[6], (HID, HID), dtype=jnp.float32) * (1.0 / np.sqrt(HID))
    b2u = jnp.zeros((HID,), dtype=jnp.float32)
    return {"h_v": h_v, "edge_index": edge_index, "h_e": h_e,
            "W1m": W1m, "b1m": b1m, "W2m": W2m, "b2m": b2m,
            "W1u": W1u, "b1u": b1u, "W2u": W2u, "b2u": b2u}


def reference(h_v, edge_index, h_e, W1m, b1m, W2m, b2m, W1u, b1u, W2u, b2u):
    src = edge_index[0]
    dst = edge_index[1]
    h_src = jnp.take(h_v, src, axis=0)
    h_dst = jnp.take(h_v, dst, axis=0)
    message_input = jnp.concatenate([h_src, h_dst, h_e], axis=-1)
    messages = _mlp2(message_input, W1m, b1m, W2m, b2m)
    num_nodes = h_v.shape[0]
    aggregated = jax.ops.segment_sum(messages, dst, num_segments=num_nodes)
    counts = jax.ops.segment_sum(jnp.ones((dst.shape[0],), dtype=messages.dtype), dst, num_segments=num_nodes)
    aggregated = aggregated / jnp.clip(counts, 1.0, None)[:, None]
    update_input = jnp.concatenate([h_v, aggregated], axis=-1)
    h_v_updated = _mlp2(update_input, W1u, b1u, W2u, b2u)
    return h_v_updated

if __name__ == "__main__":
    import jax
    _d = setup_inputs()
    print(jax.jit(kernel)(*tuple(_d.values())))

</pallas_src>

<mosaic_0001>
#map = affine_map<(d0, d1) -> (0)>
#map1 = affine_map<(d0, d1) -> (0, 0)>
#map2 = affine_map<(d0, d1) -> (0, 0, 0)>
module attributes {stable_mosaic.version = 14 : i64} {
  func.func @_sc_body(%arg0: i32, %arg1: i32, %arg2: memref<320512xi32, #tpu.memory_space<hbm>>, %arg3: memref<320512xi32, #tpu.memory_space<hbm>>, %arg4: memref<10000x128xf32, #tpu.memory_space<hbm>>, %arg5: memref<10000x128xf32, #tpu.memory_space<hbm>>, %arg6: memref<320000x128xf32, #tpu.memory_space<hbm>>, %arg7: memref<2x10000x128xf32, #tpu.memory_space<hbm>>, %arg8: memref<512xi32, #tpu.memory_space<vmem>>, %arg9: memref<512xi32, #tpu.memory_space<vmem>>, %arg10: memref<64xi32, #tpu.memory_space<vmem>>, %arg11: memref<64x128xf32, #tpu.memory_space<vmem>>, %arg12: memref<64x128xf32, #tpu.memory_space<vmem>>, %arg13: memref<64x128xf32, #tpu.memory_space<vmem>>, %arg14: memref<64xi32, #tpu.memory_space<vmem>>, %arg15: memref<64x128xf32, #tpu.memory_space<vmem>>, %arg16: memref<64x128xf32, #tpu.memory_space<vmem>>, %arg17: memref<64x128xf32, #tpu.memory_space<vmem>>, %arg18: memref<10000x128xf32, #tpu.memory_space<vmem_shared>>, %arg19: memref<!tpu.dma_semaphore, #tpu.memory_space<semaphore_mem>>, %arg20: memref<!tpu.dma_semaphore, #tpu.memory_space<semaphore_mem>>, %arg21: memref<!tpu.dma_semaphore, #tpu.memory_space<semaphore_mem>>, %arg22: memref<!tpu.dma_semaphore, #tpu.memory_space<semaphore_mem>>, %arg23: memref<!tpu.dma_semaphore, #tpu.memory_space<semaphore_mem>>, %arg24: memref<!tpu.dma_semaphore, #tpu.memory_space<semaphore_mem>>, %arg25: memref<!tpu.dma_semaphore, #tpu.memory_space<semaphore_mem>>, %arg26: memref<!tpu.dma_semaphore, #tpu.memory_space<semaphore_mem>>) attributes {dimension_semantics = [#tpu.dimension_semantics<core_parallel>, #tpu.dimension_semantics<subcore_parallel>], iteration_bounds = array<i64: 2, 16>, scalar_prefetch = 0 : i64, scratch_operands = 19 : i64, tpu.core_type = #tpu.core_type<sc_vector_subcore>, window_params = [{transform_indices = #map}, {transform_indices = #map}, {transform_indices = #map1}, {transform_indices = #map1}, {transform_indices = #map1}, {transform_indices = #map2}]} {
    %mul3A = arith.constant 2 : i32
    %mul3A_0 = arith.muli %arg1, %mul3A : i32
    %add3A = arith.addi %mul3A_0, %arg0 : i32
    %mul3A_1 = arith.constant 5000 : i32
    %mul3A_2 = arith.muli %add3A, %mul3A_1 : i32
    %jit3A = arith.constant 32 : i32
    %div3A = arith.divsi %mul3A_2, %jit3A : i32
    %sign3A = arith.constant 0 : i32
    %sign3A_3 = arith.cmpi sgt, %mul3A_2, %sign3A : i32
    %sign3A_4 = arith.extui %sign3A_3 : i1 to i32
    %sign3A_5 = arith.constant 0 : i32
    %sign3A_6 = arith.cmpi slt, %mul3A_2, %sign3A_5 : i32
    %sign3A_7 = arith.extui %sign3A_6 : i1 to i32
    %sign3A_8 = arith.subi %sign3A_4, %sign3A_7 : i32
    %sign3A_9 = arith.constant 0 : i32
    %sign3A_10 = arith.cmpi sgt, %jit3A, %sign3A_9 : i32
    %sign3A_11 = arith.extui %sign3A_10 : i1 to i32
    %sign3A_12 = arith.constant 0 : i32
    %sign3A_13 = arith.cmpi slt, %jit3A, %sign3A_12 : i32
    %sign3A_14 = arith.extui %sign3A_13 : i1 to i32
    %sign3A_15 = arith.subi %sign3A_11, %sign3A_14 : i32
    %ne3A = arith.cmpi ne, %sign3A_8, %sign3A_15 : i32
    %rem3A = arith.remsi %mul3A_2, %jit3A : i32
    %ne3A_16 = arith.constant 0 : i32
    %ne3A_17 = arith.cmpi ne, %rem3A, %ne3A_16 : i32
    %and3A = arith.andi %ne3A, %ne3A_17 : i1
    %sub3A = arith.constant 1 : i32
    %sub3A_18 = arith.subi %div3A, %sub3A : i32
    %select_n3A = arith.select %and3A, %sub3A_18, %div3A : i32
    %add3A_19 = arith.constant 1 : i32
    %add3A_20 = arith.addi %add3A, %add3A_19 : i32
    %mul3A_21 = arith.constant 5000 : i32
    %mul3A_22 = arith.muli %add3A_20, %mul3A_21 : i32
    %jit3A_23 = arith.constant 32 : i32
    %div3A_24 = arith.divsi %mul3A_22, %jit3A_23 : i32
    %sign3A_25 = arith.constant 0 : i32
    %sign3A_26 = arith.cmpi sgt, %mul3A_22, %sign3A_25 : i32
    %sign3A_27 = arith.extui %sign3A_26 : i1 to i32
    %sign3A_28 = arith.constant 0 : i32
    %sign3A_29 = arith.cmpi slt, %mul3A_22, %sign3A_28 : i32
    %sign3A_30 = arith.extui %sign3A_29 : i1 to i32
    %sign3A_31 = arith.subi %sign3A_27, %sign3A_30 : i32
    %sign3A_32 = arith.constant 0 : i32
    %sign3A_33 = arith.cmpi sgt, %jit3A_23, %sign3A_32 : i32
    %sign3A_34 = arith.extui %sign3A_33 : i1 to i32
    %sign3A_35 = arith.constant 0 : i32
    %sign3A_36 = arith.cmpi slt, %jit3A_23, %sign3A_35 : i32
    %sign3A_37 = arith.extui %sign3A_36 : i1 to i32
    %sign3A_38 = arith.subi %sign3A_34, %sign3A_37 : i32
    %ne3A_39 = arith.cmpi ne, %sign3A_31, %sign3A_38 : i32
    %rem3A_40 = arith.remsi %mul3A_22, %jit3A_23 : i32
    %ne3A_41 = arith.constant 0 : i32
    %ne3A_42 = arith.cmpi ne, %rem3A_40, %ne3A_41 : i32
    %and3A_43 = arith.andi %ne3A_39, %ne3A_42 : i1
    %sub3A_44 = arith.constant 1 : i32
    %sub3A_45 = arith.subi %div3A_24, %sub3A_44 : i32
    %select_n3A_46 = arith.select %and3A_43, %sub3A_45, %div3A_24 : i32
    %sub3A_47 = arith.subi %select_n3A_46, %select_n3A : i32
    %broadcast_in_dim3A = arith.constant 0.000000e+00 : f32
    %broadcast_in_dim3A_48 = vector.broadcast %broadcast_in_dim3A : f32 to vector<16xf32>
    %scan3A = arith.constant 0 : i32
    %scan3A_49 = arith.constant 64 : i32
    %scan3A_50 = arith.addi %scan3A, %scan3A_49 : i32
    %scan3A_51 = arith.constant 1 : i32
    scf.for %scan3A_197 = %scan3A to %scan3A_50 step %scan3A_51  : i32 {
      %mul3A_198 = arith.constant 1 : i32
      %mul3A_199 = arith.muli %scan3A_197, %mul3A_198 : i32
      %add3A_200 = arith.constant 0 : i32
      %add3A_201 = arith.addi %add3A_200, %mul3A_199 : i32
      %swap3A_202 = arith.index_cast %add3A_201 : i32 to index
      %swap3A_203 = arith.constant 0 : index
      %swap3A_204 = tpu.vector_load %arg11[%swap3A_202, %swap3A_203] {strides = array<i32>} : memref<64x128xf32, #tpu.memory_space<vmem>>, vector<1x16xf32>,
      %swap3A_205 = vector.shape_cast %swap3A_204 : vector<1x16xf32> to vector<16xf32>
      %swap3A_206 = vector.shape_cast %broadcast_in_dim3A_48 : vector<16xf32> to vector<1x16xf32>
      tpu.vector_store %arg11[%swap3A_202, %swap3A_203], %swap3A_206 {strides = array<i32>} : memref<64x128xf32, #tpu.memory_space<vmem>>, vector<1x16xf32>,
      %swap3A_207 = arith.index_cast %add3A_201 : i32 to index
      %swap3A_208 = arith.constant 16 : index
      %swap3A_209 = tpu.vector_load %arg11[%swap3A_207, %swap3A_208] {strides = array<i32>} : memref<64x128xf32, #tpu.memory_space<vmem>>, vector<1x16xf32>,
      %swap3A_210 = vector.shape_cast %swap3A_209 : vector<1x16xf32> to vector<16xf32>
      %swap3A_211 = vector.shape_cast %broadcast_in_dim3A_48 : vector<16xf32> to vector<1x16xf32>
      tpu.vector_store %arg11[%swap3A_207, %swap3A_208], %swap3A_211 {strides = array<i32>} : memref<64x128xf32, #tpu.memory_space<vmem>>, vector<1x16xf32>,
      %swap3A_212 = arith.index_cast %add3A_201 : i32 to index
      %swap3A_213 = arith.constant 32 : index
      %swap3A_214 = tpu.vector_load %arg11[%swap3A_212, %swap3A_213] {strides = array<i32>} : memref<64x128xf32, #tpu.memory_space<vmem>>, vector<1x16xf32>,
      %swap3A_215 = vector.shape_cast %swap3A_214 : vector<1x16xf32> to vector<16xf32>
      %swap3A_216 = vector.shape_cast %broadcast_in_dim3A_48 : vector<16xf32> to vector<1x16xf32>
      tpu.vector_store %arg11[%swap3A_212, %swap3A_213], %swap3A_216 {strides = array<i32>} : memref<64x128xf32, #tpu.memory_space<vmem>>, vector<1x16xf32>,
      %swap3A_217 = arith.index_cast %add3A_201 : i32 to index
      %swap3A_218 = arith.constant 48 : index
      %swap3A_219 = tpu.vector_load %arg11[%swap3A_217, %swap3A_218] {strides = array<i32>} : memref<64x128xf32, #tpu.memory_space<vmem>>, vector<1x16xf32>,
      %swap3A_220 = vector.shape_cast %swap3A_219 : vector<1x16xf32> to vector<16xf32>
      %swap3A_221 = vector.shape_cast %broadcast_in_dim3A_48 : vector<16xf32> to vector<1x16xf32>
      tpu.vector_store %arg11[%swap3A_217, %swap3A_218], %swap3A_221 {strides = array<i32>} : memref<64x128xf32, #tpu.memory_space<vmem>>, vector<1x16xf32>,
      %swap3A_222 = arith.index_cast %add3A_201 : i32 to index
      %swap3A_223 = arith.constant 64 : index
      %swap3A_224 = tpu.vector_load %arg11[%swap3A_222, %swap3A_223] {strides = array<i32>} : memref<64x128xf32, #tpu.memory_space<vmem>>, vector<1x16xf32>,
      %swap3A_225 = vector.shape_cast %swap3A_224 : vector<1x16xf32> to vector<16xf32>
      %swap3A_226 = vector.shape_cast %broadcast_in_dim3A_48 : vector<16xf32> to vector<1x16xf32>
      tpu.vector_store %arg11[%swap3A_222, %swap3A_223], %swap3A_226 {strides = array<i32>} : memref<64x128xf32, #tpu.memory_space<vmem>>, vector<1x16xf32>,
      %swap3A_227 = arith.index_cast %add3A_201 : i32 to index
      %swap3A_228 = arith.constant 80 : index
      %swap3A_229 = tpu.vector_load %arg11[%swap3A_227, %swap3A_228] {strides = array<i32>} : memref<64x128xf32, #tpu.memory_space<vmem>>, vector<1x16xf32>,
      %swap3A_230 = vector.shape_cast %swap3A_229 : vector<1x16xf32> to vector<16xf32>
      %swap3A_231 = vector.shape_cast %broadcast_in_dim3A_48 : vector<16xf32> to vector<1x16xf32>
      tpu.vector_store %arg11[%swap3A_227, %swap3A_228], %swap3A_231 {strides = array<i32>} : memref<64x128xf32, #tpu.memory_space<vmem>>, vector<1x16xf32>,
      %swap3A_232 = arith.index_cast %add3A_201 : i32 to index
      %swap3A_233 = arith.constant 96 : index
      %swap3A_234 = tpu.vector_load %arg11[%swap3A_232, %swap3A_233] {strides = array<i32>} : memref<64x128xf32, #tpu.memory_space<vmem>>, vector<1x16xf32>,
      %swap3A_235 = vector.shape_cast %swap3A_234 : vector<1x16xf32> to vector<16xf32>
      %swap3A_236 = vector.shape_cast %broadcast_in_dim3A_48 : vector<16xf32> to vector<1x16xf32>
      tpu.vector_store %arg11[%swap3A_232, %swap3A_233], %swap3A_236 {strides = array<i32>} : memref<64x128xf32, #tpu.memory_space<vmem>>, vector<1x16xf32>,
      %swap3A_237 = arith.index_cast %add3A_201 : i32 to index
      %swap3A_238 = arith.constant 112 : index
      %swap3A_239 = tpu.vector_load %arg11[%swap3A_237, %swap3A_238] {strides = array<i32>} : memref<64x128xf32, #tpu.memory_space<vmem>>, vector<1x16xf32>,
      %swap3A_240 = vector.shape_cast %swap3A_239 : vector<1x16xf32> to vector<16xf32>
      %swap3A_241 = vector.shape_cast %broadcast_in_dim3A_48 : vector<16xf32> to vector<1x16xf32>
      tpu.vector_store %arg11[%swap3A_237, %swap3A_238], %swap3A_241 {strides = array<i32>} : memref<64x128xf32, #tpu.memory_space<vmem>>, vector<1x16xf32>,
    }
    %scan3A_52 = arith.constant 64 : i32
    %mul3A_53 = arith.constant 624 : i32
    %mul3A_54 = arith.muli %arg1, %mul3A_53 : i32
    %add3A_55 = arith.constant 0 : i32
    %add3A_56 = arith.addi %mul3A_54, %add3A_55 : i32
    "tpu.region"() ({
      %run_scoped3A = tpu.sem_alloc : memref<!tpu.dma_semaphore, #tpu.memory_space<semaphore_mem>>
      %dma_start3A_197 = arith.constant 0 : i32
      %dma_start3A_198 = tpu.memref_slice %arg18[%add3A_56, %dma_start3A_197] : memref<10000x128xf32, #tpu.memory_space<vmem_shared>> -> memref<64x128xf32, #tpu.memory_space<vmem_shared>>
      %dma_start3A_199 = arith.constant 0 : i32
      %dma_start3A_200 = tpu.memref_slice %arg18[%add3A_56, %dma_start3A_199] : memref<10000x128xf32, #tpu.memory_space<vmem_shared>> -> memref<64x128xf32, #tpu.memory_space<vmem_shared>>
      tpu.enqueue_dma source(%arg11 : memref<64x128xf32, #tpu.memory_space<vmem>>) target(%dma_start3A_200 : memref<64x128xf32, #tpu.memory_space<vmem_shared>>) target_semaphore(%run_scoped3A : memref<!tpu.dma_semaphore, #tpu.memory_space<semaphore_mem>>)
      %dma_wait3A_201 = arith.constant 0 : i32
      %dma_wait3A_202 = tpu.memref_slice %arg18[%add3A_56, %dma_wait3A_201] : memref<10000x128xf32, #tpu.memory_space<vmem_shared>> -> memref<64x128xf32, #tpu.memory_space<vmem_shared>>
      %dma_wait3A_203 = arith.constant 0 : i32
      %dma_wait3A_204 = tpu.memref_slice %arg18[%add3A_56, %dma_wait3A_203] : memref<10000x128xf32, #tpu.memory_space<vmem_shared>> -> memref<64x128xf32, #tpu.memory_space<vmem_shared>>
      tpu.wait_dma2 semaphore(%run_scoped3A : memref<!tpu.dma_semaphore, #tpu.memory_space<semaphore_mem>>) src(%arg11 : memref<64x128xf32, #tpu.memory_space<vmem>>) dst(%dma_wait3A_204 : memref<64x128xf32, #tpu.memory_space<vmem_shared>>)
      tpu.yield
    }) : () -> ()
    %add3A_57 = arith.constant 64 : i32
    %add3A_58 = arith.addi %mul3A_54, %add3A_57 : i32
    "tpu.region"() ({
      %run_scoped3A = tpu.sem_alloc : memref<!tpu.dma_semaphore, #tpu.memory_space<semaphore_mem>>
      %dma_start3A_197 = arith.constant 0 : i32
      %dma_start3A_198 = tpu.memref_slice %arg18[%add3A_58, %dma_start3A_197] : memref<10000x128xf32, #tpu.memory_space<vmem_shared>> -> memref<64x128xf32, #tpu.memory_space<vmem_shared>>
      %dma_start3A_199 = arith.constant 0 : i32
      %dma_start3A_200 = tpu.memref_slice %arg18[%add3A_58, %dma_start3A_199] : memref<10000x128xf32, #tpu.memory_space<vmem_shared>> -> memref<64x128xf32, #tpu.memory_space<vmem_shared>>
      tpu.enqueue_dma source(%arg11 : memref<64x128xf32, #tpu.memory_space<vmem>>) target(%dma_start3A_200 : memref<64x128xf32, #tpu.memory_space<vmem_shared>>) target_semaphore(%run_scoped3A : memref<!tpu.dma_semaphore, #tpu.memory_space<semaphore_mem>>)
      %dma_wait3A_201 = arith.constant 0 : i32
      %dma_wait3A_202 = tpu.memref_slice %arg18[%add3A_58, %dma_wait3A_201] : memref<10000x128xf32, #tpu.memory_space<vmem_shared>> -> memref<64x128xf32, #tpu.memory_space<vmem_shared>>
      %dma_wait3A_203 = arith.constant 0 : i32
      %dma_wait3A_204 = tpu.memref_slice %arg18[%add3A_58, %dma_wait3A_203] : memref<10000x128xf32, #tpu.memory_space<vmem_shared>> -> memref<64x128xf32, #tpu.memory_space<vmem_shared>>
      tpu.wait_dma2 semaphore(%run_scoped3A : memref<!tpu.dma_semaphore, #tpu.memory_space<semaphore_mem>>) src(%arg11 : memref<64x128xf32, #tpu.memory_space<vmem>>) dst(%dma_wait3A_204 : memref<64x128xf32, #tpu.memory_space<vmem_shared>>)
      tpu.yield
    }) : () -> ()
    %add3A_59 = arith.constant 128 : i32
    %add3A_60 = arith.addi %mul3A_54, %add3A_59 : i32
    "tpu.region"() ({
      %run_scoped3A = tpu.sem_alloc : memref<!tpu.dma_semaphore, #tpu.memory_space<semaphore_mem>>
      %dma_start3A_197 = arith.constant 0 : i32
      %dma_start3A_198 = tpu.memref_slice %arg18[%add3A_60, %dma_start3A_197] : memref<10000x128xf32, #tpu.memory_space<vmem_shared>> -> memref<64x128xf32, #tpu.memory_space<vmem_shared>>
      %dma_start3A_199 = arith.constant 0 : i32
      %dma_start3A_200 = tpu.memref_slice %arg18[%add3A_60, %dma_start3A_199] : memref<10000x128xf32, #tpu.memory_space<vmem_shared>> -> memref<64x128xf32, #tpu.memory_space<vmem_shared>>
      tpu.enqueue_dma source(%arg11 : memref<64x128xf32, #tpu.memory_space<vmem>>) target(%dma_start3A_200 : memref<64x128xf32, #tpu.memory_space<vmem_shared>>) target_semaphore(%run_scoped3A : memref<!tpu.dma_semaphore, #tpu.memory_space<semaphore_mem>>)
      %dma_wait3A_201 = arith.constant 0 : i32
      %dma_wait3A_202 = tpu.memref_slice %arg18[%add3A_60, %dma_wait3A_201] : memref<10000x128xf32, #tpu.memory_space<vmem_shared>> -> memref<64x128xf32, #tpu.memory_space<vmem_shared>>
      %dma_wait3A_203 = arith.constant 0 : i32
      %dma_wait3A_204 = tpu.memref_slice %arg18[%add3A_60, %dma_wait3A_203] : memref<10000x128xf32, #tpu.memory_space<vmem_shared>> -> memref<64x128xf32, #tpu.memory_space<vmem_shared>>
      tpu.wait_dma2 semaphore(%run_scoped3A : memref<!tpu.dma_semaphore, #tpu.memory_space<semaphore_mem>>) src(%arg11 : memref<64x128xf32, #tpu.memory_space<vmem>>) dst(%dma_wait3A_204 : memref<64x128xf32, #tpu.memory_space<vmem_shared>>)
      tpu.yield
    }) : () -> ()
    %add3A_61 = arith.constant 192 : i32
    %add3A_62 = arith.addi %mul3A_54, %add3A_61 : i32
    "tpu.region"() ({
      %run_scoped3A = tpu.sem_alloc : memref<!tpu.dma_semaphore, #tpu.memory_space<semaphore_mem>>
      %dma_start3A_197 = arith.constant 0 : i32
      %dma_start3A_198 = tpu.memref_slice %arg18[%add3A_62, %dma_start3A_197] : memref<10000x128xf32, #tpu.memory_space<vmem_shared>> -> memref<64x128xf32, #tpu.memory_space<vmem_shared>>
      %dma_start3A_199 = arith.constant 0 : i32
      %dma_start3A_200 = tpu.memref_slice %arg18[%add3A_62, %dma_start3A_199] : memref<10000x128xf32, #tpu.memory_space<vmem_shared>> -> memref<64x128xf32, #tpu.memory_space<vmem_shared>>
      tpu.enqueue_dma source(%arg11 : memref<64x128xf32, #tpu.memory_space<vmem>>) target(%dma_start3A_200 : memref<64x128xf32, #tpu.memory_space<vmem_shared>>) target_semaphore(%run_scoped3A : memref<!tpu.dma_semaphore, #tpu.memory_space<semaphore_mem>>)
      %dma_wait3A_201 = arith.constant 0 : i32
      %dma_wait3A_202 = tpu.memref_slice %arg18[%add3A_62, %dma_wait3A_201] : memref<10000x128xf32, #tpu.memory_space<vmem_shared>> -> memref<64x128xf32, #tpu.memory_space<vmem_shared>>
      %dma_wait3A_203 = arith.constant 0 : i32
      %dma_wait3A_204 = tpu.memref_slice %arg18[%add3A_62, %dma_wait3A_203] : memref<10000x128xf32, #tpu.memory_space<vmem_shared>> -> memref<64x128xf32, #tpu.memory_space<vmem_shared>>
      tpu.wait_dma2 semaphore(%run_scoped3A : memref<!tpu.dma_semaphore, #tpu.memory_space<semaphore_mem>>) src(%arg11 : memref<64x128xf32, #tpu.memory_space<vmem>>) dst(%dma_wait3A_204 : memref<64x128xf32, #tpu.memory_space<vmem_shared>>)
      tpu.yield
    }) : () -> ()
    %add3A_63 = arith.constant 256 : i32
    %add3A_64 = arith.addi %mul3A_54, %add3A_63 : i32
    "tpu.region"() ({
      %run_scoped3A = tpu.sem_alloc : memref<!tpu.dma_semaphore, #tpu.memory_space<semaphore_mem>>
      %dma_start3A_197 = arith.constant 0 : i32
      %dma_start3A_198 = tpu.memref_slice %arg18[%add3A_64, %dma_start3A_197] : memref<10000x128xf32, #tpu.memory_space<vmem_shared>> -> memref<64x128xf32, #tpu.memory_space<vmem_shared>>
      %dma_start3A_199 = arith.constant 0 : i32
      %dma_start3A_200 = tpu.memref_slice %arg18[%add3A_64, %dma_start3A_199] : memref<10000x128xf32, #tpu.memory_space<vmem_shared>> -> memref<64x128xf32, #tpu.memory_space<vmem_shared>>
      tpu.enqueue_dma source(%arg11 : memref<64x128xf32, #tpu.memory_space<vmem>>) target(%dma_start3A_200 : memref<64x128xf32, #tpu.memory_space<vmem_shared>>) target_semaphore(%run_scoped3A : memref<!tpu.dma_semaphore, #tpu.memory_space<semaphore_mem>>)
      %dma_wait3A_201 = arith.constant 0 : i32
      %dma_wait3A_202 = tpu.memref_slice %arg18[%add3A_64, %dma_wait3A_201] : memref<10000x128xf32, #tpu.memory_space<vmem_shared>> -> memref<64x128xf32, #tpu.memory_space<vmem_shared>>
      %dma_wait3A_203 = arith.constant 0 : i32
      %dma_wait3A_204 = tpu.memref_slice %arg18[%add3A_64, %dma_wait3A_203] : memref<10000x128xf32, #tpu.memory_space<vmem_shared>> -> memref<64x128xf32, #tpu.memory_space<vmem_shared>>
      tpu.wait_dma2 semaphore(%run_scoped3A : memref<!tpu.dma_semaphore, #tpu.memory_space<semaphore_mem>>) src(%arg11 : memref<64x128xf32, #tpu.memory_space<vmem>>) dst(%dma_wait3A_204 : memref<64x128xf32, #tpu.memory_space<vmem_shared>>)
      tpu.yield
    }) : () -> ()
    %add3A_65 = arith.constant 320 : i32
    %add3A_66 = arith.addi %mul3A_54, %add3A_65 : i32
    "tpu.region"() ({
      %run_scoped3A = tpu.sem_alloc : memref<!tpu.dma_semaphore, #tpu.memory_space<semaphore_mem>>
      %dma_start3A_197 = arith.constant 0 : i32
      %dma_start3A_198 = tpu.memref_slice %arg18[%add3A_66, %dma_start3A_197] : memref<10000x128xf32, #tpu.memory_space<vmem_shared>> -> memref<64x128xf32, #tpu.memory_space<vmem_shared>>
      %dma_start3A_199 = arith.constant 0 : i32
      %dma_start3A_200 = tpu.memref_slice %arg18[%add3A_66, %dma_start3A_199] : memref<10000x128xf32, #tpu.memory_space<vmem_shared>> -> memref<64x128xf32, #tpu.memory_space<vmem_shared>>
      tpu.enqueue_dma source(%arg11 : memref<64x128xf32, #tpu.memory_space<vmem>>) target(%dma_start3A_200 : memref<64x128xf32, #tpu.memory_space<vmem_shared>>) target_semaphore(%run_scoped3A : memref<!tpu.dma_semaphore, #tpu.memory_space<semaphore_mem>>)
      %dma_wait3A_201 = arith.constant 0 : i32
      %dma_wait3A_202 = tpu.memref_slice %arg18[%add3A_66, %dma_wait3A_201] : memref<10000x128xf32, #tpu.memory_space<vmem_shared>> -> memref<64x128xf32, #tpu.memory_space<vmem_shared>>
      %dma_wait3A_203 = arith.constant 0 : i32
      %dma_wait3A_204 = tpu.memref_slice %arg18[%add3A_66, %dma_wait3A_203] : memref<10000x128xf32, #tpu.memory_space<vmem_shared>> -> memref<64x128xf32, #tpu.memory_space<vmem_shared>>
      tpu.wait_dma2 semaphore(%run_scoped3A : memref<!tpu.dma_semaphore, #tpu.memory_space<semaphore_mem>>) src(%arg11 : memref<64x128xf32, #tpu.memory_space<vmem>>) dst(%dma_wait3A_204 : memref<64x128xf32, #tpu.memory_space<vmem_shared>>)
      tpu.yield
    }) : () -> ()
    %add3A_67 = arith.constant 384 : i32
    %add3A_68 = arith.addi %mul3A_54, %add3A_67 : i32
    "tpu.region"() ({
      %run_scoped3A = tpu.sem_alloc : memref<!tpu.dma_semaphore, #tpu.memory_space<semaphore_mem>>
      %dma_start3A_197 = arith.constant 0 : i32
      %dma_start3A_198 = tpu.memref_slice %arg18[%add3A_68, %dma_start3A_197] : memref<10000x128xf32, #tpu.memory_space<vmem_shared>> -> memref<64x128xf32, #tpu.memory_space<vmem_shared>>
      %dma_start3A_199 = arith.constant 0 : i32
      %dma_start3A_200 = tpu.memref_slice %arg18[%add3A_68, %dma_start3A_199] : memref<10000x128xf32, #tpu.memory_space<vmem_shared>> -> memref<64x128xf32, #tpu.memory_space<vmem_shared>>
      tpu.enqueue_dma source(%arg11 : memref<64x128xf32, #tpu.memory_space<vmem>>) target(%dma_start3A_200 : memref<64x128xf32, #tpu.memory_space<vmem_shared>>) target_semaphore(%run_scoped3A : memref<!tpu.dma_semaphore, #tpu.memory_space<semaphore_mem>>)
      %dma_wait3A_201 = arith.constant 0 : i32
      %dma_wait3A_202 = tpu.memref_slice %arg18[%add3A_68, %dma_wait3A_201] : memref<10000x128xf32, #tpu.memory_space<vmem_shared>> -> memref<64x128xf32, #tpu.memory_space<vmem_shared>>
      %dma_wait3A_203 = arith.constant 0 : i32
      %dma_wait3A_204 = tpu.memref_slice %arg18[%add3A_68, %dma_wait3A_203] : memref<10000x128xf32, #tpu.memory_space<vmem_shared>> -> memref<64x128xf32, #tpu.memory_space<vmem_shared>>
      tpu.wait_dma2 semaphore(%run_scoped3A : memref<!tpu.dma_semaphore, #tpu.memory_space<semaphore_mem>>) src(%arg11 : memref<64x128xf32, #tpu.memory_space<vmem>>) dst(%dma_wait3A_204 : memref<64x128xf32, #tpu.memory_space<vmem_shared>>)
      tpu.yield
    }) : () -> ()
    %add3A_69 = arith.constant 448 : i32
    %add3A_70 = arith.addi %mul3A_54, %add3A_69 : i32
    "tpu.region"() ({
      %run_scoped3A = tpu.sem_alloc : memref<!tpu.dma_semaphore, #tpu.memory_space<semaphore_mem>>
      %dma_start3A_197 = arith.constant 0 : i32
      %dma_start3A_198 = tpu.memref_slice %arg18[%add3A_70, %dma_start3A_197] : memref<10000x128xf32, #tpu.memory_space<vmem_shared>> -> memref<64x128xf32, #tpu.memory_space<vmem_shared>>
      %dma_start3A_199 = arith.constant 0 : i32
      %dma_start3A_200 = tpu.memref_slice %arg18[%add3A_70, %dma_start3A_199] : memref<10000x128xf32, #tpu.memory_space<vmem_shared>> -> memref<64x128xf32, #tpu.memory_space<vmem_shared>>
      tpu.enqueue_dma source(%arg11 : memref<64x128xf32, #tpu.memory_space<vmem>>) target(%dma_start3A_200 : memref<64x128xf32, #tpu.memory_space<vmem_shared>>) target_semaphore(%run_scoped3A : memref<!tpu.dma_semaphore, #tpu.memory_space<semaphore_mem>>)
      %dma_wait3A_201 = arith.constant 0 : i32
      %dma_wait3A_202 = tpu.memref_slice %arg18[%add3A_70, %dma_wait3A_201] : memref<10000x128xf32, #tpu.memory_space<vmem_shared>> -> memref<64x128xf32, #tpu.memory_space<vmem_shared>>
      %dma_wait3A_203 = arith.constant 0 : i32
      %dma_wait3A_204 = tpu.memref_slice %arg18[%add3A_70, %dma_wait3A_203] : memref<10000x128xf32, #tpu.memory_space<vmem_shared>> -> memref<64x128xf32, #tpu.memory_space<vmem_shared>>
      tpu.wait_dma2 semaphore(%run_scoped3A : memref<!tpu.dma_semaphore, #tpu.memory_space<semaphore_mem>>) src(%arg11 : memref<64x128xf32, #tpu.memory_space<vmem>>) dst(%dma_wait3A_204 : memref<64x128xf32, #tpu.memory_space<vmem_shared>>)
      tpu.yield
    }) : () -> ()
    %add3A_71 = arith.constant 512 : i32
    %add3A_72 = arith.addi %mul3A_54, %add3A_71 : i32
    "tpu.region"() ({
      %run_scoped3A = tpu.sem_alloc : memref<!tpu.dma_semaphore, #tpu.memory_space<semaphore_mem>>
      %dma_start3A_197 = arith.constant 0 : i32
      %dma_start3A_198 = tpu.memref_slice %arg18[%add3A_72, %dma_start3A_197] : memref<10000x128xf32, #tpu.memory_space<vmem_shared>> -> memref<64x128xf32, #tpu.memory_space<vmem_shared>>
      %dma_start3A_199 = arith.constant 0 : i32
      %dma_start3A_200 = tpu.memref_slice %arg18[%add3A_72, %dma_start3A_199] : memref<10000x128xf32, #tpu.memory_space<vmem_shared>> -> memref<64x128xf32, #tpu.memory_space<vmem_shared>>
      tpu.enqueue_dma source(%arg11 : memref<64x128xf32, #tpu.memory_space<vmem>>) target(%dma_start3A_200 : memref<64x128xf32, #tpu.memory_space<vmem_shared>>) target_semaphore(%run_scoped3A : memref<!tpu.dma_semaphore, #tpu.memory_space<semaphore_mem>>)
      %dma_wait3A_201 = arith.constant 0 : i32
      %dma_wait3A_202 = tpu.memref_slice %arg18[%add3A_72, %dma_wait3A_201] : memref<10000x128xf32, #tpu.memory_space<vmem_shared>> -> memref<64x128xf32, #tpu.memory_space<vmem_shared>>
      %dma_wait3A_203 = arith.constant 0 : i32
      %dma_wait3A_204 = tpu.memref_slice %arg18[%add3A_72, %dma_wait3A_203] : memref<10000x128xf32, #tpu.memory_space<vmem_shared>> -> memref<64x128xf32, #tpu.memory_space<vmem_shared>>
      tpu.wait_dma2 semaphore(%run_scoped3A : memref<!tpu.dma_semaphore, #tpu.memory_space<semaphore_mem>>) src(%arg11 : memref<64x128xf32, #tpu.memory_space<vmem>>) dst(%dma_wait3A_204 : memref<64x128xf32, #tpu.memory_space<vmem_shared>>)
      tpu.yield
    }) : () -> ()
    %add3A_73 = arith.constant 576 : i32
    %add3A_74 = arith.addi %mul3A_54, %add3A_73 : i32
    "tpu.region"() ({
      %run_scoped3A = tpu.sem_alloc : memref<!tpu.dma_semaphore, #tpu.memory_space<semaphore_mem>>
      %dma_start3A_197 = arith.constant 0 : i32
      %dma_start3A_198 = tpu.memref_slice %arg18[%add3A_74, %dma_start3A_197] : memref<10000x128xf32, #tpu.memory_space<vmem_shared>> -> memref<64x128xf32, #tpu.memory_space<vmem_shared>>
      %dma_start3A_199 = arith.constant 0 : i32
      %dma_start3A_200 = tpu.memref_slice %arg18[%add3A_74, %dma_start3A_199] : memref<10000x128xf32, #tpu.memory_space<vmem_shared>> -> memref<64x128xf32, #tpu.memory_space<vmem_shared>>
      tpu.enqueue_dma source(%arg11 : memref<64x128xf32, #tpu.memory_space<vmem>>) target(%dma_start3A_200 : memref<64x128xf32, #tpu.memory_space<vmem_shared>>) target_semaphore(%run_scoped3A : memref<!tpu.dma_semaphore, #tpu.memory_space<semaphore_mem>>)
      %dma_wait3A_201 = arith.constant 0 : i32
      %dma_wait3A_202 = tpu.memref_slice %arg18[%add3A_74, %dma_wait3A_201] : memref<10000x128xf32, #tpu.memory_space<vmem_shared>> -> memref<64x128xf32, #tpu.memory_space<vmem_shared>>
      %dma_wait3A_203 = arith.constant 0 : i32
      %dma_wait3A_204 = tpu.memref_slice %arg18[%add3A_74, %dma_wait3A_203] : memref<10000x128xf32, #tpu.memory_space<vmem_shared>> -> memref<64x128xf32, #tpu.memory_space<vmem_shared>>
      tpu.wait_dma2 semaphore(%run_scoped3A : memref<!tpu.dma_semaphore, #tpu.memory_space<semaphore_mem>>) src(%arg11 : memref<64x128xf32, #tpu.memory_space<vmem>>) dst(%dma_wait3A_204 : memref<64x128xf32, #tpu.memory_space<vmem_shared>>)
      tpu.yield
    }) : () -> ()
    %barrier3A = arith.constant 0 : index
    tpu.barrier barrier_id(%barrier3A)
    %ge3A = arith.constant 0 : i32
    %ge3A_75 = arith.constant 2 : i32
    %ge3A_76 = arith.cmpi sge, %ge3A, %ge3A_75 : i32
    %convert_element_type3A = arith.extui %ge3A_76 : i1 to i32
    %cond3A = arith.constant 0 : i32
    %cond3A_77 = arith.cmpi ne, %convert_element_type3A, %cond3A : i32
    scf.if %cond3A_77 {
      %dma_wait3A_197 = arith.constant 0 : i32
      %dma_wait3A_198 = arith.constant 0 : i32
      %dma_wait3A_199 = tpu.memref_slice %arg18[%dma_wait3A_197, %dma_wait3A_198] : memref<10000x128xf32, #tpu.memory_space<vmem_shared>> -> memref<10000x128xf32, #tpu.memory_space<vmem_shared>>
      tpu.wait_indirect_dma semaphore(%arg25 : memref<!tpu.dma_semaphore, #tpu.memory_space<semaphore_mem>>) src(%arg13 : memref<64x128xf32, #tpu.memory_space<vmem>>) dst(%dma_wait3A_199 : memref<10000x128xf32, #tpu.memory_space<vmem_shared>>)
    } else {
    }
    %jit3A_78 = arith.constant 0 : i32
    %jit3A_79 = arith.constant 8 : i32
    %eq3A = arith.constant 0 : i32
    %eq3A_80 = arith.cmpi eq, %jit3A_79, %eq3A : i32
    %jit3A_81 = arith.constant 1 : i32
    %select_n3A_82 = arith.select %eq3A_80, %jit3A_81, %jit3A_79 : i32
    %rem3A_83 = arith.remsi %jit3A_78, %select_n3A_82 : i32
    %ne3A_84 = arith.constant 0 : i32
    %ne3A_85 = arith.cmpi ne, %rem3A_83, %ne3A_84 : i32
    %lt3A = arith.constant 0 : i32
    %lt3A_86 = arith.cmpi slt, %rem3A_83, %lt3A : i32
    %lt3A_87 = arith.constant 0 : i32
    %lt3A_88 = arith.cmpi slt, %select_n3A_82, %lt3A_87 : i32
    %ne3A_89 = arith.xori %lt3A_86, %lt3A_88 : i1
    %and3A_90 = arith.andi %ne3A_89, %ne3A_85 : i1
    %add3A_91 = arith.addi %rem3A_83, %select_n3A_82 : i32
    %select_n3A_92 = arith.select %and3A_90, %add3A_91, %rem3A_83 : i32
    %eq3A_93 = arith.constant 0 : i32
    %eq3A_94 = arith.cmpi eq, %select_n3A_92, %eq3A_93 : i32
    %convert_element_type3A_95 = arith.extui %eq3A_94 : i1 to i32
    %cond3A_96 = arith.constant 0 : i32
    %cond3A_97 = arith.constant 0 : i32
    %cond3A_98 = arith.cmpi ne, %convert_element_type3A_95, %cond3A_97 : i32
    scf.if %cond3A_98 {
      %add3A_197 = arith.addi %select_n3A, %cond3A_96 : i32
      %mul3A_198 = arith.constant 64 : i32
      %mul3A_199 = arith.muli %add3A_197, %mul3A_198 : i32
      "tpu.region"() ({
        %run_scoped3A = tpu.sem_alloc : memref<!tpu.dma_semaphore, #tpu.memory_space<semaphore_mem>>
        %dma_start3A_200 = tpu.memref_slice %arg2[%mul3A_199] : memref<320512xi32, #tpu.memory_space<hbm>> -> memref<512xi32, #tpu.memory_space<hbm>>
        %dma_start3A_201 = tpu.memref_slice %arg2[%mul3A_199] : memref<320512xi32, #tpu.memory_space<hbm>> -> memref<512xi32, #tpu.memory_space<hbm>>
        tpu.enqueue_dma source(%dma_start3A_201 : memref<512xi32, #tpu.memory_space<hbm>>) target(%arg8 : memref<512xi32, #tpu.memory_space<vmem>>) target_semaphore(%run_scoped3A : memref<!tpu.dma_semaphore, #tpu.memory_space<semaphore_mem>>)
        %dma_wait3A_202 = tpu.memref_slice %arg2[%mul3A_199] : memref<320512xi32, #tpu.memory_space<hbm>> -> memref<512xi32, #tpu.memory_space<hbm>>
        %dma_wait3A_203 = tpu.memref_slice %arg2[%mul3A_199] : memref<320512xi32, #tpu.memory_space<hbm>> -> memref<512xi32, #tpu.memory_space<hbm>>
        tpu.wait_dma2 semaphore(%run_scoped3A : memref<!tpu.dma_semaphore, #tpu.memory_space<semaphore_mem>>) src(%dma_wait3A_203 : memref<512xi32, #tpu.memory_space<hbm>>) dst(%arg8 : memref<512xi32, #tpu.memory_space<vmem>>)
        tpu.yield
      }) : () -> ()
      "tpu.region"() ({
        %run_scoped3A = tpu.sem_alloc : memref<!tpu.dma_semaphore, #tpu.memory_space<semaphore_mem>>
        %dma_start3A_200 = tpu.memref_slice %arg3[%mul3A_199] : memref<320512xi32, #tpu.memory_space<hbm>> -> memref<512xi32, #tpu.memory_space<hbm>>
        %dma_start3A_201 = tpu.memref_slice %arg3[%mul3A_199] : memref<320512xi32, #tpu.memory_space<hbm>> -> memref<512xi32, #tpu.memory_space<hbm>>
        tpu.enqueue_dma source(%dma_start3A_201 : memref<512xi32, #tpu.memory_space<hbm>>) target(%arg9 : memref<512xi32, #tpu.memory_space<vmem>>) target_semaphore(%run_scoped3A : memref<!tpu.dma_semaphore, #tpu.memory_space<semaphore_mem>>)
        %dma_wait3A_202 = tpu.memref_slice %arg3[%mul3A_199] : memref<320512xi32, #tpu.memory_space<hbm>> -> memref<512xi32, #tpu.memory_space<hbm>>
        %dma_wait3A_203 = tpu.memref_slice %arg3[%mul3A_199] : memref<320512xi32, #tpu.memory_space<hbm>> -> memref<512xi32, #tpu.memory_space<hbm>>
        tpu.wait_dma2 semaphore(%run_scoped3A : memref<!tpu.dma_semaphore, #tpu.memory_space<semaphore_mem>>) src(%dma_wait3A_203 : memref<512xi32, #tpu.memory_space<hbm>>) dst(%arg9 : memref<512xi32, #tpu.memory_space<vmem>>)
        tpu.yield
      }) : () -> ()
    } else {
    }
    %add3A_99 = arith.constant 0 : i32
    %add3A_100 = arith.addi %select_n3A, %add3A_99 : i32
    %mul3A_101 = arith.constant 64 : i32
    %mul3A_102 = arith.muli %add3A_100, %mul3A_101 : i32
    %jit3A_103 = arith.constant 0 : i32
    %jit3A_104 = arith.constant 8 : i32
    %eq3A_105 = arith.constant 0 : i32
    %eq3A_106 = arith.cmpi eq, %jit3A_104, %eq3A_105 : i32
    %jit3A_107 = arith.constant 1 : i32
    %select_n3A_108 = arith.select %eq3A_106, %jit3A_107, %jit3A_104 : i32
    %rem3A_109 = arith.remsi %jit3A_103, %select_n3A_108 : i32
    %ne3A_110 = arith.constant 0 : i32
    %ne3A_111 = arith.cmpi ne, %rem3A_109, %ne3A_110 : i32
    %lt3A_112 = arith.constant 0 : i32
    %lt3A_113 = arith.cmpi slt, %rem3A_109, %lt3A_112 : i32
    %lt3A_114 = arith.constant 0 : i32
    %lt3A_115 = arith.cmpi slt, %select_n3A_108, %lt3A_114 : i32
    %ne3A_116 = arith.xori %lt3A_113, %lt3A_115 : i1
    %and3A_117 = arith.andi %ne3A_116, %ne3A_111 : i1
    %add3A_118 = arith.addi %rem3A_109, %select_n3A_108 : i32
    %select_n3A_119 = arith.select %and3A_117, %add3A_118, %rem3A_109 : i32
    %mul3A_120 = arith.constant 64 : i32
    %mul3A_121 = arith.muli %select_n3A_119, %mul3A_120 : i32
    %add3A_122 = arith.constant 0 : i32
    %add3A_123 = arith.addi %mul3A_121, %add3A_122 : i32
    %get3A = arith.index_cast %add3A_123 : i32 to index
    %get3A_124 = tpu.vector_load %arg9[%get3A] {strides = array<i32>} : memref<512xi32, #tpu.memory_space<vmem>>, vector<16xi32>,
    %get3A_125 = vector.shape_cast %get3A_124 : vector<16xi32> to vector<16xi32>
    %swap3A = arith.constant 0 : index
    %swap3A_126 = tpu.vector_load %arg10[%swap3A] {strides = array<i32>} : memref<64xi32, #tpu.memory_space<vmem>>, vector<16xi32>,
    %swap3A_127 = vector.shape_cast %swap3A_126 : vector<16xi32> to vector<16xi32>
    %swap3A_128 = vector.shape_cast %get3A_125 : vector<16xi32> to vector<16xi32>
    tpu.vector_store %arg10[%swap3A], %swap3A_128 {strides = array<i32>} : memref<64xi32, #tpu.memory_space<vmem>>, vector<16xi32>,
    %add3A_129 = arith.constant 16 : i32
    %add3A_130 = arith.addi %mul3A_121, %add3A_129 : i32
    %get3A_131 = arith.index_cast %add3A_130 : i32 to index
    %get3A_132 = tpu.vector_load %arg9[%get3A_131] {strides = array<i32>} : memref<512xi32, #tpu.memory_space<vmem>>, vector<16xi32>,
    %get3A_133 = vector.shape_cast %get3A_132 : vector<16xi32> to vector<16xi32>
    %swap3A_134 = arith.constant 16 : index
    %swap3A_135 = tpu.vector_load %arg10[%swap3A_134] {strides = array<i32>} : memref<64xi32, #tpu.memory_space<vmem>>, vector<16xi32>,
    %swap3A_136 = vector.shape_cast %swap3A_135 : vector<16xi32> to vector<16xi32>
    %swap3A_137 = vector.shape_cast %get3A_133 : vector<16xi32> to vector<16xi32>
    tpu.vector_store %arg10[%swap3A_134], %swap3A_137 {strides = array<i32>} : memref<64xi32, #tpu.memory_space<vmem>>, vector<16xi32>,
    %add3A_138 = arith.constant 32 : i32
    %add3A_139 = arith.addi %mul3A_121, %add3A_138 : i32
    %get3A_140 = arith.index_cast %add3A_139 : i32 to index
    %get3A_141 = tpu.vector_load %arg9[%get3A_140] {strides = array<i32>} : memref<512xi32, #tpu.memory_space<vmem>>, vector<16xi32>,
    %get3A_142 = vector.shape_cast %get3A_141 : vector<16xi32> to vector<16xi32>
    %swap3A_143 = arith.constant 32 : index
    %swap3A_144 = tpu.vector_load %arg10[%swap3A_143] {strides = array<i32>} : memref<64xi32, #tpu.memory_space<vmem>>, vector<16xi32>,
    %swap3A_145 = vector.shape_cast %swap3A_144 : vector<16xi32> to vector<16xi32>
    %swap3A_146 = vector.shape_cast %get3A_142 : vector<16xi32> to vector<16xi32>
    tpu.vector_store %arg10[%swap3A_143], %swap3A_146 {strides = array<i32>} : memref<64xi32, #tpu.memory_space<vmem>>, vector<16xi32>,
    %add3A_147 = arith.constant 48 : i32
    %add3A_148 = arith.addi %mul3A_121, %add3A_147 : i32
    %get3A_149 = arith.index_cast %add3A_148 : i32 to index
    %get3A_150 = tpu.vector_load %arg9[%get3A_149] {strides = array<i32>} : memref<512xi32, #tpu.memory_space<vmem>>, vector<16xi32>,
    %get3A_151 = vector.shape_cast %get3A_150 : vector<16xi32> to vector<16xi32>
    %swap3A_152 = arith.constant 48 : index
    %swap3A_153 = tpu.vector_load %arg10[%swap3A_152] {strides = array<i32>} : memref<64xi32, #tpu.memory_space<vmem>>, vector<16xi32>,
    %swap3A_154 = vector.shape_cast %swap3A_153 : vector<16xi32> to vector<16xi32>
    %swap3A_155 = vector.shape_cast %get3A_151 : vector<16xi32> to vector<16xi32>
    tpu.vector_store %arg10[%swap3A_152], %swap3A_155 {strides = array<i32>} : memref<64xi32, #tpu.memory_space<vmem>>, vector<16xi32>,
    %dma_start3A = tpu.memref_slice %arg8[%mul3A_121] : memref<512xi32, #tpu.memory_space<vmem>> -> memref<64xi32, #tpu.memory_space<vmem>>
    %dma_start3A_156 = arith.constant 0 : i32
    %dma_start3A_157 = arith.constant 0 : i32
    %dma_start3A_158 = tpu.memref_slice %arg4[%dma_start3A_156, %dma_start3A_157] : memref<10000x128xf32, #tpu.memory_space<hbm>> -> memref<10000x128xf32, #tpu.memory_space<hbm>>
    tpu.enqueue_indirect_dma source(%dma_start3A_158 : memref<10000x128xf32, #tpu.memory_space<hbm>>) target(%arg11 : memref<64x128xf32, #tpu.memory_space<vmem>>) offsets(%dma_start3A : memref<64xi32, #tpu.memory_space<vmem>>) semaphore(%arg19 : memref<!tpu.dma_semaphore, #tpu.memory_space<semaphore_mem>>)
    %dma_start3A_159 = arith.constant 0 : i32
    %dma_start3A_160 = arith.constant 0 : i32
    %dma_start3A_161 = tpu.memref_slice %arg5[%dma_start3A_159, %dma_start3A_160] : memref<10000x128xf32, #tpu.memory_space<hbm>> -> memref<10000x128xf32, #tpu.memory_space<hbm>>
    tpu.enqueue_indirect_dma source(%dma_start3A_161 : memref<10000x128xf32, #tpu.memory_space<hbm>>) target(%arg12 : memref<64x128xf32, #tpu.memory_space<vmem>>) offsets(%arg10 : memref<64xi32, #tpu.memory_space<vmem>>) semaphore(%arg20 : memref<!tpu.dma_semaphore, #tpu.memory_space<semaphore_mem>>)
    %dma_start3A_162 = arith.constant 0 : i32
    %dma_start3A_163 = tpu.memref_slice %arg6[%mul3A_102, %dma_start3A_162] : memref<320000x128xf32, #tpu.memory_space<hbm>> -> memref<64x128xf32, #tpu.memory_space<hbm>>
    %dma_start3A_164 = arith.constant 0 : i32
    %dma_start3A_165 = tpu.memref_slice %arg6[%mul3A_102, %dma_start3A_164] : memref<320000x128xf32, #tpu.memory_space<hbm>> -> memref<64x128xf32, #tpu.memory_space<hbm>>
    tpu.enqueue_dma source(%dma_start3A_165 : memref<64x128xf32, #tpu.memory_space<hbm>>) target(%arg13 : memref<64x128xf32, #tpu.memory_space<vmem>>) target_semaphore(%arg21 : memref<!tpu.dma_semaphore, #tpu.memory_space<semaphore_mem>>)
    %scan3A_166 = arith.constant 0 : i32
    %scan3A_167 = arith.constant 79 : i32
    %scan3A_168 = arith.addi %scan3A_166, %scan3A_167 : i32
    %scan3A_169 = arith.constant 1 : i32
    scf.for %scan3A_197 = %scan3A_166 to %scan3A_168 step %scan3A_169  : i32 {
      %mul3A_198 = arith.constant 1 : i32
      %mul3A_199 = arith.muli %scan3A_197, %mul3A_198 : i32
      %add3A_200 = arith.constant 0 : i32
      %add3A_201 = arith.addi %add3A_200, %mul3A_199 : i32
      %mul3A_202 = arith.constant 2 : i32
      %mul3A_203 = arith.muli %add3A_201, %mul3A_202 : i32
      %add3A_204 = arith.constant 0 : i32
      %add3A_205 = arith.addi %mul3A_203, %add3A_204 : i32
      %lt3A_206 = arith.cmpi slt, %add3A_205, %sub3A_47 : i32
      %convert_element_type3A_207 = arith.extui %lt3A_206 : i1 to i32
      %cond3A_208 = arith.constant 0 : i32
      %cond3A_209 = arith.cmpi ne, %convert_element_type3A_207, %cond3A_208 : i32
      scf.if %cond3A_209 {
        %dma_wait3A_218 = arith.constant 0 : i32
        %dma_wait3A_219 = arith.constant 0 : i32
        %dma_wait3A_220 = tpu.memref_slice %arg4[%dma_wait3A_218, %dma_wait3A_219] : memref<10000x128xf32, #tpu.memory_space<hbm>> -> memref<10000x128xf32, #tpu.memory_space<hbm>>
        tpu.wait_indirect_dma semaphore(%arg19 : memref<!tpu.dma_semaphore, #tpu.memory_space<semaphore_mem>>) src(%dma_wait3A_220 : memref<10000x128xf32, #tpu.memory_space<hbm>>) dst(%arg11 : memref<64x128xf32, #tpu.memory_space<vmem>>)
        %dma_wait3A_221 = arith.constant 0 : i32
        %dma_wait3A_222 = arith.constant 0 : i32
        %dma_wait3A_223 = tpu.memref_slice %arg5[%dma_wait3A_221, %dma_wait3A_222] : memref<10000x128xf32, #tpu.memory_space<hbm>> -> memref<10000x128xf32, #tpu.memory_space<hbm>>
        tpu.wait_indirect_dma semaphore(%arg20 : memref<!tpu.dma_semaphore, #tpu.memory_space<semaphore_mem>>) src(%dma_wait3A_223 : memref<10000x128xf32, #tpu.memory_space<hbm>>) dst(%arg12 : memref<64x128xf32, #tpu.memory_space<vmem>>)
        %dma_wait3A_224 = arith.constant 0 : i32
        %dma_wait3A_225 = arith.constant 0 : i32
        %dma_wait3A_226 = tpu.memref_slice %arg6[%dma_wait3A_224, %dma_wait3A_225] : memref<320000x128xf32, #tpu.memory_space<hbm>> -> memref<64x128xf32, #tpu.memory_space<hbm>>
        %dma_wait3A_227 = arith.constant 0 : i32
        %dma_wait3A_228 = arith.constant 0 : i32
        %dma_wait3A_229 = tpu.memref_slice %arg6[%dma_wait3A_227, %dma_wait3A_228] : memref<320000x128xf32, #tpu.memory_space<hbm>> -> memref<64x128xf32, #tpu.memory_space<hbm>>
        tpu.wait_dma2 semaphore(%arg21 : memref<!tpu.dma_semaphore, #tpu.memory_space<semaphore_mem>>) src(%dma_wait3A_229 : memref<64x128xf32, #tpu.memory_space<hbm>>) dst(%arg13 : memref<64x128xf32, #tpu.memory_space<vmem>>)
        %add3A_230 = arith.constant 1 : i32
        %add3A_231 = arith.addi %add3A_205, %add3A_230 : i32
        %lt3A_232 = arith.cmpi slt, %add3A_231, %sub3A_47 : i32
        %convert_element_type3A_233 = arith.extui %lt3A_232 : i1 to i32
        %cond3A_234 = arith.constant 0 : i32
        %cond3A_235 = arith.cmpi ne, %convert_element_type3A_233, %cond3A_234 : i32
        scf.if %cond3A_235 {
          %add3A_244 = arith.constant 1 : i32
          %add3A_245 = arith.addi %add3A_205, %add3A_244 : i32
          %ge3A_246 = arith.constant 2 : i32
          %ge3A_247 = arith.cmpi sge, %add3A_245, %ge3A_246 : i32
          %convert_element_type3A_248 = arith.extui %ge3A_247 : i1 to i32
          %cond3A_249 = arith.constant 0 : i32
          %cond3A_250 = arith.cmpi ne, %convert_element_type3A_248, %cond3A_249 : i32
          scf.if %cond3A_250 {
            %dma_wait3A_340 = arith.constant 0 : i32
            %dma_wait3A_341 = arith.constant 0 : i32
            %dma_wait3A_342 = tpu.memref_slice %arg18[%dma_wait3A_340, %dma_wait3A_341] : memref<10000x128xf32, #tpu.memory_space<vmem_shared>> -> memref<10000x128xf32, #tpu.memory_space<vmem_shared>>
            tpu.wait_indirect_dma semaphore(%arg26 : memref<!tpu.dma_semaphore, #tpu.memory_space<semaphore_mem>>) src(%arg17 : memref<64x128xf32, #tpu.memory_space<vmem>>) dst(%dma_wait3A_342 : memref<10000x128xf32, #tpu.memory_space<vmem_shared>>)
          } else {
          }
          %jit3A_251 = arith.constant 8 : i32
          %eq3A_252 = arith.constant 0 : i32
          %eq3A_253 = arith.cmpi eq, %jit3A_251, %eq3A_252 : i32
          %jit3A_254 = arith.constant 1 : i32
          %select_n3A_255 = arith.select %eq3A_253, %jit3A_254, %jit3A_251 : i32
          %rem3A_256 = arith.remsi %add3A_245, %select_n3A_255 : i32
          %ne3A_257 = arith.constant 0 : i32
          %ne3A_258 = arith.cmpi ne, %rem3A_256, %ne3A_257 : i32
          %lt3A_259 = arith.constant 0 : i32
          %lt3A_260 = arith.cmpi slt, %rem3A_256, %lt3A_259 : i32
          %lt3A_261 = arith.constant 0 : i32
          %lt3A_262 = arith.cmpi slt, %select_n3A_255, %lt3A_261 : i32
          %ne3A_263 = arith.xori %lt3A_260, %lt3A_262 : i1
          %and3A_264 = arith.andi %ne3A_263, %ne3A_258 : i1
          %add3A_265 = arith.addi %rem3A_256, %select_n3A_255 : i32
          %select_n3A_266 = arith.select %and3A_264, %add3A_265, %rem3A_256 : i32
          %eq3A_267 = arith.constant 0 : i32
          %eq3A_268 = arith.cmpi eq, %select_n3A_266, %eq3A_267 : i32
          %convert_element_type3A_269 = arith.extui %eq3A_268 : i1 to i32
          %cond3A_270 = arith.constant 0 : i32
          %cond3A_271 = arith.cmpi ne, %convert_element_type3A_269, %cond3A_270 : i32
          scf.if %cond3A_271 {
            %add3A_340 = arith.addi %select_n3A, %add3A_245 : i32
            %mul3A_341 = arith.constant 64 : i32
            %mul3A_342 = arith.muli %add3A_340, %mul3A_341 : i32
            "tpu.region"() ({
              %run_scoped3A = tpu.sem_alloc : memref<!tpu.dma_semaphore, #tpu.memory_space<semaphore_mem>>
              %dma_start3A_343 = tpu.memref_slice %arg2[%mul3A_342] : memref<320512xi32, #tpu.memory_space<hbm>> -> memref<512xi32, #tpu.memory_space<hbm>>
              %dma_start3A_344 = tpu.memref_slice %arg2[%mul3A_342] : memref<320512xi32, #tpu.memory_space<hbm>> -> memref<512xi32, #tpu.memory_space<hbm>>
              tpu.enqueue_dma source(%dma_start3A_344 : memref<512xi32, #tpu.memory_space<hbm>>) target(%arg8 : memref<512xi32, #tpu.memory_space<vmem>>) target_semaphore(%run_scoped3A : memref<!tpu.dma_semaphore, #tpu.memory_space<semaphore_mem>>)
              %dma_wait3A_345 = tpu.memref_slice %arg2[%mul3A_342] : memref<320512xi32, #tpu.memory_space<hbm>> -> memref<512xi32, #tpu.memory_space<hbm>>
              %dma_wait3A_346 = tpu.memref_slice %arg2[%mul3A_342] : memref<320512xi32, #tpu.memory_space<hbm>> -> memref<512xi32, #tpu.memory_space<hbm>>
              tpu.wait_dma2 semaphore(%run_scoped3A : memref<!tpu.dma_semaphore, #tpu.memory_space<semaphore_mem>>) src(%dma_wait3A_346 : memref<512xi32, #tpu.memory_space<hbm>>) dst(%arg8 : memref<512xi32, #tpu.memory_space<vmem>>)
              tpu.yield
            }) : () -> ()
            "tpu.region"() ({
              %run_scoped3A = tpu.sem_alloc : memref<!tpu.dma_semaphore, #tpu.memory_space<semaphore_mem>>
              %dma_start3A_343 = tpu.memref_slice %arg3[%mul3A_342] : memref<320512xi32, #tpu.memory_space<hbm>> -> memref<512xi32, #tpu.memory_space<hbm>>
              %dma_start3A_344 = tpu.memref_slice %arg3[%mul3A_342] : memref<320512xi32, #tpu.memory_space<hbm>> -> memref<512xi32, #tpu.memory_space<hbm>>
              tpu.enqueue_dma source(%dma_start3A_344 : memref<512xi32, #tpu.memory_space<hbm>>) target(%arg9 : memref<512xi32, #tpu.memory_space<vmem>>) target_semaphore(%run_scoped3A : memref<!tpu.dma_semaphore, #tpu.memory_space<semaphore_mem>>)
              %dma_wait3A_345 = tpu.memref_slice %arg3[%mul3A_342] : memref<320512xi32, #tpu.memory_space<hbm>> -> memref<512xi32, #tpu.memory_space<hbm>>
              %dma_wait3A_346 = tpu.memref_slice %arg3[%mul3A_342] : memref<320512xi32, #tpu.memory_space<hbm>> -> memref<512xi32, #tpu.memory_space<hbm>>
              tpu.wait_dma2 semaphore(%run_scoped3A : memref<!tpu.dma_semaphore, #tpu.memory_space<semaphore_mem>>) src(%dma_wait3A_346 : memref<512xi32, #tpu.memory_space<hbm>>) dst(%arg9 : memref<512xi32, #tpu.memory_space<vmem>>)
              tpu.yield
            }) : () -> ()
          } else {
          }
          %add3A_272 = arith.addi %select_n3A, %add3A_245 : i32
          %mul3A_273 = arith.constant 64 : i32
          %mul3A_274 = arith.muli %add3A_272, %mul3A_273 : i32
          %jit3A_275 = arith.constant 8 : i32
          %eq3A_276 = arith.constant 0 : i32
          %eq3A_277 = arith.cmpi eq, %jit3A_275, %eq3A_276 : i32
          %jit3A_278 = arith.constant 1 : i32
          %select_n3A_279 = arith.select %eq3A_277, %jit3A_278, %jit3A_275 : i32
          %rem3A_280 = arith.remsi %add3A_245, %select_n3A_279 : i32
          %ne3A_281 = arith.constant 0 : i32
          %ne3A_282 = arith.cmpi ne, %rem3A_280, %ne3A_281 : i32
          %lt3A_283 = arith.constant 0 : i32
          %lt3A_284 = arith.cmpi slt, %rem3A_280, %lt3A_283 : i32
          %lt3A_285 = arith.constant 0 : i32
          %lt3A_286 = arith.cmpi slt, %select_n3A_279, %lt3A_285 : i32
          %ne3A_287 = arith.xori %lt3A_284, %lt3A_286 : i1
          %and3A_288 = arith.andi %ne3A_287, %ne3A_282 : i1
          %add3A_289 = arith.addi %rem3A_280, %select_n3A_279 : i32
          %select_n3A_290 = arith.select %and3A_288, %add3A_289, %rem3A_280 : i32
          %mul3A_291 = arith.constant 64 : i32
          %mul3A_292 = arith.muli %select_n3A_290, %mul3A_291 : i32
          %add3A_293 = arith.constant 0 : i32
          %add3A_294 = arith.addi %mul3A_292, %add3A_293 : i32
          %get3A_295 = arith.index_cast %add3A_294 : i32 to index
          %get3A_296 = tpu.vector_load %arg9[%get3A_295] {strides = array<i32>} : memref<512xi32, #tpu.memory_space<vmem>>, vector<16xi32>,
          %get3A_297 = vector.shape_cast %get3A_296 : vector<16xi32> to vector<16xi32>
          %swap3A_298 = arith.constant 0 : index
          %swap3A_299 = tpu.vector_load %arg14[%swap3A_298] {strides = array<i32>} : memref<64xi32, #tpu.memory_space<vmem>>, vector<16xi32>,
          %swap3A_300 = vector.shape_cast %swap3A_299 : vector<16xi32> to vector<16xi32>
          %swap3A_301 = vector.shape_cast %get3A_297 : vector<16xi32> to vector<16xi32>
          tpu.vector_store %arg14[%swap3A_298], %swap3A_301 {strides = array<i32>} : memref<64xi32, #tpu.memory_space<vmem>>, vector<16xi32>,
          %add3A_302 = arith.constant 16 : i32
          %add3A_303 = arith.addi %mul3A_292, %add3A_302 : i32
          %get3A_304 = arith.index_cast %add3A_303 : i32 to index
          %get3A_305 = tpu.vector_load %arg9[%get3A_304] {strides = array<i32>} : memref<512xi32, #tpu.memory_space<vmem>>, vector<16xi32>,
          %get3A_306 = vector.shape_cast %get3A_305 : vector<16xi32> to vector<16xi32>
          %swap3A_307 = arith.constant 16 : index
          %swap3A_308 = tpu.vector_load %arg14[%swap3A_307] {strides = array<i32>} : memref<64xi32, #tpu.memory_space<vmem>>, vector<16xi32>,
          %swap3A_309 = vector.shape_cast %swap3A_308 : vector<16xi32> to vector<16xi32>
          %swap3A_310 = vector.shape_cast %get3A_306 : vector<16xi32> to vector<16xi32>
          tpu.vector_store %arg14[%swap3A_307], %swap3A_310 {strides = array<i32>} : memref<64xi32, #tpu.memory_space<vmem>>, vector<16xi32>,
          %add3A_311 = arith.constant 32 : i32
          %add3A_312 = arith.addi %mul3A_292, %add3A_311 : i32
          %get3A_313 = arith.index_cast %add3A_312 : i32 to index
          %get3A_314 = tpu.vector_load %arg9[%get3A_313] {strides = array<i32>} : memref<512xi32, #tpu.memory_space<vmem>>, vector<16xi32>,
          %get3A_315 = vector.shape_cast %get3A_314 : vector<16xi32> to vector<16xi32>
          %swap3A_316 = arith.constant 32 : index
          %swap3A_317 = tpu.vector_load %arg14[%swap3A_316] {strides = array<i32>} : memref<64xi32, #tpu.memory_space<vmem>>, vector<16xi32>,
          %swap3A_318 = vector.shape_cast %swap3A_317 : vector<16xi32> to vector<16xi32>
          %swap3A_319 = vector.shape_cast %get3A_315 : vector<16xi32> to vector<16xi32>
          tpu.vector_store %arg14[%swap3A_316], %swap3A_319 {strides = array<i32>} : memref<64xi32, #tpu.memory_space<vmem>>, vector<16xi32>,
          %add3A_320 = arith.constant 48 : i32
          %add3A_321 = arith.addi %mul3A_292, %add3A_320 : i32
          %get3A_322 = arith.index_cast %add3A_321 : i32 to index
          %get3A_323 = tpu.vector_load %arg9[%get3A_322] {strides = array<i32>} : memref<512xi32, #tpu.memory_space<vmem>>, vector<16xi32>,
          %get3A_324 = vector.shape_cast %get3A_323 : vector<16xi32> to vector<16xi32>
          %swap3A_325 = arith.constant 48 : index
          %swap3A_326 = tpu.vector_load %arg14[%swap3A_325] {strides = array<i32>} : memref<64xi32, #tpu.memory_space<vmem>>, vector<16xi32>,
          %swap3A_327 = vector.shape_cast %swap3A_326 : vector<16xi32> to vector<16xi32>
          %swap3A_328 = vector.shape_cast %get3A_324 : vector<16xi32> to vector<16xi32>
          tpu.vector_store %arg14[%swap3A_325], %swap3A_328 {strides = array<i32>} : memref<64xi32, #tpu.memory_space<vmem>>, vector<16xi32>,
          %dma_start3A_329 = tpu.memref_slice %arg8[%mul3A_292] : memref<512xi32, #tpu.memory_space<vmem>> -> memref<64xi32, #tpu.memory_space<vmem>>
          %dma_start3A_330 = arith.constant 0 : i32
          %dma_start3A_331 = arith.constant 0 : i32
          %dma_start3A_332 = tpu.memref_slice %arg4[%dma_start3A_330, %dma_start3A_331] : memref<10000x128xf32, #tpu.memory_space<hbm>> -> memref<10000x128xf32, #tpu.memory_space<hbm>>
          tpu.enqueue_indirect_dma source(%dma_start3A_332 : memref<10000x128xf32, #tpu.memory_space<hbm>>) target(%arg15 : memref<64x128xf32, #tpu.memory_space<vmem>>) offsets(%dma_start3A_329 : memref<64xi32, #tpu.memory_space<vmem>>) semaphore(%arg22 : memref<!tpu.dma_semaphore, #tpu.memory_space<semaphore_mem>>)
          %dma_start3A_333 = arith.constant 0 : i32
          %dma_start3A_334 = arith.constant 0 : i32
          %dma_start3A_335 = tpu.memref_slice %arg5[%dma_start3A_333, %dma_start3A_334] : memref<10000x128xf32, #tpu.memory_space<hbm>> -> memref<10000x128xf32, #tpu.memory_space<hbm>>
          tpu.enqueue_indirect_dma source(%dma_start3A_335 : memref<10000x128xf32, #tpu.memory_space<hbm>>) target(%arg16 : memref<64x128xf32, #tpu.memory_space<vmem>>) offsets(%arg14 : memref<64xi32, #tpu.memory_space<vmem>>) semaphore(%arg23 : memref<!tpu.dma_semaphore, #tpu.memory_space<semaphore_mem>>)
          %dma_start3A_336 = arith.constant 0 : i32
          %dma_start3A_337 = tpu.memref_slice %arg6[%mul3A_274, %dma_start3A_336] : memref<320000x128xf32, #tpu.memory_space<hbm>> -> memref<64x128xf32, #tpu.memory_space<hbm>>
          %dma_start3A_338 = arith.constant 0 : i32
          %dma_start3A_339 = tpu.memref_slice %arg6[%mul3A_274, %dma_start3A_338] : memref<320000x128xf32, #tpu.memory_space<hbm>> -> memref<64x128xf32, #tpu.memory_space<hbm>>
          tpu.enqueue_dma source(%dma_start3A_339 : memref<64x128xf32, #tpu.memory_space<hbm>>) target(%arg17 : memref<64x128xf32, #tpu.memory_space<vmem>>) target_semaphore(%arg24 : memref<!tpu.dma_semaphore, #tpu.memory_space<semaphore_mem>>)
        } else {
        }
        %scan3A_236 = arith.constant 0 : i32
        %scan3A_237 = arith.constant 64 : i32
        %scan3A_238 = arith.addi %scan3A_236, %scan3A_237 : i32
        %scan3A_239 = arith.constant 1 : i32
        scf.for %scan3A_244 = %scan3A_236 to %scan3A_238 step %scan3A_239  : i32 {
          %mul3A_245 = arith.constant 1 : i32
          %mul3A_246 = arith.muli %scan3A_244, %mul3A_245 : i32
          %add3A_247 = arith.constant 0 : i32
          %add3A_248 = arith.addi %add3A_247, %mul3A_246 : i32
          %get3A_249 = arith.index_cast %add3A_248 : i32 to index
          %get3A_250 = arith.constant 0 : index
          %get3A_251 = tpu.vector_load %arg11[%get3A_249, %get3A_250] {strides = array<i32>} : memref<64x128xf32, #tpu.memory_space<vmem>>, vector<1x16xf32>,
          %get3A_252 = vector.shape_cast %get3A_251 : vector<1x16xf32> to vector<16xf32>
          %get3A_253 = arith.index_cast %add3A_248 : i32 to index
          %get3A_254 = arith.constant 0 : index
          %get3A_255 = tpu.vector_load %arg12[%get3A_253, %get3A_254] {strides = array<i32>} : memref<64x128xf32, #tpu.memory_space<vmem>>, vector<1x16xf32>,
          %get3A_256 = vector.shape_cast %get3A_255 : vector<1x16xf32> to vector<16xf32>
          %add3A_257 = arith.addf %get3A_252, %get3A_256 : vector<16xf32>
          %get3A_258 = arith.index_cast %add3A_248 : i32 to index
          %get3A_259 = arith.constant 0 : index
          %get3A_260 = tpu.vector_load %arg13[%get3A_258, %get3A_259] {strides = array<i32>} : memref<64x128xf32, #tpu.memory_space<vmem>>, vector<1x16xf32>,
          %get3A_261 = vector.shape_cast %get3A_260 : vector<1x16xf32> to vector<16xf32>
          %add3A_262 = arith.addf %add3A_257, %get3A_261 : vector<16xf32>
          %max3A = arith.constant 0.000000e+00 : f32
          %max3A_263 = vector.broadcast %max3A : f32 to vector<16xf32>
          %max3A_264 = arith.maximumf %add3A_262, %max3A_263 : vector<16xf32>
          %swap3A_265 = arith.index_cast %add3A_248 : i32 to index
          %swap3A_266 = arith.constant 0 : index
          %swap3A_267 = tpu.vector_load %arg13[%swap3A_265, %swap3A_266] {strides = array<i32>} : memref<64x128xf32, #tpu.memory_space<vmem>>, vector<1x16xf32>,
          %swap3A_268 = vector.shape_cast %swap3A_267 : vector<1x16xf32> to vector<16xf32>
          %swap3A_269 = vector.shape_cast %max3A_264 : vector<16xf32> to vector<1x16xf32>
          tpu.vector_store %arg13[%swap3A_265, %swap3A_266], %swap3A_269 {strides = array<i32>} : memref<64x128xf32, #tpu.memory_space<vmem>>, vector<1x16xf32>,
          %get3A_270 = arith.index_cast %add3A_248 : i32 to index
          %get3A_271 = arith.constant 16 : index
          %get3A_272 = tpu.vector_load %arg11[%get3A_270, %get3A_271] {strides = array<i32>} : memref<64x128xf32, #tpu.memory_space<vmem>>, vector<1x16xf32>,
          %get3A_273 = vector.shape_cast %get3A_272 : vector<1x16xf32> to vector<16xf32>
          %get3A_274 = arith.index_cast %add3A_248 : i32 to index
          %get3A_275 = arith.constant 16 : index
          %get3A_276 = tpu.vector_load %arg12[%get3A_274, %get3A_275] {strides = array<i32>} : memref<64x128xf32, #tpu.memory_space<vmem>>, vector<1x16xf32>,
          %get3A_277 = vector.shape_cast %get3A_276 : vector<1x16xf32> to vector<16xf32>
          %add3A_278 = arith.addf %get3A_273, %get3A_277 : vector<16xf32>
          %get3A_279 = arith.index_cast %add3A_248 : i32 to index
          %get3A_280 = arith.constant 16 : index
          %get3A_281 = tpu.vector_load %arg13[%get3A_279, %get3A_280] {strides = array<i32>} : memref<64x128xf32, #tpu.memory_space<vmem>>, vector<1x16xf32>,
          %get3A_282 = vector.shape_cast %get3A_281 : vector<1x16xf32> to vector<16xf32>
          %add3A_283 = arith.addf %add3A_278, %get3A_282 : vector<16xf32>
          %max3A_284 = arith.constant 0.000000e+00 : f32
          %max3A_285 = vector.broadcast %max3A_284 : f32 to vector<16xf32>
          %max3A_286 = arith.maximumf %add3A_283, %max3A_285 : vector<16xf32>
          %swap3A_287 = arith.index_cast %add3A_248 : i32 to index
          %swap3A_288 = arith.constant 16 : index
          %swap3A_289 = tpu.vector_load %arg13[%swap3A_287, %swap3A_288] {strides = array<i32>} : memref<64x128xf32, #tpu.memory_space<vmem>>, vector<1x16xf32>,
          %swap3A_290 = vector.shape_cast %swap3A_289 : vector<1x16xf32> to vector<16xf32>
          %swap3A_291 = vector.shape_cast %max3A_286 : vector<16xf32> to vector<1x16xf32>
          tpu.vector_store %arg13[%swap3A_287, %swap3A_288], %swap3A_291 {strides = array<i32>} : memref<64x128xf32, #tpu.memory_space<vmem>>, vector<1x16xf32>,
          %get3A_292 = arith.index_cast %add3A_248 : i32 to index
          %get3A_293 = arith.constant 32 : index
          %get3A_294 = tpu.vector_load %arg11[%get3A_292, %get3A_293] {strides = array<i32>} : memref<64x128xf32, #tpu.memory_space<vmem>>, vector<1x16xf32>,
          %get3A_295 = vector.shape_cast %get3A_294 : vector<1x16xf32> to vector<16xf32>
          %get3A_296 = arith.index_cast %add3A_248 : i32 to index
          %get3A_297 = arith.constant 32 : index
          %get3A_298 = tpu.vector_load %arg12[%get3A_296, %get3A_297] {strides = array<i32>} : memref<64x128xf32, #tpu.memory_space<vmem>>, vector<1x16xf32>,
          %get3A_299 = vector.shape_cast %get3A_298 : vector<1x16xf32> to vector<16xf32>
          %add3A_300 = arith.addf %get3A_295, %get3A_299 : vector<16xf32>
          %get3A_301 = arith.index_cast %add3A_248 : i32 to index
          %get3A_302 = arith.constant 32 : index
          %get3A_303 = tpu.vector_load %arg13[%get3A_301, %get3A_302] {strides = array<i32>} : memref<64x128xf32, #tpu.memory_space<vmem>>, vector<1x16xf32>,
          %get3A_304 = vector.shape_cast %get3A_303 : vector<1x16xf32> to vector<16xf32>
          %add3A_305 = arith.addf %add3A_300, %get3A_304 : vector<16xf32>
          %max3A_306 = arith.constant 0.000000e+00 : f32
          %max3A_307 = vector.broadcast %max3A_306 : f32 to vector<16xf32>
          %max3A_308 = arith.maximumf %add3A_305, %max3A_307 : vector<16xf32>
          %swap3A_309 = arith.index_cast %add3A_248 : i32 to index
          %swap3A_310 = arith.constant 32 : index
          %swap3A_311 = tpu.vector_load %arg13[%swap3A_309, %swap3A_310] {strides = array<i32>} : memref<64x128xf32, #tpu.memory_space<vmem>>, vector<1x16xf32>,
          %swap3A_312 = vector.shape_cast %swap3A_311 : vector<1x16xf32> to vector<16xf32>
          %swap3A_313 = vector.shape_cast %max3A_308 : vector<16xf32> to vector<1x16xf32>
          tpu.vector_store %arg13[%swap3A_309, %swap3A_310], %swap3A_313 {strides = array<i32>} : memref<64x128xf32, #tpu.memory_space<vmem>>, vector<1x16xf32>,
          %get3A_314 = arith.index_cast %add3A_248 : i32 to index
          %get3A_315 = arith.constant 48 : index
          %get3A_316 = tpu.vector_load %arg11[%get3A_314, %get3A_315] {strides = array<i32>} : memref<64x128xf32, #tpu.memory_space<vmem>>, vector<1x16xf32>,
          %get3A_317 = vector.shape_cast %get3A_316 : vector<1x16xf32> to vector<16xf32>
          %get3A_318 = arith.index_cast %add3A_248 : i32 to index
          %get3A_319 = arith.constant 48 : index
          %get3A_320 = tpu.vector_load %arg12[%get3A_318, %get3A_319] {strides = array<i32>} : memref<64x128xf32, #tpu.memory_space<vmem>>, vector<1x16xf32>,
          %get3A_321 = vector.shape_cast %get3A_320 : vector<1x16xf32> to vector<16xf32>
          %add3A_322 = arith.addf %get3A_317, %get3A_321 : vector<16xf32>
          %get3A_323 = arith.index_cast %add3A_248 : i32 to index
          %get3A_324 = arith.constant 48 : index
          %get3A_325 = tpu.vector_load %arg13[%get3A_323, %get3A_324] {strides = array<i32>} : memref<64x128xf32, #tpu.memory_space<vmem>>, vector<1x16xf32>,
          %get3A_326 = vector.shape_cast %get3A_325 : vector<1x16xf32> to vector<16xf32>
          %add3A_327 = arith.addf %add3A_322, %get3A_326 : vector<16xf32>
          %max3A_328 = arith.constant 0.000000e+00 : f32
          %max3A_329 = vector.broadcast %max3A_328 : f32 to vector<16xf32>
          %max3A_330 = arith.maximumf %add3A_327, %max3A_329 : vector<16xf32>
          %swap3A_331 = arith.index_cast %add3A_248 : i32 to index
          %swap3A_332 = arith.constant 48 : index
          %swap3A_333 = tpu.vector_load %arg13[%swap3A_331, %swap3A_332] {strides = array<i32>} : memref<64x128xf32, #tpu.memory_space<vmem>>, vector<1x16xf32>,
          %swap3A_334 = vector.shape_cast %swap3A_333 : vector<1x16xf32> to vector<16xf32>
          %swap3A_335 = vector.shape_cast %max3A_330 : vector<16xf32> to vector<1x16xf32>
          tpu.vector_store %arg13[%swap3A_331, %swap3A_332], %swap3A_335 {strides = array<i32>} : memref<64x128xf32, #tpu.memory_space<vmem>>, vector<1x16xf32>,
          %get3A_336 = arith.index_cast %add3A_248 : i32 to index
          %get3A_337 = arith.constant 64 : index
          %get3A_338 = tpu.vector_load %arg11[%get3A_336, %get3A_337] {strides = array<i32>} : memref<64x128xf32, #tpu.memory_space<vmem>>, vector<1x16xf32>,
          %get3A_339 = vector.shape_cast %get3A_338 : vector<1x16xf32> to vector<16xf32>
          %get3A_340 = arith.index_cast %add3A_248 : i32 to index
          %get3A_341 = arith.constant 64 : index
          %get3A_342 = tpu.vector_load %arg12[%get3A_340, %get3A_341] {strides = array<i32>} : memref<64x128xf32, #tpu.memory_space<vmem>>, vector<1x16xf32>,
          %get3A_343 = vector.shape_cast %get3A_342 : vector<1x16xf32> to vector<16xf32>
          %add3A_344 = arith.addf %get3A_339, %get3A_343 : vector<16xf32>
          %get3A_345 = arith.index_cast %add3A_248 : i32 to index
          %get3A_346 = arith.constant 64 : index
          %get3A_347 = tpu.vector_load %arg13[%get3A_345, %get3A_346] {strides = array<i32>} : memref<64x128xf32, #tpu.memory_space<vmem>>, vector<1x16xf32>,
          %get3A_348 = vector.shape_cast %get3A_347 : vector<1x16xf32> to vector<16xf32>
          %add3A_349 = arith.addf %add3A_344, %get3A_348 : vector<16xf32>
          %max3A_350 = arith.constant 0.000000e+00 : f32
          %max3A_351 = vector.broadcast %max3A_350 : f32 to vector<16xf32>
          %max3A_352 = arith.maximumf %add3A_349, %max3A_351 : vector<16xf32>
          %swap3A_353 = arith.index_cast %add3A_248 : i32 to index
          %swap3A_354 = arith.constant 64 : index
          %swap3A_355 = tpu.vector_load %arg13[%swap3A_353, %swap3A_354] {strides = array<i32>} : memref<64x128xf32, #tpu.memory_space<vmem>>, vector<1x16xf32>,
          %swap3A_356 = vector.shape_cast %swap3A_355 : vector<1x16xf32> to vector<16xf32>
          %swap3A_357 = vector.shape_cast %max3A_352 : vector<16xf32> to vector<1x16xf32>
          tpu.vector_store %arg13[%swap3A_353, %swap3A_354], %swap3A_357 {strides = array<i32>} : memref<64x128xf32, #tpu.memory_space<vmem>>, vector<1x16xf32>,
          %get3A_358 = arith.index_cast %add3A_248 : i32 to index
          %get3A_359 = arith.constant 80 : index
          %get3A_360 = tpu.vector_load %arg11[%get3A_358, %get3A_359] {strides = array<i32>} : memref<64x128xf32, #tpu.memory_space<vmem>>, vector<1x16xf32>,
          %get3A_361 = vector.shape_cast %get3A_360 : vector<1x16xf32> to vector<16xf32>
          %get3A_362 = arith.index_cast %add3A_248 : i32 to index
          %get3A_363 = arith.constant 80 : index
          %get3A_364 = tpu.vector_load %arg12[%get3A_362, %get3A_363] {strides = array<i32>} : memref<64x128xf32, #tpu.memory_space<vmem>>, vector<1x16xf32>,
          %get3A_365 = vector.shape_cast %get3A_364 : vector<1x16xf32> to vector<16xf32>
          %add3A_366 = arith.addf %get3A_361, %get3A_365 : vector<16xf32>
          %get3A_367 = arith.index_cast %add3A_248 : i32 to index
          %get3A_368 = arith.constant 80 : index
          %get3A_369 = tpu.vector_load %arg13[%get3A_367, %get3A_368] {strides = array<i32>} : memref<64x128xf32, #tpu.memory_space<vmem>>, vector<1x16xf32>,
          %get3A_370 = vector.shape_cast %get3A_369 : vector<1x16xf32> to vector<16xf32>
          %add3A_371 = arith.addf %add3A_366, %get3A_370 : vector<16xf32>
          %max3A_372 = arith.constant 0.000000e+00 : f32
          %max3A_373 = vector.broadcast %max3A_372 : f32 to vector<16xf32>
          %max3A_374 = arith.maximumf %add3A_371, %max3A_373 : vector<16xf32>
          %swap3A_375 = arith.index_cast %add3A_248 : i32 to index
          %swap3A_376 = arith.constant 80 : index
          %swap3A_377 = tpu.vector_load %arg13[%swap3A_375, %swap3A_376] {strides = array<i32>} : memref<64x128xf32, #tpu.memory_space<vmem>>, vector<1x16xf32>,
          %swap3A_378 = vector.shape_cast %swap3A_377 : vector<1x16xf32> to vector<16xf32>
          %swap3A_379 = vector.shape_cast %max3A_374 : vector<16xf32> to vector<1x16xf32>
          tpu.vector_store %arg13[%swap3A_375, %swap3A_376], %swap3A_379 {strides = array<i32>} : memref<64x128xf32, #tpu.memory_space<vmem>>, vector<1x16xf32>,
          %get3A_380 = arith.index_cast %add3A_248 : i32 to index
          %get3A_381 = arith.constant 96 : index
          %get3A_382 = tpu.vector_load %arg11[%get3A_380, %get3A_381] {strides = array<i32>} : memref<64x128xf32, #tpu.memory_space<vmem>>, vector<1x16xf32>,
          %get3A_383 = vector.shape_cast %get3A_382 : vector<1x16xf32> to vector<16xf32>
          %get3A_384 = arith.index_cast %add3A_248 : i32 to index
          %get3A_385 = arith.constant 96 : index
          %get3A_386 = tpu.vector_load %arg12[%get3A_384, %get3A_385] {strides = array<i32>} : memref<64x128xf32, #tpu.memory_space<vmem>>, vector<1x16xf32>,
          %get3A_387 = vector.shape_cast %get3A_386 : vector<1x16xf32> to vector<16xf32>
          %add3A_388 = arith.addf %get3A_383, %get3A_387 : vector<16xf32>
          %get3A_389 = arith.index_cast %add3A_248 : i32 to index
          %get3A_390 = arith.constant 96 : index
          %get3A_391 = tpu.vector_load %arg13[%get3A_389, %get3A_390] {strides = array<i32>} : memref<64x128xf32, #tpu.memory_space<vmem>>, vector<1x16xf32>,
          %get3A_392 = vector.shape_cast %get3A_391 : vector<1x16xf32> to vector<16xf32>
          %add3A_393 = arith.addf %add3A_388, %get3A_392 : vector<16xf32>
          %max3A_394 = arith.constant 0.000000e+00 : f32
          %max3A_395 = vector.broadcast %max3A_394 : f32 to vector<16xf32>
          %max3A_396 = arith.maximumf %add3A_393, %max3A_395 : vector<16xf32>
          %swap3A_397 = arith.index_cast %add3A_248 : i32 to index
          %swap3A_398 = arith.constant 96 : index
          %swap3A_399 = tpu.vector_load %arg13[%swap3A_397, %swap3A_398] {strides = array<i32>} : memref<64x128xf32, #tpu.memory_space<vmem>>, vector<1x16xf32>,
          %swap3A_400 = vector.shape_cast %swap3A_399 : vector<1x16xf32> to vector<16xf32>
          %swap3A_401 = vector.shape_cast %max3A_396 : vector<16xf32> to vector<1x16xf32>
          tpu.vector_store %arg13[%swap3A_397, %swap3A_398], %swap3A_401 {strides = array<i32>} : memref<64x128xf32, #tpu.memory_space<vmem>>, vector<1x16xf32>,
          %get3A_402 = arith.index_cast %add3A_248 : i32 to index
          %get3A_403 = arith.constant 112 : index
          %get3A_404 = tpu.vector_load %arg11[%get3A_402, %get3A_403] {strides = array<i32>} : memref<64x128xf32, #tpu.memory_space<vmem>>, vector<1x16xf32>,
          %get3A_405 = vector.shape_cast %get3A_404 : vector<1x16xf32> to vector<16xf32>
          %get3A_406 = arith.index_cast %add3A_248 : i32 to index
          %get3A_407 = arith.constant 112 : index
          %get3A_408 = tpu.vector_load %arg12[%get3A_406, %get3A_407] {strides = array<i32>} : memref<64x128xf32, #tpu.memory_space<vmem>>, vector<1x16xf32>,
          %get3A_409 = vector.shape_cast %get3A_408 : vector<1x16xf32> to vector<16xf32>
          %add3A_410 = arith.addf %get3A_405, %get3A_409 : vector<16xf32>
          %get3A_411 = arith.index_cast %add3A_248 : i32 to index
          %get3A_412 = arith.constant 112 : index
          %get3A_413 = tpu.vector_load %arg13[%get3A_411, %get3A_412] {strides = array<i32>} : memref<64x128xf32, #tpu.memory_space<vmem>>, vector<1x16xf32>,
          %get3A_414 = vector.shape_cast %get3A_413 : vector<1x16xf32> to vector<16xf32>
          %add3A_415 = arith.addf %add3A_410, %get3A_414 : vector<16xf32>
          %max3A_416 = arith.constant 0.000000e+00 : f32
          %max3A_417 = vector.broadcast %max3A_416 : f32 to vector<16xf32>
          %max3A_418 = arith.maximumf %add3A_415, %max3A_417 : vector<16xf32>
          %swap3A_419 = arith.index_cast %add3A_248 : i32 to index
          %swap3A_420 = arith.constant 112 : index
          %swap3A_421 = tpu.vector_load %arg13[%swap3A_419, %swap3A_420] {strides = array<i32>} : memref<64x128xf32, #tpu.memory_space<vmem>>, vector<1x16xf32>,
          %swap3A_422 = vector.shape_cast %swap3A_421 : vector<1x16xf32> to vector<16xf32>
          %swap3A_423 = vector.shape_cast %max3A_418 : vector<16xf32> to vector<1x16xf32>
          tpu.vector_store %arg13[%swap3A_419, %swap3A_420], %swap3A_423 {strides = array<i32>} : memref<64x128xf32, #tpu.memory_space<vmem>>, vector<1x16xf32>,
        }
        %scan3A_240 = arith.constant 64 : i32
        %dma_start3A_241 = arith.constant 0 : i32
        %dma_start3A_242 = arith.constant 0 : i32
        %dma_start3A_243 = tpu.memref_slice %arg18[%dma_start3A_241, %dma_start3A_242] : memref<10000x128xf32, #tpu.memory_space<vmem_shared>> -> memref<10000x128xf32, #tpu.memory_space<vmem_shared>>
        tpu.enqueue_indirect_dma source(%arg13 : memref<64x128xf32, #tpu.memory_space<vmem>>) target(%dma_start3A_243 : memref<10000x128xf32, #tpu.memory_space<vmem_shared>>) offsets(%arg10 : memref<64xi32, #tpu.memory_space<vmem>>) semaphore(%arg25 : memref<!tpu.dma_semaphore, #tpu.memory_space<semaphore_mem>>) {add = true}
      } else {
      }
      %mul3A_210 = arith.constant 2 : i32
      %mul3A_211 = arith.muli %add3A_201, %mul3A_210 : i32
      %add3A_212 = arith.constant 1 : i32
      %add3A_213 = arith.addi %mul3A_211, %add3A_212 : i32
      %lt3A_214 = arith.cmpi slt, %add3A_213, %sub3A_47 : i32
      %convert_element_type3A_215 = arith.extui %lt3A_214 : i1 to i32
      %cond3A_216 = arith.constant 0 : i32
      %cond3A_217 = arith.cmpi ne, %convert_element_type3A_215, %cond3A_216 : i32
      scf.if %cond3A_217 {
        %dma_wait3A_218 = arith.constant 0 : i32
        %dma_wait3A_219 = arith.constant 0 : i32
        %dma_wait3A_220 = tpu.memref_slice %arg4[%dma_wait3A_218, %dma_wait3A_219] : memref<10000x128xf32, #tpu.memory_space<hbm>> -> memref<10000x128xf32, #tpu.memory_space<hbm>>
        tpu.wait_indirect_dma semaphore(%arg22 : memref<!tpu.dma_semaphore, #tpu.memory_space<semaphore_mem>>) src(%dma_wait3A_220 : memref<10000x128xf32, #tpu.memory_space<hbm>>) dst(%arg15 : memref<64x128xf32, #tpu.memory_space<vmem>>)
        %dma_wait3A_221 = arith.constant 0 : i32
        %dma_wait3A_222 = arith.constant 0 : i32
        %dma_wait3A_223 = tpu.memref_slice %arg5[%dma_wait3A_221, %dma_wait3A_222] : memref<10000x128xf32, #tpu.memory_space<hbm>> -> memref<10000x128xf32, #tpu.memory_space<hbm>>
        tpu.wait_indirect_dma semaphore(%arg23 : memref<!tpu.dma_semaphore, #tpu.memory_space<semaphore_mem>>) src(%dma_wait3A_223 : memref<10000x128xf32, #tpu.memory_space<hbm>>) dst(%arg16 : memref<64x128xf32, #tpu.memory_space<vmem>>)
        %dma_wait3A_224 = arith.constant 0 : i32
        %dma_wait3A_225 = arith.constant 0 : i32
        %dma_wait3A_226 = tpu.memref_slice %arg6[%dma_wait3A_224, %dma_wait3A_225] : memref<320000x128xf32, #tpu.memory_space<hbm>> -> memref<64x128xf32, #tpu.memory_space<hbm>>
        %dma_wait3A_227 = arith.constant 0 : i32
        %dma_wait3A_228 = arith.constant 0 : i32
        %dma_wait3A_229 = tpu.memref_slice %arg6[%dma_wait3A_227, %dma_wait3A_228] : memref<320000x128xf32, #tpu.memory_space<hbm>> -> memref<64x128xf32, #tpu.memory_space<hbm>>
        tpu.wait_dma2 semaphore(%arg24 : memref<!tpu.dma_semaphore, #tpu.memory_space<semaphore_mem>>) src(%dma_wait3A_229 : memref<64x128xf32, #tpu.memory_space<hbm>>) dst(%arg17 : memref<64x128xf32, #tpu.memory_space<vmem>>)
        %add3A_230 = arith.constant 1 : i32
        %add3A_231 = arith.addi %add3A_213, %add3A_230 : i32
        %lt3A_232 = arith.cmpi slt, %add3A_231, %sub3A_47 : i32
        %convert_element_type3A_233 = arith.extui %lt3A_232 : i1 to i32
        %cond3A_234 = arith.constant 0 : i32
        %cond3A_235 = arith.cmpi ne, %convert_element_type3A_233, %cond3A_234 : i32
        scf.if %cond3A_235 {
          %add3A_244 = arith.constant 1 : i32
          %add3A_245 = arith.addi %add3A_213, %add3A_244 : i32
          %ge3A_246 = arith.constant 2 : i32
          %ge3A_247 = arith.cmpi sge, %add3A_245, %ge3A_246 : i32
          %convert_element_type3A_248 = arith.extui %ge3A_247 : i1 to i32
          %cond3A_249 = arith.constant 0 : i32
          %cond3A_250 = arith.cmpi ne, %convert_element_type3A_248, %cond3A_249 : i32
          scf.if %cond3A_250 {
            %dma_wait3A_340 = arith.constant 0 : i32
            %dma_wait3A_341 = arith.constant 0 : i32
            %dma_wait3A_342 = tpu.memref_slice %arg18[%dma_wait3A_340, %dma_wait3A_341] : memref<10000x128xf32, #tpu.memory_space<vmem_shared>> -> memref<10000x128xf32, #tpu.memory_space<vmem_shared>>
            tpu.wait_indirect_dma semaphore(%arg25 : memref<!tpu.dma_semaphore, #tpu.memory_space<semaphore_mem>>) src(%arg13 : memref<64x128xf32, #tpu.memory_space<vmem>>) dst(%dma_wait3A_342 : memref<10000x128xf32, #tpu.memory_space<vmem_shared>>)
          } else {
          }
          %jit3A_251 = arith.constant 8 : i32
          %eq3A_252 = arith.constant 0 : i32
          %eq3A_253 = arith.cmpi eq, %jit3A_251, %eq3A_252 : i32
          %jit3A_254 = arith.constant 1 : i32
          %select_n3A_255 = arith.select %eq3A_253, %jit3A_254, %jit3A_251 : i32
          %rem3A_256 = arith.remsi %add3A_245, %select_n3A_255 : i32
          %ne3A_257 = arith.constant 0 : i32
          %ne3A_258 = arith.cmpi ne, %rem3A_256, %ne3A_257 : i32
          %lt3A_259 = arith.constant 0 : i32
          %lt3A_260 = arith.cmpi slt, %rem3A_256, %lt3A_259 : i32
          %lt3A_261 = arith.constant 0 : i32
          %lt3A_262 = arith.cmpi slt, %select_n3A_255, %lt3A_261 : i32
          %ne3A_263 = arith.xori %lt3A_260, %lt3A_262 : i1
          %and3A_264 = arith.andi %ne3A_263, %ne3A_258 : i1
          %add3A_265 = arith.addi %rem3A_256, %select_n3A_255 : i32
          %select_n3A_266 = arith.select %and3A_264, %add3A_265, %rem3A_256 : i32
          %eq3A_267 = arith.constant 0 : i32
          %eq3A_268 = arith.cmpi eq, %select_n3A_266, %eq3A_267 : i32
          %convert_element_type3A_269 = arith.extui %eq3A_268 : i1 to i32
          %cond3A_270 = arith.constant 0 : i32
          %cond3A_271 = arith.cmpi ne, %convert_element_type3A_269, %cond3A_270 : i32
          scf.if %cond3A_271 {
            %add3A_340 = arith.addi %select_n3A, %add3A_245 : i32
            %mul3A_341 = arith.constant 64 : i32
            %mul3A_342 = arith.muli %add3A_340, %mul3A_341 : i32
            "tpu.region"() ({
              %run_scoped3A = tpu.sem_alloc : memref<!tpu.dma_semaphore, #tpu.memory_space<semaphore_mem>>
              %dma_start3A_343 = tpu.memref_slice %arg2[%mul3A_342] : memref<320512xi32, #tpu.memory_space<hbm>> -> memref<512xi32, #tpu.memory_space<hbm>>
              %dma_start3A_344 = tpu.memref_slice %arg2[%mul3A_342] : memref<320512xi32, #tpu.memory_space<hbm>> -> memref<512xi32, #tpu.memory_space<hbm>>
              tpu.enqueue_dma source(%dma_start3A_344 : memref<512xi32, #tpu.memory_space<hbm>>) target(%arg8 : memref<512xi32, #tpu.memory_space<vmem>>) target_semaphore(%run_scoped3A : memref<!tpu.dma_semaphore, #tpu.memory_space<semaphore_mem>>)
              %dma_wait3A_345 = tpu.memref_slice %arg2[%mul3A_342] : memref<320512xi32, #tpu.memory_space<hbm>> -> memref<512xi32, #tpu.memory_space<hbm>>
              %dma_wait3A_346 = tpu.memref_slice %arg2[%mul3A_342] : memref<320512xi32, #tpu.memory_space<hbm>> -> memref<512xi32, #tpu.memory_space<hbm>>
              tpu.wait_dma2 semaphore(%run_scoped3A : memref<!tpu.dma_semaphore, #tpu.memory_space<semaphore_mem>>) src(%dma_wait3A_346 : memref<512xi32, #tpu.memory_space<hbm>>) dst(%arg8 : memref<512xi32, #tpu.memory_space<vmem>>)
              tpu.yield
            }) : () -> ()
            "tpu.region"() ({
              %run_scoped3A = tpu.sem_alloc : memref<!tpu.dma_semaphore, #tpu.memory_space<semaphore_mem>>
              %dma_start3A_343 = tpu.memref_slice %arg3[%mul3A_342] : memref<320512xi32, #tpu.memory_space<hbm>> -> memref<512xi32, #tpu.memory_space<hbm>>
              %dma_start3A_344 = tpu.memref_slice %arg3[%mul3A_342] : memref<320512xi32, #tpu.memory_space<hbm>> -> memref<512xi32, #tpu.memory_space<hbm>>
              tpu.enqueue_dma source(%dma_start3A_344 : memref<512xi32, #tpu.memory_space<hbm>>) target(%arg9 : memref<512xi32, #tpu.memory_space<vmem>>) target_semaphore(%run_scoped3A : memref<!tpu.dma_semaphore, #tpu.memory_space<semaphore_mem>>)
              %dma_wait3A_345 = tpu.memref_slice %arg3[%mul3A_342] : memref<320512xi32, #tpu.memory_space<hbm>> -> memref<512xi32, #tpu.memory_space<hbm>>
              %dma_wait3A_346 = tpu.memref_slice %arg3[%mul3A_342] : memref<320512xi32, #tpu.memory_space<hbm>> -> memref<512xi32, #tpu.memory_space<hbm>>
              tpu.wait_dma2 semaphore(%run_scoped3A : memref<!tpu.dma_semaphore, #tpu.memory_space<semaphore_mem>>) src(%dma_wait3A_346 : memref<512xi32, #tpu.memory_space<hbm>>) dst(%arg9 : memref<512xi32, #tpu.memory_space<vmem>>)
              tpu.yield
            }) : () -> ()
          } else {
          }
          %add3A_272 = arith.addi %select_n3A, %add3A_245 : i32
          %mul3A_273 = arith.constant 64 : i32
          %mul3A_274 = arith.muli %add3A_272, %mul3A_273 : i32
          %jit3A_275 = arith.constant 8 : i32
          %eq3A_276 = arith.constant 0 : i32
          %eq3A_277 = arith.cmpi eq, %jit3A_275, %eq3A_276 : i32
          %jit3A_278 = arith.constant 1 : i32
          %select_n3A_279 = arith.select %eq3A_277, %jit3A_278, %jit3A_275 : i32
          %rem3A_280 = arith.remsi %add3A_245, %select_n3A_279 : i32
          %ne3A_281 = arith.constant 0 : i32
          %ne3A_282 = arith.cmpi ne, %rem3A_280, %ne3A_281 : i32
          %lt3A_283 = arith.constant 0 : i32
          %lt3A_284 = arith.cmpi slt, %rem3A_280, %lt3A_283 : i32
          %lt3A_285 = arith.constant 0 : i32
          %lt3A_286 = arith.cmpi slt, %select_n3A_279, %lt3A_285 : i32
          %ne3A_287 = arith.xori %lt3A_284, %lt3A_286 : i1
          %and3A_288 = arith.andi %ne3A_287, %ne3A_282 : i1
          %add3A_289 = arith.addi %rem3A_280, %select_n3A_279 : i32
          %select_n3A_290 = arith.select %and3A_288, %add3A_289, %rem3A_280 : i32
          %mul3A_291 = arith.constant 64 : i32
          %mul3A_292 = arith.muli %select_n3A_290, %mul3A_291 : i32
          %add3A_293 = arith.constant 0 : i32
          %add3A_294 = arith.addi %mul3A_292, %add3A_293 : i32
          %get3A_295 = arith.index_cast %add3A_294 : i32 to index
          %get3A_296 = tpu.vector_load %arg9[%get3A_295] {strides = array<i32>} : memref<512xi32, #tpu.memory_space<vmem>>, vector<16xi32>,
          %get3A_297 = vector.shape_cast %get3A_296 : vector<16xi32> to vector<16xi32>
          %swap3A_298 = arith.constant 0 : index
          %swap3A_299 = tpu.vector_load %arg10[%swap3A_298] {strides = array<i32>} : memref<64xi32, #tpu.memory_space<vmem>>, vector<16xi32>,
          %swap3A_300 = vector.shape_cast %swap3A_299 : vector<16xi32> to vector<16xi32>
          %swap3A_301 = vector.shape_cast %get3A_297 : vector<16xi32> to vector<16xi32>
          tpu.vector_store %arg10[%swap3A_298], %swap3A_301 {strides = array<i32>} : memref<64xi32, #tpu.memory_space<vmem>>, vector<16xi32>,
          %add3A_302 = arith.constant 16 : i32
          %add3A_303 = arith.addi %mul3A_292, %add3A_302 : i32
          %get3A_304 = arith.index_cast %add3A_303 : i32 to index
          %get3A_305 = tpu.vector_load %arg9[%get3A_304] {strides = array<i32>} : memref<512xi32, #tpu.memory_space<vmem>>, vector<16xi32>,
          %get3A_306 = vector.shape_cast %get3A_305 : vector<16xi32> to vector<16xi32>
          %swap3A_307 = arith.constant 16 : index
          %swap3A_308 = tpu.vector_load %arg10[%swap3A_307] {strides = array<i32>} : memref<64xi32, #tpu.memory_space<vmem>>, vector<16xi32>,
          %swap3A_309 = vector.shape_cast %swap3A_308 : vector<16xi32> to vector<16xi32>
          %swap3A_310 = vector.shape_cast %get3A_306 : vector<16xi32> to vector<16xi32>
          tpu.vector_store %arg10[%swap3A_307], %swap3A_310 {strides = array<i32>} : memref<64xi32, #tpu.memory_space<vmem>>, vector<16xi32>,
          %add3A_311 = arith.constant 32 : i32
          %add3A_312 = arith.addi %mul3A_292, %add3A_311 : i32
          %get3A_313 = arith.index_cast %add3A_312 : i32 to index
          %get3A_314 = tpu.vector_load %arg9[%get3A_313] {strides = array<i32>} : memref<512xi32, #tpu.memory_space<vmem>>, vector<16xi32>,
          %get3A_315 = vector.shape_cast %get3A_314 : vector<16xi32> to vector<16xi32>
          %swap3A_316 = arith.constant 32 : index
          %swap3A_317 = tpu.vector_load %arg10[%swap3A_316] {strides = array<i32>} : memref<64xi32, #tpu.memory_space<vmem>>, vector<16xi32>,
          %swap3A_318 = vector.shape_cast %swap3A_317 : vector<16xi32> to vector<16xi32>
          %swap3A_319 = vector.shape_cast %get3A_315 : vector<16xi32> to vector<16xi32>
          tpu.vector_store %arg10[%swap3A_316], %swap3A_319 {strides = array<i32>} : memref<64xi32, #tpu.memory_space<vmem>>, vector<16xi32>,
          %add3A_320 = arith.constant 48 : i32
          %add3A_321 = arith.addi %mul3A_292, %add3A_320 : i32
          %get3A_322 = arith.index_cast %add3A_321 : i32 to index
          %get3A_323 = tpu.vector_load %arg9[%get3A_322] {strides = array<i32>} : memref<512xi32, #tpu.memory_space<vmem>>, vector<16xi32>,
          %get3A_324 = vector.shape_cast %get3A_323 : vector<16xi32> to vector<16xi32>
          %swap3A_325 = arith.constant 48 : index
          %swap3A_326 = tpu.vector_load %arg10[%swap3A_325] {strides = array<i32>} : memref<64xi32, #tpu.memory_space<vmem>>, vector<16xi32>,
          %swap3A_327 = vector.shape_cast %swap3A_326 : vector<16xi32> to vector<16xi32>
          %swap3A_328 = vector.shape_cast %get3A_324 : vector<16xi32> to vector<16xi32>
          tpu.vector_store %arg10[%swap3A_325], %swap3A_328 {strides = array<i32>} : memref<64xi32, #tpu.memory_space<vmem>>, vector<16xi32>,
          %dma_start3A_329 = tpu.memref_slice %arg8[%mul3A_292] : memref<512xi32, #tpu.memory_space<vmem>> -> memref<64xi32, #tpu.memory_space<vmem>>
          %dma_start3A_330 = arith.constant 0 : i32
          %dma_start3A_331 = arith.constant 0 : i32
          %dma_start3A_332 = tpu.memref_slice %arg4[%dma_start3A_330, %dma_start3A_331] : memref<10000x128xf32, #tpu.memory_space<hbm>> -> memref<10000x128xf32, #tpu.memory_space<hbm>>
          tpu.enqueue_indirect_dma source(%dma_start3A_332 : memref<10000x128xf32, #tpu.memory_space<hbm>>) target(%arg11 : memref<64x128xf32, #tpu.memory_space<vmem>>) offsets(%dma_start3A_329 : memref<64xi32, #tpu.memory_space<vmem>>) semaphore(%arg19 : memref<!tpu.dma_semaphore, #tpu.memory_space<semaphore_mem>>)
          %dma_start3A_333 = arith.constant 0 : i32
          %dma_start3A_334 = arith.constant 0 : i32
          %dma_start3A_335 = tpu.memref_slice %arg5[%dma_start3A_333, %dma_start3A_334] : memref<10000x128xf32, #tpu.memory_space<hbm>> -> memref<10000x128xf32, #tpu.memory_space<hbm>>
          tpu.enqueue_indirect_dma source(%dma_start3A_335 : memref<10000x128xf32, #tpu.memory_space<hbm>>) target(%arg12 : memref<64x128xf32, #tpu.memory_space<vmem>>) offsets(%arg10 : memref<64xi32, #tpu.memory_space<vmem>>) semaphore(%arg20 : memref<!tpu.dma_semaphore, #tpu.memory_space<semaphore_mem>>)
          %dma_start3A_336 = arith.constant 0 : i32
          %dma_start3A_337 = tpu.memref_slice %arg6[%mul3A_274, %dma_start3A_336] : memref<320000x128xf32, #tpu.memory_space<hbm>> -> memref<64x128xf32, #tpu.memory_space<hbm>>
          %dma_start3A_338 = arith.constant 0 : i32
          %dma_start3A_339 = tpu.memref_slice %arg6[%mul3A_274, %dma_start3A_338] : memref<320000x128xf32, #tpu.memory_space<hbm>> -> memref<64x128xf32, #tpu.memory_space<hbm>>
          tpu.enqueue_dma source(%dma_start3A_339 : memref<64x128xf32, #tpu.memory_space<hbm>>) target(%arg13 : memref<64x128xf32, #tpu.memory_space<vmem>>) target_semaphore(%arg21 : memref<!tpu.dma_semaphore, #tpu.memory_space<semaphore_mem>>)
        } else {
        }
        %scan3A_236 = arith.constant 0 : i32
        %scan3A_237 = arith.constant 64 : i32
        %scan3A_238 = arith.addi %scan3A_236, %scan3A_237 : i32
        %scan3A_239 = arith.constant 1 : i32
        scf.for %scan3A_244 = %scan3A_236 to %scan3A_238 step %scan3A_239  : i32 {
          %mul3A_245 = arith.constant 1 : i32
          %mul3A_246 = arith.muli %scan3A_244, %mul3A_245 : i32
          %add3A_247 = arith.constant 0 : i32
          %add3A_248 = arith.addi %add3A_247, %mul3A_246 : i32
          %get3A_249 = arith.index_cast %add3A_248 : i32 to index
          %get3A_250 = arith.constant 0 : index
          %get3A_251 = tpu.vector_load %arg15[%get3A_249, %get3A_250] {strides = array<i32>} : memref<64x128xf32, #tpu.memory_space<vmem>>, vector<1x16xf32>,
          %get3A_252 = vector.shape_cast %get3A_251 : vector<1x16xf32> to vector<16xf32>
          %get3A_253 = arith.index_cast %add3A_248 : i32 to index
          %get3A_254 = arith.constant 0 : index
          %get3A_255 = tpu.vector_load %arg16[%get3A_253, %get3A_254] {strides = array<i32>} : memref<64x128xf32, #tpu.memory_space<vmem>>, vector<1x16xf32>,
          %get3A_256 = vector.shape_cast %get3A_255 : vector<1x16xf32> to vector<16xf32>
          %add3A_257 = arith.addf %get3A_252, %get3A_256 : vector<16xf32>
          %get3A_258 = arith.index_cast %add3A_248 : i32 to index
          %get3A_259 = arith.constant 0 : index
          %get3A_260 = tpu.vector_load %arg17[%get3A_258, %get3A_259] {strides = array<i32>} : memref<64x128xf32, #tpu.memory_space<vmem>>, vector<1x16xf32>,
          %get3A_261 = vector.shape_cast %get3A_260 : vector<1x16xf32> to vector<16xf32>
          %add3A_262 = arith.addf %add3A_257, %get3A_261 : vector<16xf32>
          %max3A = arith.constant 0.000000e+00 : f32
          %max3A_263 = vector.broadcast %max3A : f32 to vector<16xf32>
          %max3A_264 = arith.maximumf %add3A_262, %max3A_263 : vector<16xf32>
          %swap3A_265 = arith.index_cast %add3A_248 : i32 to index
          %swap3A_266 = arith.constant 0 : index
          %swap3A_267 = tpu.vector_load %arg17[%swap3A_265, %swap3A_266] {strides = array<i32>} : memref<64x128xf32, #tpu.memory_space<vmem>>, vector<1x16xf32>,
          %swap3A_268 = vector.shape_cast %swap3A_267 : vector<1x16xf32> to vector<16xf32>
          %swap3A_269 = vector.shape_cast %max3A_264 : vector<16xf32> to vector<1x16xf32>
          tpu.vector_store %arg17[%swap3A_265, %swap3A_266], %swap3A_269 {strides = array<i32>} : memref<64x128xf32, #tpu.memory_space<vmem>>, vector<1x16xf32>,
          %get3A_270 = arith.index_cast %add3A_248 : i32 to index
          %get3A_271 = arith.constant 16 : index
          %get3A_272 = tpu.vector_load %arg15[%get3A_270, %get3A_271] {strides = array<i32>} : memref<64x128xf32, #tpu.memory_space<vmem>>, vector<1x16xf32>,
          %get3A_273 = vector.shape_cast %get3A_272 : vector<1x16xf32> to vector<16xf32>
          %get3A_274 = arith.index_cast %add3A_248 : i32 to index
          %get3A_275 = arith.constant 16 : index
          %get3A_276 = tpu.vector_load %arg16[%get3A_274, %get3A_275] {strides = array<i32>} : memref<64x128xf32, #tpu.memory_space<vmem>>, vector<1x16xf32>,
          %get3A_277 = vector.shape_cast %get3A_276 : vector<1x16xf32> to vector<16xf32>
          %add3A_278 = arith.addf %get3A_273, %get3A_277 : vector<16xf32>
          %get3A_279 = arith.index_cast %add3A_248 : i32 to index
          %get3A_280 = arith.constant 16 : index
          %get3A_281 = tpu.vector_load %arg17[%get3A_279, %get3A_280] {strides = array<i32>} : memref<64x128xf32, #tpu.memory_space<vmem>>, vector<1x16xf32>,
          %get3A_282 = vector.shape_cast %get3A_281 : vector<1x16xf32> to vector<16xf32>
          %add3A_283 = arith.addf %add3A_278, %get3A_282 : vector<16xf32>
          %max3A_284 = arith.constant 0.000000e+00 : f32
          %max3A_285 = vector.broadcast %max3A_284 : f32 to vector<16xf32>
          %max3A_286 = arith.maximumf %add3A_283, %max3A_285 : vector<16xf32>
          %swap3A_287 = arith.index_cast %add3A_248 : i32 to index
          %swap3A_288 = arith.constant 16 : index
          %swap3A_289 = tpu.vector_load %arg17[%swap3A_287, %swap3A_288] {strides = array<i32>} : memref<64x128xf32, #tpu.memory_space<vmem>>, vector<1x16xf32>,
          %swap3A_290 = vector.shape_cast %swap3A_289 : vector<1x16xf32> to vector<16xf32>
          %swap3A_291 = vector.shape_cast %max3A_286 : vector<16xf32> to vector<1x16xf32>
          tpu.vector_store %arg17[%swap3A_287, %swap3A_288], %swap3A_291 {strides = array<i32>} : memref<64x128xf32, #tpu.memory_space<vmem>>, vector<1x16xf32>,
          %get3A_292 = arith.index_cast %add3A_248 : i32 to index
          %get3A_293 = arith.constant 32 : index
          %get3A_294 = tpu.vector_load %arg15[%get3A_292, %get3A_293] {strides = array<i32>} : memref<64x128xf32, #tpu.memory_space<vmem>>, vector<1x16xf32>,
          %get3A_295 = vector.shape_cast %get3A_294 : vector<1x16xf32> to vector<16xf32>
          %get3A_296 = arith.index_cast %add3A_248 : i32 to index
          %get3A_297 = arith.constant 32 : index
          %get3A_298 = tpu.vector_load %arg16[%get3A_296, %get3A_297] {strides = array<i32>} : memref<64x128xf32, #tpu.memory_space<vmem>>, vector<1x16xf32>,
          %get3A_299 = vector.shape_cast %get3A_298 : vector<1x16xf32> to vector<16xf32>
          %add3A_300 = arith.addf %get3A_295, %get3A_299 : vector<16xf32>
          %get3A_301 = arith.index_cast %add3A_248 : i32 to index
          %get3A_302 = arith.constant 32 : index
          %get3A_303 = tpu.vector_load %arg17[%get3A_301, %get3A_302] {strides = array<i32>} : memref<64x128xf32, #tpu.memory_space<vmem>>, vector<1x16xf32>,
          %get3A_304 = vector.shape_cast %get3A_303 : vector<1x16xf32> to vector<16xf32>
          %add3A_305 = arith.addf %add3A_300, %get3A_304 : vector<16xf32>
          %max3A_306 = arith.constant 0.000000e+00 : f32
          %max3A_307 = vector.broadcast %max3A_306 : f32 to vector<16xf32>
          %max3A_308 = arith.maximumf %add3A_305, %max3A_307 : vector<16xf32>
          %swap3A_309 = arith.index_cast %add3A_248 : i32 to index
          %swap3A_310 = arith.constant 32 : index
          %swap3A_311 = tpu.vector_load %arg17[%swap3A_309, %swap3A_310] {strides = array<i32>} : memref<64x128xf32, #tpu.memory_space<vmem>>, vector<1x16xf32>,
          %swap3A_312 = vector.shape_cast %swap3A_311 : vector<1x16xf32> to vector<16xf32>
          %swap3A_313 = vector.shape_cast %max3A_308 : vector<16xf32> to vector<1x16xf32>
          tpu.vector_store %arg17[%swap3A_309, %swap3A_310], %swap3A_313 {strides = array<i32>} : memref<64x128xf32, #tpu.memory_space<vmem>>, vector<1x16xf32>,
          %get3A_314 = arith.index_cast %add3A_248 : i32 to index
          %get3A_315 = arith.constant 48 : index
          %get3A_316 = tpu.vector_load %arg15[%get3A_314, %get3A_315] {strides = array<i32>} : memref<64x128xf32, #tpu.memory_space<vmem>>, vector<1x16xf32>,
          %get3A_317 = vector.shape_cast %get3A_316 : vector<1x16xf32> to vector<16xf32>
          %get3A_318 = arith.index_cast %add3A_248 : i32 to index
          %get3A_319 = arith.constant 48 : index
          %get3A_320 = tpu.vector_load %arg16[%get3A_318, %get3A_319] {strides = array<i32>} : memref<64x128xf32, #tpu.memory_space<vmem>>, vector<1x16xf32>,
          %get3A_321 = vector.shape_cast %get3A_320 : vector<1x16xf32> to vector<16xf32>
          %add3A_322 = arith.addf %get3A_317, %get3A_321 : vector<16xf32>
          %get3A_323 = arith.index_cast %add3A_248 : i32 to index
          %get3A_324 = arith.constant 48 : index
          %get3A_325 = tpu.vector_load %arg17[%get3A_323, %get3A_324] {strides = array<i32>} : memref<64x128xf32, #tpu.memory_space<vmem>>, vector<1x16xf32>,
          %get3A_326 = vector.shape_cast %get3A_325 : vector<1x16xf32> to vector<16xf32>
          %add3A_327 = arith.addf %add3A_322, %get3A_326 : vector<16xf32>
          %max3A_328 = arith.constant 0.000000e+00 : f32
          %max3A_329 = vector.broadcast %max3A_328 : f32 to vector<16xf32>
          %max3A_330 = arith.maximumf %add3A_327, %max3A_329 : vector<16xf32>
          %swap3A_331 = arith.index_cast %add3A_248 : i32 to index
          %swap3A_332 = arith.constant 48 : index
          %swap3A_333 = tpu.vector_load %arg17[%swap3A_331, %swap3A_332] {strides = array<i32>} : memref<64x128xf32, #tpu.memory_space<vmem>>, vector<1x16xf32>,
          %swap3A_334 = vector.shape_cast %swap3A_333 : vector<1x16xf32> to vector<16xf32>
          %swap3A_335 = vector.shape_cast %max3A_330 : vector<16xf32> to vector<1x16xf32>
          tpu.vector_store %arg17[%swap3A_331, %swap3A_332], %swap3A_335 {strides = array<i32>} : memref<64x128xf32, #tpu.memory_space<vmem>>, vector<1x16xf32>,
          %get3A_336 = arith.index_cast %add3A_248 : i32 to index
          %get3A_337 = arith.constant 64 : index
          %get3A_338 = tpu.vector_load %arg15[%get3A_336, %get3A_337] {strides = array<i32>} : memref<64x128xf32, #tpu.memory_space<vmem>>, vector<1x16xf32>,
          %get3A_339 = vector.shape_cast %get3A_338 : vector<1x16xf32> to vector<16xf32>
          %get3A_340 = arith.index_cast %add3A_248 : i32 to index
          %get3A_341 = arith.constant 64 : index
          %get3A_342 = tpu.vector_load %arg16[%get3A_340, %get3A_341] {strides = array<i32>} : memref<64x128xf32, #tpu.memory_space<vmem>>, vector<1x16xf32>,
          %get3A_343 = vector.shape_cast %get3A_342 : vector<1x16xf32> to vector<16xf32>
          %add3A_344 = arith.addf %get3A_339, %get3A_343 : vector<16xf32>
          %get3A_345 = arith.index_cast %add3A_248 : i32 to index
          %get3A_346 = arith.constant 64 : index
          %get3A_347 = tpu.vector_load %arg17[%get3A_345, %get3A_346] {strides = array<i32>} : memref<64x128xf32, #tpu.memory_space<vmem>>, vector<1x16xf32>,
          %get3A_348 = vector.shape_cast %get3A_347 : vector<1x16xf32> to vector<16xf32>
          %add3A_349 = arith.addf %add3A_344, %get3A_348 : vector<16xf32>
          %max3A_350 = arith.constant 0.000000e+00 : f32
          %max3A_351 = vector.broadcast %max3A_350 : f32 to vector<16xf32>
          %max3A_352 = arith.maximumf %add3A_349, %max3A_351 : vector<16xf32>
          %swap3A_353 = arith.index_cast %add3A_248 : i32 to index
          %swap3A_354 = arith.constant 64 : index
          %swap3A_355 = tpu.vector_load %arg17[%swap3A_353, %swap3A_354] {strides = array<i32>} : memref<64x128xf32, #tpu.memory_space<vmem>>, vector<1x16xf32>,
          %swap3A_356 = vector.shape_cast %swap3A_355 : vector<1x16xf32> to vector<16xf32>
          %swap3A_357 = vector.shape_cast %max3A_352 : vector<16xf32> to vector<1x16xf32>
          tpu.vector_store %arg17[%swap3A_353, %swap3A_354], %swap3A_357 {strides = array<i32>} : memref<64x128xf32, #tpu.memory_space<vmem>>, vector<1x16xf32>,
          %get3A_358 = arith.index_cast %add3A_248 : i32 to index
          %get3A_359 = arith.constant 80 : index
          %get3A_360 = tpu.vector_load %arg15[%get3A_358, %get3A_359] {strides = array<i32>} : memref<64x128xf32, #tpu.memory_space<vmem>>, vector<1x16xf32>,
          %get3A_361 = vector.shape_cast %get3A_360 : vector<1x16xf32> to vector<16xf32>
          %get3A_362 = arith.index_cast %add3A_248 : i32 to index
          %get3A_363 = arith.constant 80 : index
          %get3A_364 = tpu.vector_load %arg16[%get3A_362, %get3A_363] {strides = array<i32>} : memref<64x128xf32, #tpu.memory_space<vmem>>, vector<1x16xf32>,
          %get3A_365 = vector.shape_cast %get3A_364 : vector<1x16xf32> to vector<16xf32>
          %add3A_366 = arith.addf %get3A_361, %get3A_365 : vector<16xf32>
          %get3A_367 = arith.index_cast %add3A_248 : i32 to index
          %get3A_368 = arith.constant 80 : index
          %get3A_369 = tpu.vector_load %arg17[%get3A_367, %get3A_368] {strides = array<i32>} : memref<64x128xf32, #tpu.memory_space<vmem>>, vector<1x16xf32>,
          %get3A_370 = vector.shape_cast %get3A_369 : vector<1x16xf32> to vector<16xf32>
          %add3A_371 = arith.addf %add3A_366, %get3A_370 : vector<16xf32>
          %max3A_372 = arith.constant 0.000000e+00 : f32
          %max3A_373 = vector.broadcast %max3A_372 : f32 to vector<16xf32>
          %max3A_374 = arith.maximumf %add3A_371, %max3A_373 : vector<16xf32>
          %swap3A_375 = arith.index_cast %add3A_248 : i32 to index
          %swap3A_376 = arith.constant 80 : index
          %swap3A_377 = tpu.vector_load %arg17[%swap3A_375, %swap3A_376] {strides = array<i32>} : memref<64x128xf32, #tpu.memory_space<vmem>>, vector<1x16xf32>,
          %swap3A_378 = vector.shape_cast %swap3A_377 : vector<1x16xf32> to vector<16xf32>
          %swap3A_379 = vector.shape_cast %max3A_374 : vector<16xf32> to vector<1x16xf32>
          tpu.vector_store %arg17[%swap3A_375, %swap3A_376], %swap3A_379 {strides = array<i32>} : memref<64x128xf32, #tpu.memory_space<vmem>>, vector<1x16xf32>,
          %get3A_380 = arith.index_cast %add3A_248 : i32 to index
          %get3A_381 = arith.constant 96 : index
          %get3A_382 = tpu.vector_load %arg15[%get3A_380, %get3A_381] {strides = array<i32>} : memref<64x128xf32, #tpu.memory_space<vmem>>, vector<1x16xf32>,
          %get3A_383 = vector.shape_cast %get3A_382 : vector<1x16xf32> to vector<16xf32>
          %get3A_384 = arith.index_cast %add3A_248 : i32 to index
          %get3A_385 = arith.constant 96 : index
          %get3A_386 = tpu.vector_load %arg16[%get3A_384, %get3A_385] {strides = array<i32>} : memref<64x128xf32, #tpu.memory_space<vmem>>, vector<1x16xf32>,
          %get3A_387 = vector.shape_cast %get3A_386 : vector<1x16xf32> to vector<16xf32>
          %add3A_388 = arith.addf %get3A_383, %get3A_387 : vector<16xf32>
          %get3A_389 = arith.index_cast %add3A_248 : i32 to index
          %get3A_390 = arith.constant 96 : index
          %get3A_391 = tpu.vector_load %arg17[%get3A_389, %get3A_390] {strides = array<i32>} : memref<64x128xf32, #tpu.memory_space<vmem>>, vector<1x16xf32>,
          %get3A_392 = vector.shape_cast %get3A_391 : vector<1x16xf32> to vector<16xf32>
          %add3A_393 = arith.addf %add3A_388, %get3A_392 : vector<16xf32>
          %max3A_394 = arith.constant 0.000000e+00 : f32
          %max3A_395 = vector.broadcast %max3A_394 : f32 to vector<16xf32>
          %max3A_396 = arith.maximumf %add3A_393, %max3A_395 : vector<16xf32>
          %swap3A_397 = arith.index_cast %add3A_248 : i32 to index
          %swap3A_398 = arith.constant 96 : index
          %swap3A_399 = tpu.vector_load %arg17[%swap3A_397, %swap3A_398] {strides = array<i32>} : memref<64x128xf32, #tpu.memory_space<vmem>>, vector<1x16xf32>,
          %swap3A_400 = vector.shape_cast %swap3A_399 : vector<1x16xf32> to vector<16xf32>
          %swap3A_401 = vector.shape_cast %max3A_396 : vector<16xf32> to vector<1x16xf32>
          tpu.vector_store %arg17[%swap3A_397, %swap3A_398], %swap3A_401 {strides = array<i32>} : memref<64x128xf32, #tpu.memory_space<vmem>>, vector<1x16xf32>,
          %get3A_402 = arith.index_cast %add3A_248 : i32 to index
          %get3A_403 = arith.constant 112 : index
          %get3A_404 = tpu.vector_load %arg15[%get3A_402, %get3A_403] {strides = array<i32>} : memref<64x128xf32, #tpu.memory_space<vmem>>, vector<1x16xf32>,
          %get3A_405 = vector.shape_cast %get3A_404 : vector<1x16xf32> to vector<16xf32>
          %get3A_406 = arith.index_cast %add3A_248 : i32 to index
          %get3A_407 = arith.constant 112 : index
          %get3A_408 = tpu.vector_load %arg16[%get3A_406, %get3A_407] {strides = array<i32>} : memref<64x128xf32, #tpu.memory_space<vmem>>, vector<1x16xf32>,
          %get3A_409 = vector.shape_cast %get3A_408 : vector<1x16xf32> to vector<16xf32>
          %add3A_410 = arith.addf %get3A_405, %get3A_409 : vector<16xf32>
          %get3A_411 = arith.index_cast %add3A_248 : i32 to index
          %get3A_412 = arith.constant 112 : index
          %get3A_413 = tpu.vector_load %arg17[%get3A_411, %get3A_412] {strides = array<i32>} : memref<64x128xf32, #tpu.memory_space<vmem>>, vector<1x16xf32>,
          %get3A_414 = vector.shape_cast %get3A_413 : vector<1x16xf32> to vector<16xf32>
          %add3A_415 = arith.addf %add3A_410, %get3A_414 : vector<16xf32>
          %max3A_416 = arith.constant 0.000000e+00 : f32
          %max3A_417 = vector.broadcast %max3A_416 : f32 to vector<16xf32>
          %max3A_418 = arith.maximumf %add3A_415, %max3A_417 : vector<16xf32>
          %swap3A_419 = arith.index_cast %add3A_248 : i32 to index
          %swap3A_420 = arith.constant 112 : index
          %swap3A_421 = tpu.vector_load %arg17[%swap3A_419, %swap3A_420] {strides = array<i32>} : memref<64x128xf32, #tpu.memory_space<vmem>>, vector<1x16xf32>,
          %swap3A_422 = vector.shape_cast %swap3A_421 : vector<1x16xf32> to vector<16xf32>
          %swap3A_423 = vector.shape_cast %max3A_418 : vector<16xf32> to vector<1x16xf32>
          tpu.vector_store %arg17[%swap3A_419, %swap3A_420], %swap3A_423 {strides = array<i32>} : memref<64x128xf32, #tpu.memory_space<vmem>>, vector<1x16xf32>,
        }
        %scan3A_240 = arith.constant 64 : i32
        %dma_start3A_241 = arith.constant 0 : i32
        %dma_start3A_242 = arith.constant 0 : i32
        %dma_start3A_243 = tpu.memref_slice %arg18[%dma_start3A_241, %dma_start3A_242] : memref<10000x128xf32, #tpu.memory_space<vmem_shared>> -> memref<10000x128xf32, #tpu.memory_space<vmem_shared>>
        tpu.enqueue_indirect_dma source(%arg17 : memref<64x128xf32, #tpu.memory_space<vmem>>) target(%dma_start3A_243 : memref<10000x128xf32, #tpu.memory_space<vmem_shared>>) offsets(%arg14 : memref<64xi32, #tpu.memory_space<vmem>>) semaphore(%arg26 : memref<!tpu.dma_semaphore, #tpu.memory_space<semaphore_mem>>) {add = true}
      } else {
      }
    }
    %scan3A_170 = arith.constant 79 : i32
    %dma_wait3A = arith.constant 0 : i32
    %dma_wait3A_171 = arith.constant 0 : i32
    %dma_wait3A_172 = tpu.memref_slice %arg18[%dma_wait3A, %dma_wait3A_171] : memref<10000x128xf32, #tpu.memory_space<vmem_shared>> -> memref<10000x128xf32, #tpu.memory_space<vmem_shared>>
    tpu.wait_indirect_dma semaphore(%arg25 : memref<!tpu.dma_semaphore, #tpu.memory_space<semaphore_mem>>) src(%arg13 : memref<64x128xf32, #tpu.memory_space<vmem>>) dst(%dma_wait3A_172 : memref<10000x128xf32, #tpu.memory_space<vmem_shared>>)
    %dma_wait3A_173 = arith.constant 0 : i32
    %dma_wait3A_174 = arith.constant 0 : i32
    %dma_wait3A_175 = tpu.memref_slice %arg18[%dma_wait3A_173, %dma_wait3A_174] : memref<10000x128xf32, #tpu.memory_space<vmem_shared>> -> memref<10000x128xf32, #tpu.memory_space<vmem_shared>>
    tpu.wait_indirect_dma semaphore(%arg26 : memref<!tpu.dma_semaphore, #tpu.memory_space<semaphore_mem>>) src(%arg17 : memref<64x128xf32, #tpu.memory_space<vmem>>) dst(%dma_wait3A_175 : memref<10000x128xf32, #tpu.memory_space<vmem_shared>>)
    %barrier3A_176 = arith.constant 0 : index
    tpu.barrier barrier_id(%barrier3A_176)
    %add3A_177 = arith.constant 0 : i32
    %add3A_178 = arith.addi %mul3A_54, %add3A_177 : i32
    "tpu.region"() ({
      %run_scoped3A = tpu.sem_alloc : memref<!tpu.dma_semaphore, #tpu.memory_space<semaphore_mem>>
      %dma_start3A_197 = arith.constant 0 : i32
      %dma_start3A_198 = tpu.memref_slice %arg18[%add3A_178, %dma_start3A_197] : memref<10000x128xf32, #tpu.memory_space<vmem_shared>> -> memref<64x128xf32, #tpu.memory_space<vmem_shared>>
      %dma_start3A_199 = arith.constant 0 : i32
      %dma_start3A_200 = tpu.memref_slice %arg18[%add3A_178, %dma_start3A_199] : memref<10000x128xf32, #tpu.memory_space<vmem_shared>> -> memref<64x128xf32, #tpu.memory_space<vmem_shared>>
      tpu.enqueue_dma source(%dma_start3A_200 : memref<64x128xf32, #tpu.memory_space<vmem_shared>>) target(%arg11 : memref<64x128xf32, #tpu.memory_space<vmem>>) target_semaphore(%run_scoped3A : memref<!tpu.dma_semaphore, #tpu.memory_space<semaphore_mem>>)
      %dma_wait3A_201 = arith.constant 0 : i32
      %dma_wait3A_202 = tpu.memref_slice %arg18[%add3A_178, %dma_wait3A_201] : memref<10000x128xf32, #tpu.memory_space<vmem_shared>> -> memref<64x128xf32, #tpu.memory_space<vmem_shared>>
      %dma_wait3A_203 = arith.constant 0 : i32
      %dma_wait3A_204 = tpu.memref_slice %arg18[%add3A_178, %dma_wait3A_203] : memref<10000x128xf32, #tpu.memory_space<vmem_shared>> -> memref<64x128xf32, #tpu.memory_space<vmem_shared>>
      tpu.wait_dma2 semaphore(%run_scoped3A : memref<!tpu.dma_semaphore, #tpu.memory_space<semaphore_mem>>) src(%dma_wait3A_204 : memref<64x128xf32, #tpu.memory_space<vmem_shared>>) dst(%arg11 : memref<64x128xf32, #tpu.memory_space<vmem>>)
      tpu.yield
    }) : () -> ()
    "tpu.region"() ({
      %run_scoped3A = tpu.sem_alloc : memref<!tpu.dma_semaphore, #tpu.memory_space<semaphore_mem>>
      %dma_start3A_197 = arith.constant 0 : i32
      %dma_start3A_198 = tpu.memref_slice %arg7[%arg0, %add3A_178, %dma_start3A_197] : memref<2x10000x128xf32, #tpu.memory_space<hbm>> -> memref<1x64x128xf32, #tpu.memory_space<hbm>>
      %dma_start3A_199 = tpu.memref_squeeze %dma_start3A_198 : memref<1x64x128xf32, #tpu.memory_space<hbm>> -> memref<64x128xf32, #tpu.memory_space<hbm>>
      %dma_start3A_200 = arith.constant 0 : i32
      %dma_start3A_201 = tpu.memref_slice %arg7[%arg0, %add3A_178, %dma_start3A_200] : memref<2x10000x128xf32, #tpu.memory_space<hbm>> -> memref<1x64x128xf32, #tpu.memory_space<hbm>>
      %dma_start3A_202 = tpu.memref_squeeze %dma_start3A_201 : memref<1x64x128xf32, #tpu.memory_space<hbm>> -> memref<64x128xf32, #tpu.memory_space<hbm>>
      tpu.enqueue_dma source(%arg11 : memref<64x128xf32, #tpu.memory_space<vmem>>) target(%dma_start3A_202 : memref<64x128xf32, #tpu.memory_space<hbm>>) target_semaphore(%run_scoped3A : memref<!tpu.dma_semaphore, #tpu.memory_space<semaphore_mem>>)
      %dma_wait3A_203 = arith.constant 0 : i32
      %dma_wait3A_204 = tpu.memref_slice %arg7[%arg0, %add3A_178, %dma_wait3A_203] : memref<2x10000x128xf32, #tpu.memory_space<hbm>> -> memref<1x64x128xf32, #tpu.memory_space<hbm>>
      %dma_wait3A_205 = tpu.memref_squeeze %dma_wait3A_204 : memref<1x64x128xf32, #tpu.memory_space<hbm>> -> memref<64x128xf32, #tpu.memory_space<hbm>>
      %dma_wait3A_206 = arith.constant 0 : i32
      %dma_wait3A_207 = tpu.memref_slice %arg7[%arg0, %add3A_178, %dma_wait3A_206] : memref<2x10000x128xf32, #tpu.memory_space<hbm>> -> memref<1x64x128xf32, #tpu.memory_space<hbm>>
      %dma_wait3A_208 = tpu.memref_squeeze %dma_wait3A_207 : memref<1x64x128xf32, #tpu.memory_space<hbm>> -> memref<64x128xf32, #tpu.memory_space<hbm>>
      tpu.wait_dma2 semaphore(%run_scoped3A : memref<!tpu.dma_semaphore, #tpu.memory_space<semaphore_mem>>) src(%arg11 : memref<64x128xf32, #tpu.memory_space<vmem>>) dst(%dma_wait3A_208 : memref<64x128xf32, #tpu.memory_space<hbm>>)
      tpu.yield
    }) : () -> ()
    %add3A_179 = arith.constant 64 : i32
    %add3A_180 = arith.addi %mul3A_54, %add3A_179 : i32
    "tpu.region"() ({
      %run_scoped3A = tpu.sem_alloc : memref<!tpu.dma_semaphore, #tpu.memory_space<semaphore_mem>>
      %dma_start3A_197 = arith.constant 0 : i32
      %dma_start3A_198 = tpu.memref_slice %arg18[%add3A_180, %dma_start3A_197] : memref<10000x128xf32, #tpu.memory_space<vmem_shared>> -> memref<64x128xf32, #tpu.memory_space<vmem_shared>>
      %dma_start3A_199 = arith.constant 0 : i32
      %dma_start3A_200 = tpu.memref_slice %arg18[%add3A_180, %dma_start3A_199] : memref<10000x128xf32, #tpu.memory_space<vmem_shared>> -> memref<64x128xf32, #tpu.memory_space<vmem_shared>>
      tpu.enqueue_dma source(%dma_start3A_200 : memref<64x128xf32, #tpu.memory_space<vmem_shared>>) target(%arg11 : memref<64x128xf32, #tpu.memory_space<vmem>>) target_semaphore(%run_scoped3A : memref<!tpu.dma_semaphore, #tpu.memory_space<semaphore_mem>>)
      %dma_wait3A_201 = arith.constant 0 : i32
      %dma_wait3A_202 = tpu.memref_slice %arg18[%add3A_180, %dma_wait3A_201] : memref<10000x128xf32, #tpu.memory_space<vmem_shared>> -> memref<64x128xf32, #tpu.memory_space<vmem_shared>>
      %dma_wait3A_203 = arith.constant 0 : i32
      %dma_wait3A_204 = tpu.memref_slice %arg18[%add3A_180, %dma_wait3A_203] : memref<10000x128xf32, #tpu.memory_space<vmem_shared>> -> memref<64x128xf32, #tpu.memory_space<vmem_shared>>
      tpu.wait_dma2 semaphore(%run_scoped3A : memref<!tpu.dma_semaphore, #tpu.memory_space<semaphore_mem>>) src(%dma_wait3A_204 : memref<64x128xf32, #tpu.memory_space<vmem_shared>>) dst(%arg11 : memref<64x128xf32, #tpu.memory_space<vmem>>)
      tpu.yield
    }) : () -> ()
    "tpu.region"() ({
      %run_scoped3A = tpu.sem_alloc : memref<!tpu.dma_semaphore, #tpu.memory_space<semaphore_mem>>
      %dma_start3A_197 = arith.constant 0 : i32
      %dma_start3A_198 = tpu.memref_slice %arg7[%arg0, %add3A_180, %dma_start3A_197] : memref<2x10000x128xf32, #tpu.memory_space<hbm>> -> memref<1x64x128xf32, #tpu.memory_space<hbm>>
      %dma_start3A_199 = tpu.memref_squeeze %dma_start3A_198 : memref<1x64x128xf32, #tpu.memory_space<hbm>> -> memref<64x128xf32, #tpu.memory_space<hbm>>
      %dma_start3A_200 = arith.constant 0 : i32
      %dma_start3A_201 = tpu.memref_slice %arg7[%arg0, %add3A_180, %dma_start3A_200] : memref<2x10000x128xf32, #tpu.memory_space<hbm>> -> memref<1x64x128xf32, #tpu.memory_space<hbm>>
      %dma_start3A_202 = tpu.memref_squeeze %dma_start3A_201 : memref<1x64x128xf32, #tpu.memory_space<hbm>> -> memref<64x128xf32, #tpu.memory_space<hbm>>
      tpu.enqueue_dma source(%arg11 : memref<64x128xf32, #tpu.memory_space<vmem>>) target(%dma_start3A_202 : memref<64x128xf32, #tpu.memory_space<hbm>>) target_semaphore(%run_scoped3A : memref<!tpu.dma_semaphore, #tpu.memory_space<semaphore_mem>>)
      %dma_wait3A_203 = arith.constant 0 : i32
      %dma_wait3A_204 = tpu.memref_slice %arg7[%arg0, %add3A_180, %dma_wait3A_203] : memref<2x10000x128xf32, #tpu.memory_space<hbm>> -> memref<1x64x128xf32, #tpu.memory_space<hbm>>
      %dma_wait3A_205 = tpu.memref_squeeze %dma_wait3A_204 : memref<1x64x128xf32, #tpu.memory_space<hbm>> -> memref<64x128xf32, #tpu.memory_space<hbm>>
      %dma_wait3A_206 = arith.constant 0 : i32
      %dma_wait3A_207 = tpu.memref_slice %arg7[%arg0, %add3A_180, %dma_wait3A_206] : memref<2x10000x128xf32, #tpu.memory_space<hbm>> -> memref<1x64x128xf32, #tpu.memory_space<hbm>>
      %dma_wait3A_208 = tpu.memref_squeeze %dma_wait3A_207 : memref<1x64x128xf32, #tpu.memory_space<hbm>> -> memref<64x128xf32, #tpu.memory_space<hbm>>
      tpu.wait_dma2 semaphore(%run_scoped3A : memref<!tpu.dma_semaphore, #tpu.memory_space<semaphore_mem>>) src(%arg11 : memref<64x128xf32, #tpu.memory_space<vmem>>) dst(%dma_wait3A_208 : memref<64x128xf32, #tpu.memory_space<hbm>>)
      tpu.yield
    }) : () -> ()
    %add3A_181 = arith.constant 128 : i32
    %add3A_182 = arith.addi %mul3A_54, %add3A_181 : i32
    "tpu.region"() ({
      %run_scoped3A = tpu.sem_alloc : memref<!tpu.dma_semaphore, #tpu.memory_space<semaphore_mem>>
      %dma_start3A_197 = arith.constant 0 : i32
      %dma_start3A_198 = tpu.memref_slice %arg18[%add3A_182, %dma_start3A_197] : memref<10000x128xf32, #tpu.memory_space<vmem_shared>> -> memref<64x128xf32, #tpu.memory_space<vmem_shared>>
      %dma_start3A_199 = arith.constant 0 : i32
      %dma_start3A_200 = tpu.memref_slice %arg18[%add3A_182, %dma_start3A_199] : memref<10000x128xf32, #tpu.memory_space<vmem_shared>> -> memref<64x128xf32, #tpu.memory_space<vmem_shared>>
      tpu.enqueue_dma source(%dma_start3A_200 : memref<64x128xf32, #tpu.memory_space<vmem_shared>>) target(%arg11 : memref<64x128xf32, #tpu.memory_space<vmem>>) target_semaphore(%run_scoped3A : memref<!tpu.dma_semaphore, #tpu.memory_space<semaphore_mem>>)
      %dma_wait3A_201 = arith.constant 0 : i32
      %dma_wait3A_202 = tpu.memref_slice %arg18[%add3A_182, %dma_wait3A_201] : memref<10000x128xf32, #tpu.memory_space<vmem_shared>> -> memref<64x128xf32, #tpu.memory_space<vmem_shared>>
      %dma_wait3A_203 = arith.constant 0 : i32
      %dma_wait3A_204 = tpu.memref_slice %arg18[%add3A_182, %dma_wait3A_203] : memref<10000x128xf32, #tpu.memory_space<vmem_shared>> -> memref<64x128xf32, #tpu.memory_space<vmem_shared>>
      tpu.wait_dma2 semaphore(%run_scoped3A : memref<!tpu.dma_semaphore, #tpu.memory_space<semaphore_mem>>) src(%dma_wait3A_204 : memref<64x128xf32, #tpu.memory_space<vmem_shared>>) dst(%arg11 : memref<64x128xf32, #tpu.memory_space<vmem>>)
      tpu.yield
    }) : () -> ()
    "tpu.region"() ({
      %run_scoped3A = tpu.sem_alloc : memref<!tpu.dma_semaphore, #tpu.memory_space<semaphore_mem>>
      %dma_start3A_197 = arith.constant 0 : i32
      %dma_start3A_198 = tpu.memref_slice %arg7[%arg0, %add3A_182, %dma_start3A_197] : memref<2x10000x128xf32, #tpu.memory_space<hbm>> -> memref<1x64x128xf32, #tpu.memory_space<hbm>>
      %dma_start3A_199 = tpu.memref_squeeze %dma_start3A_198 : memref<1x64x128xf32, #tpu.memory_space<hbm>> -> memref<64x128xf32, #tpu.memory_space<hbm>>
      %dma_start3A_200 = arith.constant 0 : i32
      %dma_start3A_201 = tpu.memref_slice %arg7[%arg0, %add3A_182, %dma_start3A_200] : memref<2x10000x128xf32, #tpu.memory_space<hbm>> -> memref<1x64x128xf32, #tpu.memory_space<hbm>>
      %dma_start3A_202 = tpu.memref_squeeze %dma_start3A_201 : memref<1x64x128xf32, #tpu.memory_space<hbm>> -> memref<64x128xf32, #tpu.memory_space<hbm>>
      tpu.enqueue_dma source(%arg11 : memref<64x128xf32, #tpu.memory_space<vmem>>) target(%dma_start3A_202 : memref<64x128xf32, #tpu.memory_space<hbm>>) target_semaphore(%run_scoped3A : memref<!tpu.dma_semaphore, #tpu.memory_space<semaphore_mem>>)
      %dma_wait3A_203 = arith.constant 0 : i32
      %dma_wait3A_204 = tpu.memref_slice %arg7[%arg0, %add3A_182, %dma_wait3A_203] : memref<2x10000x128xf32, #tpu.memory_space<hbm>> -> memref<1x64x128xf32, #tpu.memory_space<hbm>>
      %dma_wait3A_205 = tpu.memref_squeeze %dma_wait3A_204 : memref<1x64x128xf32, #tpu.memory_space<hbm>> -> memref<64x128xf32, #tpu.memory_space<hbm>>
      %dma_wait3A_206 = arith.constant 0 : i32
      %dma_wait3A_207 = tpu.memref_slice %arg7[%arg0, %add3A_182, %dma_wait3A_206] : memref<2x10000x128xf32, #tpu.memory_space<hbm>> -> memref<1x64x128xf32, #tpu.memory_space<hbm>>
      %dma_wait3A_208 = tpu.memref_squeeze %dma_wait3A_207 : memref<1x64x128xf32, #tpu.memory_space<hbm>> -> memref<64x128xf32, #tpu.memory_space<hbm>>
      tpu.wait_dma2 semaphore(%run_scoped3A : memref<!tpu.dma_semaphore, #tpu.memory_space<semaphore_mem>>) src(%arg11 : memref<64x128xf32, #tpu.memory_space<vmem>>) dst(%dma_wait3A_208 : memref<64x128xf32, #tpu.memory_space<hbm>>)
      tpu.yield
    }) : () -> ()
    %add3A_183 = arith.constant 192 : i32
    %add3A_184 = arith.addi %mul3A_54, %add3A_183 : i32
    "tpu.region"() ({
      %run_scoped3A = tpu.sem_alloc : memref<!tpu.dma_semaphore, #tpu.memory_space<semaphore_mem>>
      %dma_start3A_197 = arith.constant 0 : i32
      %dma_start3A_198 = tpu.memref_slice %arg18[%add3A_184, %dma_start3A_197] : memref<10000x128xf32, #tpu.memory_space<vmem_shared>> -> memref<64x128xf32, #tpu.memory_space<vmem_shared>>
      %dma_start3A_199 = arith.constant 0 : i32
      %dma_start3A_200 = tpu.memref_slice %arg18[%add3A_184, %dma_start3A_199] : memref<10000x128xf32, #tpu.memory_space<vmem_shared>> -> memref<64x128xf32, #tpu.memory_space<vmem_shared>>
      tpu.enqueue_dma source(%dma_start3A_200 : memref<64x128xf32, #tpu.memory_space<vmem_shared>>) target(%arg11 : memref<64x128xf32, #tpu.memory_space<vmem>>) target_semaphore(%run_scoped3A : memref<!tpu.dma_semaphore, #tpu.memory_space<semaphore_mem>>)
      %dma_wait3A_201 = arith.constant 0 : i32
      %dma_wait3A_202 = tpu.memref_slice %arg18[%add3A_184, %dma_wait3A_201] : memref<10000x128xf32, #tpu.memory_space<vmem_shared>> -> memref<64x128xf32, #tpu.memory_space<vmem_shared>>
      %dma_wait3A_203 = arith.constant 0 : i32
      %dma_wait3A_204 = tpu.memref_slice %arg18[%add3A_184, %dma_wait3A_203] : memref<10000x128xf32, #tpu.memory_space<vmem_shared>> -> memref<64x128xf32, #tpu.memory_space<vmem_shared>>
      tpu.wait_dma2 semaphore(%run_scoped3A : memref<!tpu.dma_semaphore, #tpu.memory_space<semaphore_mem>>) src(%dma_wait3A_204 : memref<64x128xf32, #tpu.memory_space<vmem_shared>>) dst(%arg11 : memref<64x128xf32, #tpu.memory_space<vmem>>)
      tpu.yield
    }) : () -> ()
    "tpu.region"() ({
      %run_scoped3A = tpu.sem_alloc : memref<!tpu.dma_semaphore, #tpu.memory_space<semaphore_mem>>
      %dma_start3A_197 = arith.constant 0 : i32
      %dma_start3A_198 = tpu.memref_slice %arg7[%arg0, %add3A_184, %dma_start3A_197] : memref<2x10000x128xf32, #tpu.memory_space<hbm>> -> memref<1x64x128xf32, #tpu.memory_space<hbm>>
      %dma_start3A_199 = tpu.memref_squeeze %dma_start3A_198 : memref<1x64x128xf32, #tpu.memory_space<hbm>> -> memref<64x128xf32, #tpu.memory_space<hbm>>
      %dma_start3A_200 = arith.constant 0 : i32
      %dma_start3A_201 = tpu.memref_slice %arg7[%arg0, %add3A_184, %dma_start3A_200] : memref<2x10000x128xf32, #tpu.memory_space<hbm>> -> memref<1x64x128xf32, #tpu.memory_space<hbm>>
      %dma_start3A_202 = tpu.memref_squeeze %dma_start3A_201 : memref<1x64x128xf32, #tpu.memory_space<hbm>> -> memref<64x128xf32, #tpu.memory_space<hbm>>
      tpu.enqueue_dma source(%arg11 : memref<64x128xf32, #tpu.memory_space<vmem>>) target(%dma_start3A_202 : memref<64x128xf32, #tpu.memory_space<hbm>>) target_semaphore(%run_scoped3A : memref<!tpu.dma_semaphore, #tpu.memory_space<semaphore_mem>>)
      %dma_wait3A_203 = arith.constant 0 : i32
      %dma_wait3A_204 = tpu.memref_slice %arg7[%arg0, %add3A_184, %dma_wait3A_203] : memref<2x10000x128xf32, #tpu.memory_space<hbm>> -> memref<1x64x128xf32, #tpu.memory_space<hbm>>
      %dma_wait3A_205 = tpu.memref_squeeze %dma_wait3A_204 : memref<1x64x128xf32, #tpu.memory_space<hbm>> -> memref<64x128xf32, #tpu.memory_space<hbm>>
      %dma_wait3A_206 = arith.constant 0 : i32
      %dma_wait3A_207 = tpu.memref_slice %arg7[%arg0, %add3A_184, %dma_wait3A_206] : memref<2x10000x128xf32, #tpu.memory_space<hbm>> -> memref<1x64x128xf32, #tpu.memory_space<hbm>>
      %dma_wait3A_208 = tpu.memref_squeeze %dma_wait3A_207 : memref<1x64x128xf32, #tpu.memory_space<hbm>> -> memref<64x128xf32, #tpu.memory_space<hbm>>
      tpu.wait_dma2 semaphore(%run_scoped3A : memref<!tpu.dma_semaphore, #tpu.memory_space<semaphore_mem>>) src(%arg11 : memref<64x128xf32, #tpu.memory_space<vmem>>) dst(%dma_wait3A_208 : memref<64x128xf32, #tpu.memory_space<hbm>>)
      tpu.yield
    }) : () -> ()
    %add3A_185 = arith.constant 256 : i32
    %add3A_186 = arith.addi %mul3A_54, %add3A_185 : i32
    "tpu.region"() ({
      %run_scoped3A = tpu.sem_alloc : memref<!tpu.dma_semaphore, #tpu.memory_space<semaphore_mem>>
      %dma_start3A_197 = arith.constant 0 : i32
      %dma_start3A_198 = tpu.memref_slice %arg18[%add3A_186, %dma_start3A_197] : memref<10000x128xf32, #tpu.memory_space<vmem_shared>> -> memref<64x128xf32, #tpu.memory_space<vmem_shared>>
      %dma_start3A_199 = arith.constant 0 : i32
      %dma_start3A_200 = tpu.memref_slice %arg18[%add3A_186, %dma_start3A_199] : memref<10000x128xf32, #tpu.memory_space<vmem_shared>> -> memref<64x128xf32, #tpu.memory_space<vmem_shared>>
      tpu.enqueue_dma source(%dma_start3A_200 : memref<64x128xf32, #tpu.memory_space<vmem_shared>>) target(%arg11 : memref<64x128xf32, #tpu.memory_space<vmem>>) target_semaphore(%run_scoped3A : memref<!tpu.dma_semaphore, #tpu.memory_space<semaphore_mem>>)
      %dma_wait3A_201 = arith.constant 0 : i32
      %dma_wait3A_202 = tpu.memref_slice %arg18[%add3A_186, %dma_wait3A_201] : memref<10000x128xf32, #tpu.memory_space<vmem_shared>> -> memref<64x128xf32, #tpu.memory_space<vmem_shared>>
      %dma_wait3A_203 = arith.constant 0 : i32
      %dma_wait3A_204 = tpu.memref_slice %arg18[%add3A_186, %dma_wait3A_203] : memref<10000x128xf32, #tpu.memory_space<vmem_shared>> -> memref<64x128xf32, #tpu.memory_space<vmem_shared>>
      tpu.wait_dma2 semaphore(%run_scoped3A : memref<!tpu.dma_semaphore, #tpu.memory_space<semaphore_mem>>) src(%dma_wait3A_204 : memref<64x128xf32, #tpu.memory_space<vmem_shared>>) dst(%arg11 : memref<64x128xf32, #tpu.memory_space<vmem>>)
      tpu.yield
    }) : () -> ()
    "tpu.region"() ({
      %run_scoped3A = tpu.sem_alloc : memref<!tpu.dma_semaphore, #tpu.memory_space<semaphore_mem>>
      %dma_start3A_197 = arith.constant 0 : i32
      %dma_start3A_198 = tpu.memref_slice %arg7[%arg0, %add3A_186, %dma_start3A_197] : memref<2x10000x128xf32, #tpu.memory_space<hbm>> -> memref<1x64x128xf32, #tpu.memory_space<hbm>>
      %dma_start3A_199 = tpu.memref_squeeze %dma_start3A_198 : memref<1x64x128xf32, #tpu.memory_space<hbm>> -> memref<64x128xf32, #tpu.memory_space<hbm>>
      %dma_start3A_200 = arith.constant 0 : i32
      %dma_start3A_201 = tpu.memref_slice %arg7[%arg0, %add3A_186, %dma_start3A_200] : memref<2x10000x128xf32, #tpu.memory_space<hbm>> -> memref<1x64x128xf32, #tpu.memory_space<hbm>>
      %dma_start3A_202 = tpu.memref_squeeze %dma_start3A_201 : memref<1x64x128xf32, #tpu.memory_space<hbm>> -> memref<64x128xf32, #tpu.memory_space<hbm>>
      tpu.enqueue_dma source(%arg11 : memref<64x128xf32, #tpu.memory_space<vmem>>) target(%dma_start3A_202 : memref<64x128xf32, #tpu.memory_space<hbm>>) target_semaphore(%run_scoped3A : memref<!tpu.dma_semaphore, #tpu.memory_space<semaphore_mem>>)
      %dma_wait3A_203 = arith.constant 0 : i32
      %dma_wait3A_204 = tpu.memref_slice %arg7[%arg0, %add3A_186, %dma_wait3A_203] : memref<2x10000x128xf32, #tpu.memory_space<hbm>> -> memref<1x64x128xf32, #tpu.memory_space<hbm>>
      %dma_wait3A_205 = tpu.memref_squeeze %dma_wait3A_204 : memref<1x64x128xf32, #tpu.memory_space<hbm>> -> memref<64x128xf32, #tpu.memory_space<hbm>>
      %dma_wait3A_206 = arith.constant 0 : i32
      %dma_wait3A_207 = tpu.memref_slice %arg7[%arg0, %add3A_186, %dma_wait3A_206] : memref<2x10000x128xf32, #tpu.memory_space<hbm>> -> memref<1x64x128xf32, #tpu.memory_space<hbm>>
      %dma_wait3A_208 = tpu.memref_squeeze %dma_wait3A_207 : memref<1x64x128xf32, #tpu.memory_space<hbm>> -> memref<64x128xf32, #tpu.memory_space<hbm>>
      tpu.wait_dma2 semaphore(%run_scoped3A : memref<!tpu.dma_semaphore, #tpu.memory_space<semaphore_mem>>) src(%arg11 : memref<64x128xf32, #tpu.memory_space<vmem>>) dst(%dma_wait3A_208 : memref<64x128xf32, #tpu.memory_space<hbm>>)
      tpu.yield
    }) : () -> ()
    %add3A_187 = arith.constant 320 : i32
    %add3A_188 = arith.addi %mul3A_54, %add3A_187 : i32
    "tpu.region"() ({
      %run_scoped3A = tpu.sem_alloc : memref<!tpu.dma_semaphore, #tpu.memory_space<semaphore_mem>>
      %dma_start3A_197 = arith.constant 0 : i32
      %dma_start3A_198 = tpu.memref_slice %arg18[%add3A_188, %dma_start3A_197] : memref<10000x128xf32, #tpu.memory_space<vmem_shared>> -> memref<64x128xf32, #tpu.memory_space<vmem_shared>>
      %dma_start3A_199 = arith.constant 0 : i32
      %dma_start3A_200 = tpu.memref_slice %arg18[%add3A_188, %dma_start3A_199] : memref<10000x128xf32, #tpu.memory_space<vmem_shared>> -> memref<64x128xf32, #tpu.memory_space<vmem_shared>>
      tpu.enqueue_dma source(%dma_start3A_200 : memref<64x128xf32, #tpu.memory_space<vmem_shared>>) target(%arg11 : memref<64x128xf32, #tpu.memory_space<vmem>>) target_semaphore(%run_scoped3A : memref<!tpu.dma_semaphore, #tpu.memory_space<semaphore_mem>>)
      %dma_wait3A_201 = arith.constant 0 : i32
      %dma_wait3A_202 = tpu.memref_slice %arg18[%add3A_188, %dma_wait3A_201] : memref<10000x128xf32, #tpu.memory_space<vmem_shared>> -> memref<64x128xf32, #tpu.memory_space<vmem_shared>>
      %dma_wait3A_203 = arith.constant 0 : i32
      %dma_wait3A_204 = tpu.memref_slice %arg18[%add3A_188, %dma_wait3A_203] : memref<10000x128xf32, #tpu.memory_space<vmem_shared>> -> memref<64x128xf32, #tpu.memory_space<vmem_shared>>
      tpu.wait_dma2 semaphore(%run_scoped3A : memref<!tpu.dma_semaphore, #tpu.memory_space<semaphore_mem>>) src(%dma_wait3A_204 : memref<64x128xf32, #tpu.memory_space<vmem_shared>>) dst(%arg11 : memref<64x128xf32, #tpu.memory_space<vmem>>)
      tpu.yield
    }) : () -> ()
    "tpu.region"() ({
      %run_scoped3A = tpu.sem_alloc : memref<!tpu.dma_semaphore, #tpu.memory_space<semaphore_mem>>
      %dma_start3A_197 = arith.constant 0 : i32
      %dma_start3A_198 = tpu.memref_slice %arg7[%arg0, %add3A_188, %dma_start3A_197] : memref<2x10000x128xf32, #tpu.memory_space<hbm>> -> memref<1x64x128xf32, #tpu.memory_space<hbm>>
      %dma_start3A_199 = tpu.memref_squeeze %dma_start3A_198 : memref<1x64x128xf32, #tpu.memory_space<hbm>> -> memref<64x128xf32, #tpu.memory_space<hbm>>
      %dma_start3A_200 = arith.constant 0 : i32
      %dma_start3A_201 = tpu.memref_slice %arg7[%arg0, %add3A_188, %dma_start3A_200] : memref<2x10000x128xf32, #tpu.memory_space<hbm>> -> memref<1x64x128xf32, #tpu.memory_space<hbm>>
      %dma_start3A_202 = tpu.memref_squeeze %dma_start3A_201 : memref<1x64x128xf32, #tpu.memory_space<hbm>> -> memref<64x128xf32, #tpu.memory_space<hbm>>
      tpu.enqueue_dma source(%arg11 : memref<64x128xf32, #tpu.memory_space<vmem>>) target(%dma_start3A_202 : memref<64x128xf32, #tpu.memory_space<hbm>>) target_semaphore(%run_scoped3A : memref<!tpu.dma_semaphore, #tpu.memory_space<semaphore_mem>>)
      %dma_wait3A_203 = arith.constant 0 : i32
      %dma_wait3A_204 = tpu.memref_slice %arg7[%arg0, %add3A_188, %dma_wait3A_203] : memref<2x10000x128xf32, #tpu.memory_space<hbm>> -> memref<1x64x128xf32, #tpu.memory_space<hbm>>
      %dma_wait3A_205 = tpu.memref_squeeze %dma_wait3A_204 : memref<1x64x128xf32, #tpu.memory_space<hbm>> -> memref<64x128xf32, #tpu.memory_space<hbm>>
      %dma_wait3A_206 = arith.constant 0 : i32
      %dma_wait3A_207 = tpu.memref_slice %arg7[%arg0, %add3A_188, %dma_wait3A_206] : memref<2x10000x128xf32, #tpu.memory_space<hbm>> -> memref<1x64x128xf32, #tpu.memory_space<hbm>>
      %dma_wait3A_208 = tpu.memref_squeeze %dma_wait3A_207 : memref<1x64x128xf32, #tpu.memory_space<hbm>> -> memref<64x128xf32, #tpu.memory_space<hbm>>
      tpu.wait_dma2 semaphore(%run_scoped3A : memref<!tpu.dma_semaphore, #tpu.memory_space<semaphore_mem>>) src(%arg11 : memref<64x128xf32, #tpu.memory_space<vmem>>) dst(%dma_wait3A_208 : memref<64x128xf32, #tpu.memory_space<hbm>>)
      tpu.yield
    }) : () -> ()
    %add3A_189 = arith.constant 384 : i32
    %add3A_190 = arith.addi %mul3A_54, %add3A_189 : i32
    "tpu.region"() ({
      %run_scoped3A = tpu.sem_alloc : memref<!tpu.dma_semaphore, #tpu.memory_space<semaphore_mem>>
      %dma_start3A_197 = arith.constant 0 : i32
      %dma_start3A_198 = tpu.memref_slice %arg18[%add3A_190, %dma_start3A_197] : memref<10000x128xf32, #tpu.memory_space<vmem_shared>> -> memref<64x128xf32, #tpu.memory_space<vmem_shared>>
      %dma_start3A_199 = arith.constant 0 : i32
      %dma_start3A_200 = tpu.memref_slice %arg18[%add3A_190, %dma_start3A_199] : memref<10000x128xf32, #tpu.memory_space<vmem_shared>> -> memref<64x128xf32, #tpu.memory_space<vmem_shared>>
      tpu.enqueue_dma source(%dma_start3A_200 : memref<64x128xf32, #tpu.memory_space<vmem_shared>>) target(%arg11 : memref<64x128xf32, #tpu.memory_space<vmem>>) target_semaphore(%run_scoped3A : memref<!tpu.dma_semaphore, #tpu.memory_space<semaphore_mem>>)
      %dma_wait3A_201 = arith.constant 0 : i32
      %dma_wait3A_202 = tpu.memref_slice %arg18[%add3A_190, %dma_wait3A_201] : memref<10000x128xf32, #tpu.memory_space<vmem_shared>> -> memref<64x128xf32, #tpu.memory_space<vmem_shared>>
      %dma_wait3A_203 = arith.constant 0 : i32
      %dma_wait3A_204 = tpu.memref_slice %arg18[%add3A_190, %dma_wait3A_203] : memref<10000x128xf32, #tpu.memory_space<vmem_shared>> -> memref<64x128xf32, #tpu.memory_space<vmem_shared>>
      tpu.wait_dma2 semaphore(%run_scoped3A : memref<!tpu.dma_semaphore, #tpu.memory_space<semaphore_mem>>) src(%dma_wait3A_204 : memref<64x128xf32, #tpu.memory_space<vmem_shared>>) dst(%arg11 : memref<64x128xf32, #tpu.memory_space<vmem>>)
      tpu.yield
    }) : () -> ()
    "tpu.region"() ({
      %run_scoped3A = tpu.sem_alloc : memref<!tpu.dma_semaphore, #tpu.memory_space<semaphore_mem>>
      %dma_start3A_197 = arith.constant 0 : i32
      %dma_start3A_198 = tpu.memref_slice %arg7[%arg0, %add3A_190, %dma_start3A_197] : memref<2x10000x128xf32, #tpu.memory_space<hbm>> -> memref<1x64x128xf32, #tpu.memory_space<hbm>>
      %dma_start3A_199 = tpu.memref_squeeze %dma_start3A_198 : memref<1x64x128xf32, #tpu.memory_space<hbm>> -> memref<64x128xf32, #tpu.memory_space<hbm>>
      %dma_start3A_200 = arith.constant 0 : i32
      %dma_start3A_201 = tpu.memref_slice %arg7[%arg0, %add3A_190, %dma_start3A_200] : memref<2x10000x128xf32, #tpu.memory_space<hbm>> -> memref<1x64x128xf32, #tpu.memory_space<hbm>>
      %dma_start3A_202 = tpu.memref_squeeze %dma_start3A_201 : memref<1x64x128xf32, #tpu.memory_space<hbm>> -> memref<64x128xf32, #tpu.memory_space<hbm>>
      tpu.enqueue_dma source(%arg11 : memref<64x128xf32, #tpu.memory_space<vmem>>) target(%dma_start3A_202 : memref<64x128xf32, #tpu.memory_space<hbm>>) target_semaphore(%run_scoped3A : memref<!tpu.dma_semaphore, #tpu.memory_space<semaphore_mem>>)
      %dma_wait3A_203 = arith.constant 0 : i32
      %dma_wait3A_204 = tpu.memref_slice %arg7[%arg0, %add3A_190, %dma_wait3A_203] : memref<2x10000x128xf32, #tpu.memory_space<hbm>> -> memref<1x64x128xf32, #tpu.memory_space<hbm>>
      %dma_wait3A_205 = tpu.memref_squeeze %dma_wait3A_204 : memref<1x64x128xf32, #tpu.memory_space<hbm>> -> memref<64x128xf32, #tpu.memory_space<hbm>>
      %dma_wait3A_206 = arith.constant 0 : i32
      %dma_wait3A_207 = tpu.memref_slice %arg7[%arg0, %add3A_190, %dma_wait3A_206] : memref<2x10000x128xf32, #tpu.memory_space<hbm>> -> memref<1x64x128xf32, #tpu.memory_space<hbm>>
      %dma_wait3A_208 = tpu.memref_squeeze %dma_wait3A_207 : memref<1x64x128xf32, #tpu.memory_space<hbm>> -> memref<64x128xf32, #tpu.memory_space<hbm>>
      tpu.wait_dma2 semaphore(%run_scoped3A : memref<!tpu.dma_semaphore, #tpu.memory_space<semaphore_mem>>) src(%arg11 : memref<64x128xf32, #tpu.memory_space<vmem>>) dst(%dma_wait3A_208 : memref<64x128xf32, #tpu.memory_space<hbm>>)
      tpu.yield
    }) : () -> ()
    %add3A_191 = arith.constant 448 : i32
    %add3A_192 = arith.addi %mul3A_54, %add3A_191 : i32
    "tpu.region"() ({
      %run_scoped3A = tpu.sem_alloc : memref<!tpu.dma_semaphore, #tpu.memory_space<semaphore_mem>>
      %dma_start3A_197 = arith.constant 0 : i32
      %dma_start3A_198 = tpu.memref_slice %arg18[%add3A_192, %dma_start3A_197] : memref<10000x128xf32, #tpu.memory_space<vmem_shared>> -> memref<64x128xf32, #tpu.memory_space<vmem_shared>>
      %dma_start3A_199 = arith.constant 0 : i32
      %dma_start3A_200 = tpu.memref_slice %arg18[%add3A_192, %dma_start3A_199] : memref<10000x128xf32, #tpu.memory_space<vmem_shared>> -> memref<64x128xf32, #tpu.memory_space<vmem_shared>>
      tpu.enqueue_dma source(%dma_start3A_200 : memref<64x128xf32, #tpu.memory_space<vmem_shared>>) target(%arg11 : memref<64x128xf32, #tpu.memory_space<vmem>>) target_semaphore(%run_scoped3A : memref<!tpu.dma_semaphore, #tpu.memory_space<semaphore_mem>>)
      %dma_wait3A_201 = arith.constant 0 : i32
      %dma_wait3A_202 = tpu.memref_slice %arg18[%add3A_192, %dma_wait3A_201] : memref<10000x128xf32, #tpu.memory_space<vmem_shared>> -> memref<64x128xf32, #tpu.memory_space<vmem_shared>>
      %dma_wait3A_203 = arith.constant 0 : i32
      %dma_wait3A_204 = tpu.memref_slice %arg18[%add3A_192, %dma_wait3A_203] : memref<10000x128xf32, #tpu.memory_space<vmem_shared>> -> memref<64x128xf32, #tpu.memory_space<vmem_shared>>
      tpu.wait_dma2 semaphore(%run_scoped3A : memref<!tpu.dma_semaphore, #tpu.memory_space<semaphore_mem>>) src(%dma_wait3A_204 : memref<64x128xf32, #tpu.memory_space<vmem_shared>>) dst(%arg11 : memref<64x128xf32, #tpu.memory_space<vmem>>)
      tpu.yield
    }) : () -> ()
    "tpu.region"() ({
      %run_scoped3A = tpu.sem_alloc : memref<!tpu.dma_semaphore, #tpu.memory_space<semaphore_mem>>
      %dma_start3A_197 = arith.constant 0 : i32
      %dma_start3A_198 = tpu.memref_slice %arg7[%arg0, %add3A_192, %dma_start3A_197] : memref<2x10000x128xf32, #tpu.memory_space<hbm>> -> memref<1x64x128xf32, #tpu.memory_space<hbm>>
      %dma_start3A_199 = tpu.memref_squeeze %dma_start3A_198 : memref<1x64x128xf32, #tpu.memory_space<hbm>> -> memref<64x128xf32, #tpu.memory_space<hbm>>
      %dma_start3A_200 = arith.constant 0 : i32
      %dma_start3A_201 = tpu.memref_slice %arg7[%arg0, %add3A_192, %dma_start3A_200] : memref<2x10000x128xf32, #tpu.memory_space<hbm>> -> memref<1x64x128xf32, #tpu.memory_space<hbm>>
      %dma_start3A_202 = tpu.memref_squeeze %dma_start3A_201 : memref<1x64x128xf32, #tpu.memory_space<hbm>> -> memref<64x128xf32, #tpu.memory_space<hbm>>
      tpu.enqueue_dma source(%arg11 : memref<64x128xf32, #tpu.memory_space<vmem>>) target(%dma_start3A_202 : memref<64x128xf32, #tpu.memory_space<hbm>>) target_semaphore(%run_scoped3A : memref<!tpu.dma_semaphore, #tpu.memory_space<semaphore_mem>>)
      %dma_wait3A_203 = arith.constant 0 : i32
      %dma_wait3A_204 = tpu.memref_slice %arg7[%arg0, %add3A_192, %dma_wait3A_203] : memref<2x10000x128xf32, #tpu.memory_space<hbm>> -> memref<1x64x128xf32, #tpu.memory_space<hbm>>
      %dma_wait3A_205 = tpu.memref_squeeze %dma_wait3A_204 : memref<1x64x128xf32, #tpu.memory_space<hbm>> -> memref<64x128xf32, #tpu.memory_space<hbm>>
      %dma_wait3A_206 = arith.constant 0 : i32
      %dma_wait3A_207 = tpu.memref_slice %arg7[%arg0, %add3A_192, %dma_wait3A_206] : memref<2x10000x128xf32, #tpu.memory_space<hbm>> -> memref<1x64x128xf32, #tpu.memory_space<hbm>>
      %dma_wait3A_208 = tpu.memref_squeeze %dma_wait3A_207 : memref<1x64x128xf32, #tpu.memory_space<hbm>> -> memref<64x128xf32, #tpu.memory_space<hbm>>
      tpu.wait_dma2 semaphore(%run_scoped3A : memref<!tpu.dma_semaphore, #tpu.memory_space<semaphore_mem>>) src(%arg11 : memref<64x128xf32, #tpu.memory_space<vmem>>) dst(%dma_wait3A_208 : memref<64x128xf32, #tpu.memory_space<hbm>>)
      tpu.yield
    }) : () -> ()
    %add3A_193 = arith.constant 512 : i32
    %add3A_194 = arith.addi %mul3A_54, %add3A_193 : i32
    "tpu.region"() ({
      %run_scoped3A = tpu.sem_alloc : memref<!tpu.dma_semaphore, #tpu.memory_space<semaphore_mem>>
      %dma_start3A_197 = arith.constant 0 : i32
      %dma_start3A_198 = tpu.memref_slice %arg18[%add3A_194, %dma_start3A_197] : memref<10000x128xf32, #tpu.memory_space<vmem_shared>> -> memref<64x128xf32, #tpu.memory_space<vmem_shared>>
      %dma_start3A_199 = arith.constant 0 : i32
      %dma_start3A_200 = tpu.memref_slice %arg18[%add3A_194, %dma_start3A_199] : memref<10000x128xf32, #tpu.memory_space<vmem_shared>> -> memref<64x128xf32, #tpu.memory_space<vmem_shared>>
      tpu.enqueue_dma source(%dma_start3A_200 : memref<64x128xf32, #tpu.memory_space<vmem_shared>>) target(%arg11 : memref<64x128xf32, #tpu.memory_space<vmem>>) target_semaphore(%run_scoped3A : memref<!tpu.dma_semaphore, #tpu.memory_space<semaphore_mem>>)
      %dma_wait3A_201 = arith.constant 0 : i32
      %dma_wait3A_202 = tpu.memref_slice %arg18[%add3A_194, %dma_wait3A_201] : memref<10000x128xf32, #tpu.memory_space<vmem_shared>> -> memref<64x128xf32, #tpu.memory_space<vmem_shared>>
      %dma_wait3A_203 = arith.constant 0 : i32
      %dma_wait3A_204 = tpu.memref_slice %arg18[%add3A_194, %dma_wait3A_203] : memref<10000x128xf32, #tpu.memory_space<vmem_shared>> -> memref<64x128xf32, #tpu.memory_space<vmem_shared>>
      tpu.wait_dma2 semaphore(%run_scoped3A : memref<!tpu.dma_semaphore, #tpu.memory_space<semaphore_mem>>) src(%dma_wait3A_204 : memref<64x128xf32, #tpu.memory_space<vmem_shared>>) dst(%arg11 : memref<64x128xf32, #tpu.memory_space<vmem>>)
      tpu.yield
    }) : () -> ()
    "tpu.region"() ({
      %run_scoped3A = tpu.sem_alloc : memref<!tpu.dma_semaphore, #tpu.memory_space<semaphore_mem>>
      %dma_start3A_197 = arith.constant 0 : i32
      %dma_start3A_198 = tpu.memref_slice %arg7[%arg0, %add3A_194, %dma_start3A_197] : memref<2x10000x128xf32, #tpu.memory_space<hbm>> -> memref<1x64x128xf32, #tpu.memory_space<hbm>>
      %dma_start3A_199 = tpu.memref_squeeze %dma_start3A_198 : memref<1x64x128xf32, #tpu.memory_space<hbm>> -> memref<64x128xf32, #tpu.memory_space<hbm>>
      %dma_start3A_200 = arith.constant 0 : i32
      %dma_start3A_201 = tpu.memref_slice %arg7[%arg0, %add3A_194, %dma_start3A_200] : memref<2x10000x128xf32, #tpu.memory_space<hbm>> -> memref<1x64x128xf32, #tpu.memory_space<hbm>>
      %dma_start3A_202 = tpu.memref_squeeze %dma_start3A_201 : memref<1x64x128xf32, #tpu.memory_space<hbm>> -> memref<64x128xf32, #tpu.memory_space<hbm>>
      tpu.enqueue_dma source(%arg11 : memref<64x128xf32, #tpu.memory_space<vmem>>) target(%dma_start3A_202 : memref<64x128xf32, #tpu.memory_space<hbm>>) target_semaphore(%run_scoped3A : memref<!tpu.dma_semaphore, #tpu.memory_space<semaphore_mem>>)
      %dma_wait3A_203 = arith.constant 0 : i32
      %dma_wait3A_204 = tpu.memref_slice %arg7[%arg0, %add3A_194, %dma_wait3A_203] : memref<2x10000x128xf32, #tpu.memory_space<hbm>> -> memref<1x64x128xf32, #tpu.memory_space<hbm>>
      %dma_wait3A_205 = tpu.memref_squeeze %dma_wait3A_204 : memref<1x64x128xf32, #tpu.memory_space<hbm>> -> memref<64x128xf32, #tpu.memory_space<hbm>>
      %dma_wait3A_206 = arith.constant 0 : i32
      %dma_wait3A_207 = tpu.memref_slice %arg7[%arg0, %add3A_194, %dma_wait3A_206] : memref<2x10000x128xf32, #tpu.memory_space<hbm>> -> memref<1x64x128xf32, #tpu.memory_space<hbm>>
      %dma_wait3A_208 = tpu.memref_squeeze %dma_wait3A_207 : memref<1x64x128xf32, #tpu.memory_space<hbm>> -> memref<64x128xf32, #tpu.memory_space<hbm>>
      tpu.wait_dma2 semaphore(%run_scoped3A : memref<!tpu.dma_semaphore, #tpu.memory_space<semaphore_mem>>) src(%arg11 : memref<64x128xf32, #tpu.memory_space<vmem>>) dst(%dma_wait3A_208 : memref<64x128xf32, #tpu.memory_space<hbm>>)
      tpu.yield
    }) : () -> ()
    %add3A_195 = arith.constant 576 : i32
    %add3A_196 = arith.addi %mul3A_54, %add3A_195 : i32
    "tpu.region"() ({
      %run_scoped3A = tpu.sem_alloc : memref<!tpu.dma_semaphore, #tpu.memory_space<semaphore_mem>>
      %dma_start3A_197 = arith.constant 0 : i32
      %dma_start3A_198 = tpu.memref_slice %arg18[%add3A_196, %dma_start3A_197] : memref<10000x128xf32, #tpu.memory_space<vmem_shared>> -> memref<64x128xf32, #tpu.memory_space<vmem_shared>>
      %dma_start3A_199 = arith.constant 0 : i32
      %dma_start3A_200 = tpu.memref_slice %arg18[%add3A_196, %dma_start3A_199] : memref<10000x128xf32, #tpu.memory_space<vmem_shared>> -> memref<64x128xf32, #tpu.memory_space<vmem_shared>>
      tpu.enqueue_dma source(%dma_start3A_200 : memref<64x128xf32, #tpu.memory_space<vmem_shared>>) target(%arg11 : memref<64x128xf32, #tpu.memory_space<vmem>>) target_semaphore(%run_scoped3A : memref<!tpu.dma_semaphore, #tpu.memory_space<semaphore_mem>>)
      %dma_wait3A_201 = arith.constant 0 : i32
      %dma_wait3A_202 = tpu.memref_slice %arg18[%add3A_196, %dma_wait3A_201] : memref<10000x128xf32, #tpu.memory_space<vmem_shared>> -> memref<64x128xf32, #tpu.memory_space<vmem_shared>>
      %dma_wait3A_203 = arith.constant 0 : i32
      %dma_wait3A_204 = tpu.memref_slice %arg18[%add3A_196, %dma_wait3A_203] : memref<10000x128xf32, #tpu.memory_space<vmem_shared>> -> memref<64x128xf32, #tpu.memory_space<vmem_shared>>
      tpu.wait_dma2 semaphore(%run_scoped3A : memref<!tpu.dma_semaphore, #tpu.memory_space<semaphore_mem>>) src(%dma_wait3A_204 : memref<64x128xf32, #tpu.memory_space<vmem_shared>>) dst(%arg11 : memref<64x128xf32, #tpu.memory_space<vmem>>)
      tpu.yield
    }) : () -> ()
    "tpu.region"() ({
      %run_scoped3A = tpu.sem_alloc : memref<!tpu.dma_semaphore, #tpu.memory_space<semaphore_mem>>
      %dma_start3A_197 = arith.constant 0 : i32
      %dma_start3A_198 = tpu.memref_slice %arg7[%arg0, %add3A_196, %dma_start3A_197] : memref<2x10000x128xf32, #tpu.memory_space<hbm>> -> memref<1x64x128xf32, #tpu.memory_space<hbm>>
      %dma_start3A_199 = tpu.memref_squeeze %dma_start3A_198 : memref<1x64x128xf32, #tpu.memory_space<hbm>> -> memref<64x128xf32, #tpu.memory_space<hbm>>
      %dma_start3A_200 = arith.constant 0 : i32
      %dma_start3A_201 = tpu.memref_slice %arg7[%arg0, %add3A_196, %dma_start3A_200] : memref<2x10000x128xf32, #tpu.memory_space<hbm>> -> memref<1x64x128xf32, #tpu.memory_space<hbm>>
      %dma_start3A_202 = tpu.memref_squeeze %dma_start3A_201 : memref<1x64x128xf32, #tpu.memory_space<hbm>> -> memref<64x128xf32, #tpu.memory_space<hbm>>
      tpu.enqueue_dma source(%arg11 : memref<64x128xf32, #tpu.memory_space<vmem>>) target(%dma_start3A_202 : memref<64x128xf32, #tpu.memory_space<hbm>>) target_semaphore(%run_scoped3A : memref<!tpu.dma_semaphore, #tpu.memory_space<semaphore_mem>>)
      %dma_wait3A_203 = arith.constant 0 : i32
      %dma_wait3A_204 = tpu.memref_slice %arg7[%arg0, %add3A_196, %dma_wait3A_203] : memref<2x10000x128xf32, #tpu.memory_space<hbm>> -> memref<1x64x128xf32, #tpu.memory_space<hbm>>
      %dma_wait3A_205 = tpu.memref_squeeze %dma_wait3A_204 : memref<1x64x128xf32, #tpu.memory_space<hbm>> -> memref<64x128xf32, #tpu.memory_space<hbm>>
      %dma_wait3A_206 = arith.constant 0 : i32
      %dma_wait3A_207 = tpu.memref_slice %arg7[%arg0, %add3A_196, %dma_wait3A_206] : memref<2x10000x128xf32, #tpu.memory_space<hbm>> -> memref<1x64x128xf32, #tpu.memory_space<hbm>>
      %dma_wait3A_208 = tpu.memref_squeeze %dma_wait3A_207 : memref<1x64x128xf32, #tpu.memory_space<hbm>> -> memref<64x128xf32, #tpu.memory_space<hbm>>
      tpu.wait_dma2 semaphore(%run_scoped3A : memref<!tpu.dma_semaphore, #tpu.memory_space<semaphore_mem>>) src(%arg11 : memref<64x128xf32, #tpu.memory_space<vmem>>) dst(%dma_wait3A_208 : memref<64x128xf32, #tpu.memory_space<hbm>>)
      tpu.yield
    }) : () -> ()
    return
  }
}

#map = affine_map<(d0, d1) -> (0)>
module attributes {stable_mosaic.version = 14 : i64} {
  func.func @_sc_cnt_body(%arg0: i32, %arg1: i32, %arg2: memref<320000xi32, #tpu.memory_space<hbm>>, %arg3: memref<20000xf32, #tpu.memory_space<hbm>>, %arg4: memref<128xi32, #tpu.memory_space<vmem>>, %arg5: memref<128xf32, #tpu.memory_space<vmem>>, %arg6: memref<640xf32, #tpu.memory_space<vmem>>, %arg7: memref<640xf32, #tpu.memory_space<vmem>>, %arg8: memref<10000xf32, #tpu.memory_space<vmem_shared>>) attributes {dimension_semantics = [#tpu.dimension_semantics<core_parallel>, #tpu.dimension_semantics<subcore_parallel>], iteration_bounds = array<i64: 2, 16>, scalar_prefetch = 0 : i64, scratch_operands = 5 : i64, tpu.core_type = #tpu.core_type<sc_vector_subcore>, window_params = [{transform_indices = #map}, {transform_indices = #map}]} {
    %mul3A = arith.constant 2 : i32
    %mul3A_0 = arith.muli %arg1, %mul3A : i32
    %add3A = arith.addi %mul3A_0, %arg0 : i32
    %broadcast_in_dim3A = arith.constant 0.000000e+00 : f32
    %broadcast_in_dim3A_1 = vector.broadcast %broadcast_in_dim3A : f32 to vector<16xf32>
    %broadcast_in_dim3A_2 = arith.constant 1.000000e+00 : f32
    %broadcast_in_dim3A_3 = vector.broadcast %broadcast_in_dim3A_2 : f32 to vector<16xf32>
    %swap3A = arith.constant 0 : index
    %swap3A_4 = tpu.vector_load %arg5[%swap3A] {strides = array<i32>} : memref<128xf32, #tpu.memory_space<vmem>>, vector<16xf32>,
    %swap3A_5 = vector.shape_cast %swap3A_4 : vector<16xf32> to vector<16xf32>
    %swap3A_6 = vector.shape_cast %broadcast_in_dim3A_3 : vector<16xf32> to vector<16xf32>
    tpu.vector_store %arg5[%swap3A], %swap3A_6 {strides = array<i32>} : memref<128xf32, #tpu.memory_space<vmem>>, vector<16xf32>,
    %swap3A_7 = arith.constant 16 : index
    %swap3A_8 = tpu.vector_load %arg5[%swap3A_7] {strides = array<i32>} : memref<128xf32, #tpu.memory_space<vmem>>, vector<16xf32>,
    %swap3A_9 = vector.shape_cast %swap3A_8 : vector<16xf32> to vector<16xf32>
    %swap3A_10 = vector.shape_cast %broadcast_in_dim3A_3 : vector<16xf32> to vector<16xf32>
    tpu.vector_store %arg5[%swap3A_7], %swap3A_10 {strides = array<i32>} : memref<128xf32, #tpu.memory_space<vmem>>, vector<16xf32>,
    %swap3A_11 = arith.constant 32 : index
    %swap3A_12 = tpu.vector_load %arg5[%swap3A_11] {strides = array<i32>} : memref<128xf32, #tpu.memory_space<vmem>>, vector<16xf32>,
    %swap3A_13 = vector.shape_cast %swap3A_12 : vector<16xf32> to vector<16xf32>
    %swap3A_14 = vector.shape_cast %broadcast_in_dim3A_3 : vector<16xf32> to vector<16xf32>
    tpu.vector_store %arg5[%swap3A_11], %swap3A_14 {strides = array<i32>} : memref<128xf32, #tpu.memory_space<vmem>>, vector<16xf32>,
    %swap3A_15 = arith.constant 48 : index
    %swap3A_16 = tpu.vector_load %arg5[%swap3A_15] {strides = array<i32>} : memref<128xf32, #tpu.memory_space<vmem>>, vector<16xf32>,
    %swap3A_17 = vector.shape_cast %swap3A_16 : vector<16xf32> to vector<16xf32>
    %swap3A_18 = vector.shape_cast %broadcast_in_dim3A_3 : vector<16xf32> to vector<16xf32>
    tpu.vector_store %arg5[%swap3A_15], %swap3A_18 {strides = array<i32>} : memref<128xf32, #tpu.memory_space<vmem>>, vector<16xf32>,
    %swap3A_19 = arith.constant 64 : index
    %swap3A_20 = tpu.vector_load %arg5[%swap3A_19] {strides = array<i32>} : memref<128xf32, #tpu.memory_space<vmem>>, vector<16xf32>,
    %swap3A_21 = vector.shape_cast %swap3A_20 : vector<16xf32> to vector<16xf32>
    %swap3A_22 = vector.shape_cast %broadcast_in_dim3A_3 : vector<16xf32> to vector<16xf32>
    tpu.vector_store %arg5[%swap3A_19], %swap3A_22 {strides = array<i32>} : memref<128xf32, #tpu.memory_space<vmem>>, vector<16xf32>,
    %swap3A_23 = arith.constant 80 : index
    %swap3A_24 = tpu.vector_load %arg5[%swap3A_23] {strides = array<i32>} : memref<128xf32, #tpu.memory_space<vmem>>, vector<16xf32>,
    %swap3A_25 = vector.shape_cast %swap3A_24 : vector<16xf32> to vector<16xf32>
    %swap3A_26 = vector.shape_cast %broadcast_in_dim3A_3 : vector<16xf32> to vector<16xf32>
    tpu.vector_store %arg5[%swap3A_23], %swap3A_26 {strides = array<i32>} : memref<128xf32, #tpu.memory_space<vmem>>, vector<16xf32>,
    %swap3A_27 = arith.constant 96 : index
    %swap3A_28 = tpu.vector_load %arg5[%swap3A_27] {strides = array<i32>} : memref<128xf32, #tpu.memory_space<vmem>>, vector<16xf32>,
    %swap3A_29 = vector.shape_cast %swap3A_28 : vector<16xf32> to vector<16xf32>
    %swap3A_30 = vector.shape_cast %broadcast_in_dim3A_3 : vector<16xf32> to vector<16xf32>
    tpu.vector_store %arg5[%swap3A_27], %swap3A_30 {strides = array<i32>} : memref<128xf32, #tpu.memory_space<vmem>>, vector<16xf32>,
    %swap3A_31 = arith.constant 112 : index
    %swap3A_32 = tpu.vector_load %arg5[%swap3A_31] {strides = array<i32>} : memref<128xf32, #tpu.memory_space<vmem>>, vector<16xf32>,
    %swap3A_33 = vector.shape_cast %swap3A_32 : vector<16xf32> to vector<16xf32>
    %swap3A_34 = vector.shape_cast %broadcast_in_dim3A_3 : vector<16xf32> to vector<16xf32>
    tpu.vector_store %arg5[%swap3A_31], %swap3A_34 {strides = array<i32>} : memref<128xf32, #tpu.memory_space<vmem>>, vector<16xf32>,
    %scan3A = arith.constant 0 : i32
    %scan3A_35 = arith.constant 40 : i32
    %scan3A_36 = arith.addi %scan3A, %scan3A_35 : i32
    %scan3A_37 = arith.constant 1 : i32
    scf.for %scan3A_85 = %scan3A to %scan3A_36 step %scan3A_37  : i32 {
      %mul3A_86 = arith.constant 1 : i32
      %mul3A_87 = arith.muli %scan3A_85, %mul3A_86 : i32
      %add3A_88 = arith.constant 0 : i32
      %add3A_89 = arith.addi %add3A_88, %mul3A_87 : i32
      %mul3A_90 = arith.constant 16 : i32
      %mul3A_91 = arith.muli %add3A_89, %mul3A_90 : i32
      %swap3A_92 = arith.index_cast %mul3A_91 : i32 to index
      %swap3A_93 = tpu.vector_load %arg7[%swap3A_92] {strides = array<i32>} : memref<640xf32, #tpu.memory_space<vmem>>, vector<16xf32>,
      %swap3A_94 = vector.shape_cast %swap3A_93 : vector<16xf32> to vector<16xf32>
      %swap3A_95 = vector.shape_cast %broadcast_in_dim3A_1 : vector<16xf32> to vector<16xf32>
      tpu.vector_store %arg7[%swap3A_92], %swap3A_95 {strides = array<i32>} : memref<640xf32, #tpu.memory_space<vmem>>, vector<16xf32>,
    }
    %scan3A_38 = arith.constant 40 : i32
    %mul3A_39 = arith.constant 624 : i32
    %mul3A_40 = arith.muli %arg1, %mul3A_39 : i32
    "tpu.region"() ({
      %run_scoped3A = tpu.sem_alloc : memref<!tpu.dma_semaphore, #tpu.memory_space<semaphore_mem>>
      %dma_start3A = tpu.memref_slice %arg8[%mul3A_40] : memref<10000xf32, #tpu.memory_space<vmem_shared>> -> memref<640xf32, #tpu.memory_space<vmem_shared>>
      %dma_start3A_85 = tpu.memref_slice %arg8[%mul3A_40] : memref<10000xf32, #tpu.memory_space<vmem_shared>> -> memref<640xf32, #tpu.memory_space<vmem_shared>>
      tpu.enqueue_dma source(%arg7 : memref<640xf32, #tpu.memory_space<vmem>>) target(%dma_start3A_85 : memref<640xf32, #tpu.memory_space<vmem_shared>>) target_semaphore(%run_scoped3A : memref<!tpu.dma_semaphore, #tpu.memory_space<semaphore_mem>>)
      %dma_wait3A = tpu.memref_slice %arg8[%mul3A_40] : memref<10000xf32, #tpu.memory_space<vmem_shared>> -> memref<640xf32, #tpu.memory_space<vmem_shared>>
      %dma_wait3A_86 = tpu.memref_slice %arg8[%mul3A_40] : memref<10000xf32, #tpu.memory_space<vmem_shared>> -> memref<640xf32, #tpu.memory_space<vmem_shared>>
      tpu.wait_dma2 semaphore(%run_scoped3A : memref<!tpu.dma_semaphore, #tpu.memory_space<semaphore_mem>>) src(%arg7 : memref<640xf32, #tpu.memory_space<vmem>>) dst(%dma_wait3A_86 : memref<640xf32, #tpu.memory_space<vmem_shared>>)
      tpu.yield
    }) : () -> ()
    %barrier3A = arith.constant 0 : index
    tpu.barrier barrier_id(%barrier3A)
    %sub3A = arith.constant 2500 : i32
    %sub3A_41 = arith.subi %sub3A, %add3A : i32
    %add3A_42 = arith.constant 32 : i32
    %add3A_43 = arith.addi %sub3A_41, %add3A_42 : i32
    %sub3A_44 = arith.constant 1 : i32
    %sub3A_45 = arith.subi %add3A_43, %sub3A_44 : i32
    %jit3A = arith.constant 32 : i32
    %div3A = arith.divsi %sub3A_45, %jit3A : i32
    %sign3A = arith.constant 0 : i32
    %sign3A_46 = arith.cmpi sgt, %sub3A_45, %sign3A : i32
    %sign3A_47 = arith.extui %sign3A_46 : i1 to i32
    %sign3A_48 = arith.constant 0 : i32
    %sign3A_49 = arith.cmpi slt, %sub3A_45, %sign3A_48 : i32
    %sign3A_50 = arith.extui %sign3A_49 : i1 to i32
    %sign3A_51 = arith.subi %sign3A_47, %sign3A_50 : i32
    %sign3A_52 = arith.constant 0 : i32
    %sign3A_53 = arith.cmpi sgt, %jit3A, %sign3A_52 : i32
    %sign3A_54 = arith.extui %sign3A_53 : i1 to i32
    %sign3A_55 = arith.constant 0 : i32
    %sign3A_56 = arith.cmpi slt, %jit3A, %sign3A_55 : i32
    %sign3A_57 = arith.extui %sign3A_56 : i1 to i32
    %sign3A_58 = arith.subi %sign3A_54, %sign3A_57 : i32
    %ne3A = arith.cmpi ne, %sign3A_51, %sign3A_58 : i32
    %rem3A = arith.remsi %sub3A_45, %jit3A : i32
    %ne3A_59 = arith.constant 0 : i32
    %ne3A_60 = arith.cmpi ne, %rem3A, %ne3A_59 : i32
    %and3A = arith.andi %ne3A, %ne3A_60 : i1
    %sub3A_61 = arith.constant 1 : i32
    %sub3A_62 = arith.subi %div3A, %sub3A_61 : i32
    %select_n3A = arith.select %and3A, %sub3A_62, %div3A : i32
    %sub3A_63 = arith.constant 0 : i32
    %sub3A_64 = arith.subi %select_n3A, %sub3A_63 : i32
    %sub3A_65 = arith.constant 1 : i32
    %sub3A_66 = arith.constant 1 : i32
    %sub3A_67 = arith.subi %sub3A_65, %sub3A_66 : i32
    %add3A_68 = arith.addi %sub3A_64, %sub3A_67 : i32
    %div3A_69 = arith.constant 1 : i32
    %div3A_70 = arith.divsi %add3A_68, %div3A_69 : i32
    %while3A = arith.constant 1 : i32
    %while3A_71 = arith.constant 0 : i32
    %while3A_72 = arith.constant 0 : i32
    %while3A_73 = arith.subi %div3A_70, %while3A_72 : i32
    %while3A_74 = arith.addi %while3A_72, %while3A_73 : i32
    %while3A_75 = arith.constant 1 : i32
    %while3A_76 = arith.divsi %while3A_73, %while3A_75 : i32
    %while3A_77 = arith.muli %while3A_76, %while3A_75 : i32
    %while3A_78 = arith.addi %while3A_72, %while3A_77 : i32
    %while3A_79 = arith.constant 1 : i32
    scf.for %while3A_85 = %while3A_72 to %while3A_78 step %while3A_79  : i32 {
      %mul3A_86 = arith.muli %while3A_85, %while3A : i32
      %add3A_87 = arith.addi %while3A_71, %mul3A_86 : i32
      %mul3A_88 = arith.constant 32 : i32
      %mul3A_89 = arith.muli %add3A_87, %mul3A_88 : i32
      %add3A_90 = arith.addi %add3A, %mul3A_89 : i32
      %mul3A_91 = arith.constant 128 : i32
      %mul3A_92 = arith.muli %add3A_90, %mul3A_91 : i32
      "tpu.region"() ({
        %run_scoped3A = tpu.sem_alloc : memref<!tpu.dma_semaphore, #tpu.memory_space<semaphore_mem>>
        %dma_start3A = tpu.memref_slice %arg2[%mul3A_92] : memref<320000xi32, #tpu.memory_space<hbm>> -> memref<128xi32, #tpu.memory_space<hbm>>
        %dma_start3A_93 = tpu.memref_slice %arg2[%mul3A_92] : memref<320000xi32, #tpu.memory_space<hbm>> -> memref<128xi32, #tpu.memory_space<hbm>>
        tpu.enqueue_dma source(%dma_start3A_93 : memref<128xi32, #tpu.memory_space<hbm>>) target(%arg4 : memref<128xi32, #tpu.memory_space<vmem>>) target_semaphore(%run_scoped3A : memref<!tpu.dma_semaphore, #tpu.memory_space<semaphore_mem>>)
        %dma_wait3A = tpu.memref_slice %arg2[%mul3A_92] : memref<320000xi32, #tpu.memory_space<hbm>> -> memref<128xi32, #tpu.memory_space<hbm>>
        %dma_wait3A_94 = tpu.memref_slice %arg2[%mul3A_92] : memref<320000xi32, #tpu.memory_space<hbm>> -> memref<128xi32, #tpu.memory_space<hbm>>
        tpu.wait_dma2 semaphore(%run_scoped3A : memref<!tpu.dma_semaphore, #tpu.memory_space<semaphore_mem>>) src(%dma_wait3A_94 : memref<128xi32, #tpu.memory_space<hbm>>) dst(%arg4 : memref<128xi32, #tpu.memory_space<vmem>>)
        tpu.yield
      }) : () -> ()
      "tpu.region"() ({
        %run_scoped3A = tpu.sem_alloc : memref<!tpu.dma_semaphore, #tpu.memory_space<semaphore_mem>>
        %dma_start3A = arith.constant 0 : i32
        %dma_start3A_93 = tpu.memref_slice %arg8[%dma_start3A] : memref<10000xf32, #tpu.memory_space<vmem_shared>> -> memref<10000xf32, #tpu.memory_space<vmem_shared>>
        tpu.enqueue_indirect_dma source(%arg5 : memref<128xf32, #tpu.memory_space<vmem>>) target(%dma_start3A_93 : memref<10000xf32, #tpu.memory_space<vmem_shared>>) offsets(%arg4 : memref<128xi32, #tpu.memory_space<vmem>>) semaphore(%run_scoped3A : memref<!tpu.dma_semaphore, #tpu.memory_space<semaphore_mem>>) {add = true}
        %dma_wait3A = arith.constant 0 : i32
        %dma_wait3A_94 = tpu.memref_slice %arg8[%dma_wait3A] : memref<10000xf32, #tpu.memory_space<vmem_shared>> -> memref<10000xf32, #tpu.memory_space<vmem_shared>>
        tpu.wait_indirect_dma semaphore(%run_scoped3A : memref<!tpu.dma_semaphore, #tpu.memory_space<semaphore_mem>>) src(%arg5 : memref<128xf32, #tpu.memory_space<vmem>>) dst(%dma_wait3A_94 : memref<10000xf32, #tpu.memory_space<vmem_shared>>)
        tpu.yield
      }) : () -> ()
    }
    %while3A_80 = arith.constant 1 : i32
    scf.for %while3A_85 = %while3A_78 to %while3A_74 step %while3A_80  : i32 {
      %mul3A_86 = arith.muli %while3A_85, %while3A : i32
      %add3A_87 = arith.addi %while3A_71, %mul3A_86 : i32
      %mul3A_88 = arith.constant 32 : i32
      %mul3A_89 = arith.muli %add3A_87, %mul3A_88 : i32
      %add3A_90 = arith.addi %add3A, %mul3A_89 : i32
      %mul3A_91 = arith.constant 128 : i32
      %mul3A_92 = arith.muli %add3A_90, %mul3A_91 : i32
      "tpu.region"() ({
        %run_scoped3A = tpu.sem_alloc : memref<!tpu.dma_semaphore, #tpu.memory_space<semaphore_mem>>
        %dma_start3A = tpu.memref_slice %arg2[%mul3A_92] : memref<320000xi32, #tpu.memory_space<hbm>> -> memref<128xi32, #tpu.memory_space<hbm>>
        %dma_start3A_93 = tpu.memref_slice %arg2[%mul3A_92] : memref<320000xi32, #tpu.memory_space<hbm>> -> memref<128xi32, #tpu.memory_space<hbm>>
        tpu.enqueue_dma source(%dma_start3A_93 : memref<128xi32, #tpu.memory_space<hbm>>) target(%arg4 : memref<128xi32, #tpu.memory_space<vmem>>) target_semaphore(%run_scoped3A : memref<!tpu.dma_semaphore, #tpu.memory_space<semaphore_mem>>)
        %dma_wait3A = tpu.memref_slice %arg2[%mul3A_92] : memref<320000xi32, #tpu.memory_space<hbm>> -> memref<128xi32, #tpu.memory_space<hbm>>
        %dma_wait3A_94 = tpu.memref_slice %arg2[%mul3A_92] : memref<320000xi32, #tpu.memory_space<hbm>> -> memref<128xi32, #tpu.memory_space<hbm>>
        tpu.wait_dma2 semaphore(%run_scoped3A : memref<!tpu.dma_semaphore, #tpu.memory_space<semaphore_mem>>) src(%dma_wait3A_94 : memref<128xi32, #tpu.memory_space<hbm>>) dst(%arg4 : memref<128xi32, #tpu.memory_space<vmem>>)
        tpu.yield
      }) : () -> ()
      "tpu.region"() ({
        %run_scoped3A = tpu.sem_alloc : memref<!tpu.dma_semaphore, #tpu.memory_space<semaphore_mem>>
        %dma_start3A = arith.constant 0 : i32
        %dma_start3A_93 = tpu.memref_slice %arg8[%dma_start3A] : memref<10000xf32, #tpu.memory_space<vmem_shared>> -> memref<10000xf32, #tpu.memory_space<vmem_shared>>
        tpu.enqueue_indirect_dma source(%arg5 : memref<128xf32, #tpu.memory_space<vmem>>) target(%dma_start3A_93 : memref<10000xf32, #tpu.memory_space<vmem_shared>>) offsets(%arg4 : memref<128xi32, #tpu.memory_space<vmem>>) semaphore(%run_scoped3A : memref<!tpu.dma_semaphore, #tpu.memory_space<semaphore_mem>>) {add = true}
        %dma_wait3A = arith.constant 0 : i32
        %dma_wait3A_94 = tpu.memref_slice %arg8[%dma_wait3A] : memref<10000xf32, #tpu.memory_space<vmem_shared>> -> memref<10000xf32, #tpu.memory_space<vmem_shared>>
        tpu.wait_indirect_dma semaphore(%run_scoped3A : memref<!tpu.dma_semaphore, #tpu.memory_space<semaphore_mem>>) src(%arg5 : memref<128xf32, #tpu.memory_space<vmem>>) dst(%dma_wait3A_94 : memref<10000xf32, #tpu.memory_space<vmem_shared>>)
        tpu.yield
      }) : () -> ()
    }
    %barrier3A_81 = arith.constant 0 : index
    tpu.barrier barrier_id(%barrier3A_81)
    "tpu.region"() ({
      %run_scoped3A = tpu.sem_alloc : memref<!tpu.dma_semaphore, #tpu.memory_space<semaphore_mem>>
      %dma_start3A = tpu.memref_slice %arg8[%mul3A_40] : memref<10000xf32, #tpu.memory_space<vmem_shared>> -> memref<640xf32, #tpu.memory_space<vmem_shared>>
      %dma_start3A_85 = tpu.memref_slice %arg8[%mul3A_40] : memref<10000xf32, #tpu.memory_space<vmem_shared>> -> memref<640xf32, #tpu.memory_space<vmem_shared>>
      tpu.enqueue_dma source(%dma_start3A_85 : memref<640xf32, #tpu.memory_space<vmem_shared>>) target(%arg6 : memref<640xf32, #tpu.memory_space<vmem>>) target_semaphore(%run_scoped3A : memref<!tpu.dma_semaphore, #tpu.memory_space<semaphore_mem>>)
      %dma_wait3A = tpu.memref_slice %arg8[%mul3A_40] : memref<10000xf32, #tpu.memory_space<vmem_shared>> -> memref<640xf32, #tpu.memory_space<vmem_shared>>
      %dma_wait3A_86 = tpu.memref_slice %arg8[%mul3A_40] : memref<10000xf32, #tpu.memory_space<vmem_shared>> -> memref<640xf32, #tpu.memory_space<vmem_shared>>
      tpu.wait_dma2 semaphore(%run_scoped3A : memref<!tpu.dma_semaphore, #tpu.memory_space<semaphore_mem>>) src(%dma_wait3A_86 : memref<640xf32, #tpu.memory_space<vmem_shared>>) dst(%arg6 : memref<640xf32, #tpu.memory_space<vmem>>)
      tpu.yield
    }) : () -> ()
    %mul3A_82 = arith.constant 10000 : i32
    %mul3A_83 = arith.muli %arg0, %mul3A_82 : i32
    %add3A_84 = arith.addi %mul3A_83, %mul3A_40 : i32
    "tpu.region"() ({
      %run_scoped3A = tpu.sem_alloc : memref<!tpu.dma_semaphore, #tpu.memory_space<semaphore_mem>>
      %dma_start3A = tpu.memref_slice %arg3[%add3A_84] : memref<20000xf32, #tpu.memory_space<hbm>> -> memref<640xf32, #tpu.memory_space<hbm>>
      %dma_start3A_85 = tpu.memref_slice %arg3[%add3A_84] : memref<20000xf32, #tpu.memory_space<hbm>> -> memref<640xf32, #tpu.memory_space<hbm>>
      tpu.enqueue_dma source(%arg6 : memref<640xf32, #tpu.memory_space<vmem>>) target(%dma_start3A_85 : memref<640xf32, #tpu.memory_space<hbm>>) target_semaphore(%run_scoped3A : memref<!tpu.dma_semaphore, #tpu.memory_space<semaphore_mem>>)
      %dma_wait3A = tpu.memref_slice %arg3[%add3A_84] : memref<20000xf32, #tpu.memory_space<hbm>> -> memref<640xf32, #tpu.memory_space<hbm>>
      %dma_wait3A_86 = tpu.memref_slice %arg3[%add3A_84] : memref<20000xf32, #tpu.memory_space<hbm>> -> memref<640xf32, #tpu.memory_space<hbm>>
      tpu.wait_dma2 semaphore(%run_scoped3A : memref<!tpu.dma_semaphore, #tpu.memory_space<semaphore_mem>>) src(%arg6 : memref<640xf32, #tpu.memory_space<vmem>>) dst(%dma_wait3A_86 : memref<640xf32, #tpu.memory_space<hbm>>)
      tpu.yield
    }) : () -> ()
    return
  }
}

module attributes {stable_mosaic.version = 14 : i64} {
  func.func @_c_body(%arg0: i32, %arg1: memref<2000x128xf32, #tpu.memory_space<vmem>>, %arg2: memref<128x128xf32, #tpu.memory_space<vmem>>, %arg3: memref<2000x128xf32, #tpu.memory_space<vmem>>) attributes {dimension_semantics = [#tpu.dimension_semantics<arbitrary>], iteration_bounds = array<i64: 160>, scalar_prefetch = 0 : i64, scratch_operands = 0 : i64, tpu.core_type = #tpu.core_type<tc>, window_params = [{transform_indices = @transform_0, window_bounds = array<i64: 2000, 128>}, {pipeline_mode = #tpu.pipeline_mode<synchronous>, transform_indices = @transform_1, window_bounds = array<i64: 128, 128>}, {transform_indices = @transform_2, window_bounds = array<i64: 2000, 128>}]} {
    %get3A = arith.constant 0 : index
    %get3A_0 = arith.constant 0 : index
    %get3A_1 = vector.load %arg1[%get3A, %get3A_0] : memref<2000x128xf32, #tpu.memory_space<vmem>>, vector<2000x128xf32>
    %get3A_2 = arith.constant 0 : index
    %get3A_3 = arith.constant 0 : index
    %get3A_4 = vector.load %arg2[%get3A_2, %get3A_3] : memref<128x128xf32, #tpu.memory_space<vmem>>, vector<128x128xf32>
    %dot_general3A = arith.constant dense<0.000000e+00> : vector<2000x128xf32>
    %dot_general3A_5 = tpu.matmul %get3A_1, %get3A_4, %dot_general3A {dimension_numbers = #tpu.dot_dimension_numbers<[1], [0], [0], [1], [0, 0, 1, 1], [], []>, transpose_lhs_hint = false} : vector<2000x128xf32>, vector<128x128xf32>, vector<2000x128xf32> -> vector<2000x128xf32>
    %swap3A = arith.constant 0 : index
    %swap3A_6 = arith.constant 0 : index
    %swap3A_7 = vector.load %arg3[%swap3A, %swap3A_6] : memref<2000x128xf32, #tpu.memory_space<vmem>>, vector<2000x128xf32>
    tpu.vector_store %arg3[%swap3A, %swap3A_6], %dot_general3A_5 {strides = array<i32>} : memref<2000x128xf32, #tpu.memory_space<vmem>>, vector<2000x128xf32>,
    return
  }
  func.func @transform_0(%arg0: i32) -> (i32, i32) {
    %c0_i32 = arith.constant 0 : i32
    %c0_i32_0 = arith.constant 0 : i32
    return %arg0, %c0_i32 : i32, i32
  }
  func.func @transform_1(%arg0: i32) -> (i32, i32) {
    %c0_i32 = arith.constant 0 : i32
    %c0_i32_0 = arith.constant 0 : i32
    %c0_i32_1 = arith.constant 0 : i32
    return %c0_i32, %c0_i32_0 : i32, i32
  }
  func.func @transform_2(%arg0: i32) -> (i32, i32) {
    %c0_i32 = arith.constant 0 : i32
    %c0_i32_0 = arith.constant 0 : i32
    return %arg0, %c0_i32 : i32, i32
  }
}

module attributes {stable_mosaic.version = 14 : i64} {
  func.func @_ab_body(%arg0: i32, %arg1: memref<2000x128xf32, #tpu.memory_space<vmem>>, %arg2: memref<128x128xf32, #tpu.memory_space<vmem>>, %arg3: memref<128x128xf32, #tpu.memory_space<vmem>>, %arg4: memref<1x128xf32, #tpu.memory_space<vmem>>, %arg5: memref<2000x128xf32, #tpu.memory_space<vmem>>, %arg6: memref<2000x128xf32, #tpu.memory_space<vmem>>) attributes {dimension_semantics = [#tpu.dimension_semantics<arbitrary>], iteration_bounds = array<i64: 5>, scalar_prefetch = 0 : i64, scratch_operands = 0 : i64, tpu.core_type = #tpu.core_type<tc>, window_params = [{transform_indices = @transform_0, window_bounds = array<i64: 2000, 128>}, {pipeline_mode = #tpu.pipeline_mode<synchronous>, transform_indices = @transform_1, window_bounds = array<i64: 128, 128>}, {pipeline_mode = #tpu.pipeline_mode<synchronous>, transform_indices = @transform_2, window_bounds = array<i64: 128, 128>}, {pipeline_mode = #tpu.pipeline_mode<synchronous>, transform_indices = @transform_3, window_bounds = array<i64: 1, 128>}, {transform_indices = @transform_4, window_bounds = array<i64: 2000, 128>}, {transform_indices = @transform_5, window_bounds = array<i64: 2000, 128>}]} {
    %get3A = arith.constant 0 : index
    %get3A_0 = arith.constant 0 : index
    %get3A_1 = vector.load %arg1[%get3A, %get3A_0] : memref<2000x128xf32, #tpu.memory_space<vmem>>, vector<2000x128xf32>
    %get3A_2 = arith.constant 0 : index
    %get3A_3 = arith.constant 0 : index
    %get3A_4 = vector.load %arg2[%get3A_2, %get3A_3] : memref<128x128xf32, #tpu.memory_space<vmem>>, vector<128x128xf32>
    %dot_general3A = arith.constant dense<0.000000e+00> : vector<2000x128xf32>
    %dot_general3A_5 = tpu.matmul %get3A_1, %get3A_4, %dot_general3A {dimension_numbers = #tpu.dot_dimension_numbers<[1], [0], [0], [1], [0, 0, 1, 1], [], []>, transpose_lhs_hint = false} : vector<2000x128xf32>, vector<128x128xf32>, vector<2000x128xf32> -> vector<2000x128xf32>
    %get3A_6 = arith.constant 0 : index
    %get3A_7 = arith.constant 0 : index
    %get3A_8 = vector.load %arg4[%get3A_6, %get3A_7] : memref<1x128xf32, #tpu.memory_space<vmem>>, vector<1x128xf32>
    %add3A = vector.broadcast %get3A_8 : vector<1x128xf32> to vector<2000x128xf32>
    %add3A_9 = arith.addf %dot_general3A_5, %add3A : vector<2000x128xf32>
    %swap3A = arith.constant 0 : index
    %swap3A_10 = arith.constant 0 : index
    %swap3A_11 = vector.load %arg5[%swap3A, %swap3A_10] : memref<2000x128xf32, #tpu.memory_space<vmem>>, vector<2000x128xf32>
    tpu.vector_store %arg5[%swap3A, %swap3A_10], %add3A_9 {strides = array<i32>} : memref<2000x128xf32, #tpu.memory_space<vmem>>, vector<2000x128xf32>,
    %get3A_12 = arith.constant 0 : index
    %get3A_13 = arith.constant 0 : index
    %get3A_14 = vector.load %arg3[%get3A_12, %get3A_13] : memref<128x128xf32, #tpu.memory_space<vmem>>, vector<128x128xf32>
    %dot_general3A_15 = arith.constant dense<0.000000e+00> : vector<2000x128xf32>
    %dot_general3A_16 = tpu.matmul %get3A_1, %get3A_14, %dot_general3A_15 {dimension_numbers = #tpu.dot_dimension_numbers<[1], [0], [0], [1], [0, 0, 1, 1], [], []>, transpose_lhs_hint = false} : vector<2000x128xf32>, vector<128x128xf32>, vector<2000x128xf32> -> vector<2000x128xf32>
    %swap3A_17 = arith.constant 0 : index
    %swap3A_18 = arith.constant 0 : index
    %swap3A_19 = vector.load %arg6[%swap3A_17, %swap3A_18] : memref<2000x128xf32, #tpu.memory_space<vmem>>, vector<2000x128xf32>
    tpu.vector_store %arg6[%swap3A_17, %swap3A_18], %dot_general3A_16 {strides = array<i32>} : memref<2000x128xf32, #tpu.memory_space<vmem>>, vector<2000x128xf32>,
    return
  }
  func.func @transform_0(%arg0: i32) -> (i32, i32) {
    %c0_i32 = arith.constant 0 : i32
    %c0_i32_0 = arith.constant 0 : i32
    return %arg0, %c0_i32 : i32, i32
  }
  func.func @transform_1(%arg0: i32) -> (i32, i32) {
    %c0_i32 = arith.constant 0 : i32
    %c0_i32_0 = arith.constant 0 : i32
    %c0_i32_1 = arith.constant 0 : i32
    return %c0_i32, %c0_i32_0 : i32, i32
  }
  func.func @transform_2(%arg0: i32) -> (i32, i32) {
    %c0_i32 = arith.constant 0 : i32
    %c0_i32_0 = arith.constant 0 : i32
    %c0_i32_1 = arith.constant 0 : i32
    return %c0_i32, %c0_i32_0 : i32, i32
  }
  func.func @transform_3(%arg0: i32) -> (i32, i32) {
    %c0_i32 = arith.constant 0 : i32
    %c0_i32_0 = arith.constant 0 : i32
    %c0_i32_1 = arith.constant 0 : i32
    return %c0_i32, %c0_i32_0 : i32, i32
  }
  func.func @transform_4(%arg0: i32) -> (i32, i32) {
    %c0_i32 = arith.constant 0 : i32
    %c0_i32_0 = arith.constant 0 : i32
    return %arg0, %c0_i32 : i32, i32
  }
  func.func @transform_5(%arg0: i32) -> (i32, i32) {
    %c0_i32 = arith.constant 0 : i32
    %c0_i32_0 = arith.constant 0 : i32
    return %arg0, %c0_i32 : i32, i32
  }
}

module attributes {stable_mosaic.version = 14 : i64} {
  func.func @_final_body(%arg0: i32, %arg1: memref<2x128x2048xf32, #tpu.memory_space<vmem>>, %arg2: memref<2x1x2048xf32, #tpu.memory_space<vmem>>, %arg3: memref<128x2048xf32, #tpu.memory_space<vmem>>, %arg4: memref<128x128xf32, #tpu.memory_space<vmem>>, %arg5: memref<128x1xf32, #tpu.memory_space<vmem>>, %arg6: memref<128x128xf32, #tpu.memory_space<vmem>>, %arg7: memref<128x128xf32, #tpu.memory_space<vmem>>, %arg8: memref<128x1xf32, #tpu.memory_space<vmem>>, %arg9: memref<128x128xf32, #tpu.memory_space<vmem>>, %arg10: memref<128x1xf32, #tpu.memory_space<vmem>>, %arg11: memref<128x2048xf32, #tpu.memory_space<vmem>>) attributes {dimension_semantics = [#tpu.dimension_semantics<arbitrary>], iteration_bounds = array<i64: 5>, scalar_prefetch = 0 : i64, scratch_operands = 0 : i64, tpu.core_type = #tpu.core_type<tc>, window_params = [{transform_indices = @transform_0, window_bounds = array<i64: 2, 128, 2048>}, {transform_indices = @transform_1, window_bounds = array<i64: 2, 1, 2048>}, {transform_indices = @transform_2, window_bounds = array<i64: 128, 2048>}, {pipeline_mode = #tpu.pipeline_mode<synchronous>, transform_indices = @transform_3, window_bounds = array<i64: 128, 128>}, {pipeline_mode = #tpu.pipeline_mode<synchronous>, transform_indices = @transform_4, window_bounds = array<i64: 128, 1>}, {pipeline_mode = #tpu.pipeline_mode<synchronous>, transform_indices = @transform_5, window_bounds = array<i64: 128, 128>}, {pipeline_mode = #tpu.pipeline_mode<synchronous>, transform_indices = @transform_6, window_bounds = array<i64: 128, 128>}, {pipeline_mode = #tpu.pipeline_mode<synchronous>, transform_indices = @transform_7, window_bounds = array<i64: 128, 1>}, {pipeline_mode = #tpu.pipeline_mode<synchronous>, transform_indices = @transform_8, window_bounds = array<i64: 128, 128>}, {pipeline_mode = #tpu.pipeline_mode<synchronous>, transform_indices = @transform_9, window_bounds = array<i64: 128, 1>}, {transform_indices = @transform_10, window_bounds = array<i64: 128, 2048>}]} {
    %get3A = arith.constant 0 : index
    %get3A_0 = arith.constant 0 : index
    %get3A_1 = arith.constant 0 : index
    %get3A_2 = vector.load %arg1[%get3A, %get3A_0, %get3A_1] : memref<2x128x2048xf32, #tpu.memory_space<vmem>>, vector<1x128x2048xf32>
    %get3A_3 = vector.shape_cast %get3A_2 : vector<1x128x2048xf32> to vector<128x2048xf32>
    %get3A_4 = arith.constant 1 : index
    %get3A_5 = arith.constant 0 : index
    %get3A_6 = arith.constant 0 : index
    %get3A_7 = vector.load %arg1[%get3A_4, %get3A_5, %get3A_6] : memref<2x128x2048xf32, #tpu.memory_space<vmem>>, vector<1x128x2048xf32>
    %get3A_8 = vector.shape_cast %get3A_7 : vector<1x128x2048xf32> to vector<128x2048xf32>
    %add3A = arith.addf %get3A_3, %get3A_8 : vector<128x2048xf32>
    %get3A_9 = arith.constant 0 : index
    %get3A_10 = arith.constant 0 : index
    %get3A_11 = arith.constant 0 : index
    %get3A_12 = vector.load %arg2[%get3A_9, %get3A_10, %get3A_11] : memref<2x1x2048xf32, #tpu.memory_space<vmem>>, vector<1x1x2048xf32>
    %get3A_13 = vector.shape_cast %get3A_12 : vector<1x1x2048xf32> to vector<1x2048xf32>
    %get3A_14 = arith.constant 1 : index
    %get3A_15 = arith.constant 0 : index
    %get3A_16 = arith.constant 0 : index
    %get3A_17 = vector.load %arg2[%get3A_14, %get3A_15, %get3A_16] : memref<2x1x2048xf32, #tpu.memory_space<vmem>>, vector<1x1x2048xf32>
    %get3A_18 = vector.shape_cast %get3A_17 : vector<1x1x2048xf32> to vector<1x2048xf32>
    %add3A_19 = arith.addf %get3A_13, %get3A_18 : vector<1x2048xf32>
    %get3A_20 = arith.constant 0 : index
    %get3A_21 = arith.constant 0 : index
    %get3A_22 = vector.load %arg4[%get3A_20, %get3A_21] : memref<128x128xf32, #tpu.memory_space<vmem>>, vector<128x128xf32>
    %dot_general3A = arith.constant dense<0.000000e+00> : vector<128x2048xf32>
    %dot_general3A_23 = tpu.matmul %get3A_22, %add3A, %dot_general3A {dimension_numbers = #tpu.dot_dimension_numbers<[1], [0], [0], [1], [0, 0, 1, 1], [], []>, transpose_lhs_hint = false} : vector<128x128xf32>, vector<128x2048xf32>, vector<128x2048xf32> -> vector<128x2048xf32>
    %get3A_24 = arith.constant 0 : index
    %get3A_25 = arith.constant 0 : index
    %get3A_26 = vector.load %arg5[%get3A_24, %get3A_25] : memref<128x1xf32, #tpu.memory_space<vmem>>, vector<128x1xf32>
    %mul3A = vector.broadcast %add3A_19 : vector<1x2048xf32> to vector<128x2048xf32>
    %mul3A_27 = vector.broadcast %get3A_26 : vector<128x1xf32> to vector<128x2048xf32>
    %mul3A_28 = arith.mulf %mul3A, %mul3A_27 : vector<128x2048xf32>
    %add3A_29 = arith.addf %dot_general3A_23, %mul3A_28 : vector<128x2048xf32>
    %max3A = arith.constant 1.000000e+00 : f32
    %max3A_30 = vector.broadcast %max3A : f32 to vector<1x2048xf32>
    %max3A_31 = arith.maximumf %add3A_19, %max3A_30 : vector<1x2048xf32>
    %div3A = vector.broadcast %max3A_31 : vector<1x2048xf32> to vector<128x2048xf32>
    %div3A_32 = arith.divf %add3A_29, %div3A : vector<128x2048xf32>
    %get3A_33 = arith.constant 0 : index
    %get3A_34 = arith.constant 0 : index
    %get3A_35 = vector.load %arg6[%get3A_33, %get3A_34] : memref<128x128xf32, #tpu.memory_space<vmem>>, vector<128x128xf32>
    %get3A_36 = arith.constant 0 : index
    %get3A_37 = arith.constant 0 : index
    %get3A_38 = vector.load %arg3[%get3A_36, %get3A_37] : memref<128x2048xf32, #tpu.memory_space<vmem>>, vector<128x2048xf32>
    %dot_general3A_39 = arith.constant dense<0.000000e+00> : vector<128x2048xf32>
    %dot_general3A_40 = tpu.matmul %get3A_35, %get3A_38, %dot_general3A_39 {dimension_numbers = #tpu.dot_dimension_numbers<[1], [0], [0], [1], [0, 0, 1, 1], [], []>, transpose_lhs_hint = false} : vector<128x128xf32>, vector<128x2048xf32>, vector<128x2048xf32> -> vector<128x2048xf32>
    %get3A_41 = arith.constant 0 : index
    %get3A_42 = arith.constant 0 : index
    %get3A_43 = vector.load %arg7[%get3A_41, %get3A_42] : memref<128x128xf32, #tpu.memory_space<vmem>>, vector<128x128xf32>
    %dot_general3A_44 = arith.constant dense<0.000000e+00> : vector<128x2048xf32>
    %dot_general3A_45 = tpu.matmul %get3A_43, %div3A_32, %dot_general3A_44 {dimension_numbers = #tpu.dot_dimension_numbers<[1], [0], [0], [1], [0, 0, 1, 1], [], []>, transpose_lhs_hint = false} : vector<128x128xf32>, vector<128x2048xf32>, vector<128x2048xf32> -> vector<128x2048xf32>
    %add3A_46 = arith.addf %dot_general3A_40, %dot_general3A_45 : vector<128x2048xf32>
    %get3A_47 = arith.constant 0 : index
    %get3A_48 = arith.constant 0 : index
    %get3A_49 = vector.load %arg8[%get3A_47, %get3A_48] : memref<128x1xf32, #tpu.memory_space<vmem>>, vector<128x1xf32>
    %add3A_50 = vector.broadcast %get3A_49 : vector<128x1xf32> to vector<128x2048xf32>
    %add3A_51 = arith.addf %add3A_46, %add3A_50 : vector<128x2048xf32>
    %max3A_52 = arith.constant 0.000000e+00 : f32
    %max3A_53 = vector.broadcast %max3A_52 : f32 to vector<128x2048xf32>
    %max3A_54 = arith.maximumf %add3A_51, %max3A_53 : vector<128x2048xf32>
    %get3A_55 = arith.constant 0 : index
    %get3A_56 = arith.constant 0 : index
    %get3A_57 = vector.load %arg9[%get3A_55, %get3A_56] : memref<128x128xf32, #tpu.memory_space<vmem>>, vector<128x128xf32>
    %dot_general3A_58 = arith.constant dense<0.000000e+00> : vector<128x2048xf32>
    %dot_general3A_59 = tpu.matmul %get3A_57, %max3A_54, %dot_general3A_58 {dimension_numbers = #tpu.dot_dimension_numbers<[1], [0], [0], [1], [0, 0, 1, 1], [], []>, transpose_lhs_hint = false} : vector<128x128xf32>, vector<128x2048xf32>, vector<128x2048xf32> -> vector<128x2048xf32>
    %get3A_60 = arith.constant 0 : index
    %get3A_61 = arith.constant 0 : index
    %get3A_62 = vector.load %arg10[%get3A_60, %get3A_61] : memref<128x1xf32, #tpu.memory_space<vmem>>, vector<128x1xf32>
    %add3A_63 = vector.broadcast %get3A_62 : vector<128x1xf32> to vector<128x2048xf32>
    %add3A_64 = arith.addf %dot_general3A_59, %add3A_63 : vector<128x2048xf32>
    %swap3A = arith.constant 0 : index
    %swap3A_65 = arith.constant 0 : index
    %swap3A_66 = vector.load %arg11[%swap3A, %swap3A_65] : memref<128x2048xf32, #tpu.memory_space<vmem>>, vector<128x2048xf32>
    tpu.vector_store %arg11[%swap3A, %swap3A_65], %add3A_64 {strides = array<i32>} : memref<128x2048xf32, #tpu.memory_space<vmem>>, vector<128x2048xf32>,
    return
  }
  func.func @transform_0(%arg0: i32) -> (i32, i32, i32) {
    %c0_i32 = arith.constant 0 : i32
    %c0_i32_0 = arith.constant 0 : i32
    %c0_i32_1 = arith.constant 0 : i32
    return %c0_i32, %c0_i32_0, %arg0 : i32, i32, i32
  }
  func.func @transform_1(%arg0: i32) -> (i32, i32, i32) {
    %c0_i32 = arith.constant 0 : i32
    %c0_i32_0 = arith.constant 0 : i32
    %c0_i32_1 = arith.constant 0 : i32
    return %c0_i32, %c0_i32_0, %arg0 : i32, i32, i32
  }
  func.func @transform_2(%arg0: i32) -> (i32, i32) {
    %c0_i32 = arith.constant 0 : i32
    %c0_i32_0 = arith.constant 0 : i32
    return %c0_i32, %arg0 : i32, i32
  }
  func.func @transform_3(%arg0: i32) -> (i32, i32) {
    %c0_i32 = arith.constant 0 : i32
    %c0_i32_0 = arith.constant 0 : i32
    %c0_i32_1 = arith.constant 0 : i32
    return %c0_i32, %c0_i32_0 : i32, i32
  }
  func.func @transform_4(%arg0: i32) -> (i32, i32) {
    %c0_i32 = arith.constant 0 : i32
    %c0_i32_0 = arith.constant 0 : i32
    %c0_i32_1 = arith.constant 0 : i32
    return %c0_i32, %c0_i32_0 : i32, i32
  }
  func.func @transform_5(%arg0: i32) -> (i32, i32) {
    %c0_i32 = arith.constant 0 : i32
    %c0_i32_0 = arith.constant 0 : i32
    %c0_i32_1 = arith.constant 0 : i32
    return %c0_i32, %c0_i32_0 : i32, i32
  }
  func.func @transform_6(%arg0: i32) -> (i32, i32) {
    %c0_i32 = arith.constant 0 : i32
    %c0_i32_0 = arith.constant 0 : i32
    %c0_i32_1 = arith.constant 0 : i32
    return %c0_i32, %c0_i32_0 : i32, i32
  }
  func.func @transform_7(%arg0: i32) -> (i32, i32) {
    %c0_i32 = arith.constant 0 : i32
    %c0_i32_0 = arith.constant 0 : i32
    %c0_i32_1 = arith.constant 0 : i32
    return %c0_i32, %c0_i32_0 : i32, i32
  }
  func.func @transform_8(%arg0: i32) -> (i32, i32) {
    %c0_i32 = arith.constant 0 : i32
    %c0_i32_0 = arith.constant 0 : i32
    %c0_i32_1 = arith.constant 0 : i32
    return %c0_i32, %c0_i32_0 : i32, i32
  }
  func.func @transform_9(%arg0: i32) -> (i32, i32) {
    %c0_i32 = arith.constant 0 : i32
    %c0_i32_0 = arith.constant 0 : i32
    %c0_i32_1 = arith.constant 0 : i32
    return %c0_i32, %c0_i32_0 : i32, i32
  }
  func.func @transform_10(%arg0: i32) -> (i32, i32) {
    %c0_i32 = arith.constant 0 : i32
    %c0_i32_0 = arith.constant 0 : i32
    return %c0_i32, %arg0 : i32, i32
  }
}

</mosaic_0001>

<sc_bundles>
// kernel: kernel.10.cloned.1.call-start
scs
__scs_entry_jumppad:
0x0: {  	(pc) =	sbr.rel $0x88, $3  }
0x1: {  	(tag) =	ssettag $0x0;
	lr =	simm.s32 $0x1  }
0x2: {  	[smem:$0x3F96] =	sst lr;
	_ =	strace $0xD0000000  }
0x3: {  	_ = 	snop  }
0x4: {  	_ = 	snop  }
0x5: {  	_ = 	snop  }
0x6: {  	_ = 	snop  }
0x7: {  	_ = 	snop  }
__scs_overlays_trampoline_lowered:
0x8: {  	[smem:$0x3FA5] =	sst s0  }
0x9: {  	[smem:$0x3FA6] =	sst s1  }
0xa: {  	[smem:$0x3FA7] =	sst s2  }
0xb: {  	[smem:$0x3FA8] =	sst s3  }
0xc: {  	[smem:$0x3FA9] =	sst s4  }
0xd: {  	[smem:$0x3FAA] =	sst s5  }
0xe: {  	[smem:$0x3FAB] =	sst s6  }
0xf: {  	[smem:$0x3FAC] =	sst s7  }
0x10: {  	[smem:$0x3FAD] =	sst s8  }
0x11: {  	[smem:$0x3FAE] =	sst s9;
	s0 =	simm.s32 @!p0 $0x0  }
0x12: {  	s1 =	sld [smem:$0x3F94];
	s0 =	simm.s32 @p0 $0x1  }
0x13: {  	[smem:$0x3FAF] =	sst s0;
	s0 =	simm.s32 @!p1 $0x0  }
0x14: {  	s2 =	sld [smem:$0x3F93];
	s0 =	simm.s32 @p1 $0x1  }
0x15: {  	[smem:$0x3FB0] =	sst s0;
	s0 =	simm.s32 @!p2 $0x0  }
0x16: {  	s3 =	sld [smem:$0x3FDB];
	s0 =	simm.s32 @p2 $0x1  }
0x17: {  	s4 =	simm.s32 $0x1BF5;
	[smem:$0x3FB2] =	sst s0  }
0x18: {  	s0 =	sld [smem:$0x3F95];
	_ =	swait.ge [sflag:s4], $0x0  }
0x19: {  	s7 =	sld [smem:$0x3F96]  }
0x1a: {  	s8 =	sadd.s32 $0xFFFFE003, lr  }
0x1b: {  	s9 =	sadd.s32 $0xFFFFFEF7, lr;
	s5 =	simm.s32 $0xFFFFFFFF;
	p2 =	slt.u32 s8, $0xFFFFF086  }
0x1c: {  	p1 =	slt.u32 s9, $0xF7A;
	s5 =	simm.s32 @!p2 $0x0  }
0x1d: {  	s5 =	simm.s32 @p1 $0x1;
	p0 =	seq.s32 s7, s2  }
0x1e: {  	s7 =	smul.u32 @!p0 $0xF7A, s2;
	p2 =	seq.s32 @!p0 s5, $0x0  }
0x1f: {  	s9 =	smul.u32 $0xF7A, s1;
	s8 =	simm.s32 @!p0 $0x1BF5;
	p2 =	por !p2, p0  }
0x20: {  	[sflag:s8] =	ssyncset.s32 @!p0 $0xFFFFF086;
	s6 =	sadd.s32 @!p0 s3, s7;
	s7 =	simm.s32 @!p0 $0x108  }
0x21: {  	s3 =	sadd.s32 s3, s9;
	s6 =	sadd.s32 @!p0 $0x88, s6;
	s7 =	simm.s32 @p2 $0x1082  }
0x22: {  	[simem:s7], [sflag:s8] =	dma.local @!p0 [hbm:s6], $0xF7A  }
0x23: {  	s9 =	sor.u32 $0xD0000000, s2;
	s6 =	simm.s32 $0x108;
	_ =	swait.ge @!p0 [sflag:s8], $0x0  }
0x24: {  	s3 =	sadd.s32 $0x88, s3;
	s6 =	simm.s32 @!p1 $0x1082;
	[sflag:s4] =	ssyncset.s32 $0xFFFFF086  }
0x25: {  	[simem:s6], [sflag:s4] =	dma.local [hbm:s3], $0xF7A  }
0x26: {  	[smem:$0x3F96] =	sst s1;
	(tag) =	ssettag s2;
	_ =	strace s9  }
0x27: {  	s1 =	sld [smem:$0x3FA6]  }
0x28: {  	s2 =	sld [smem:$0x3FA7]  }
0x29: {  	s4 =	sld [smem:$0x3FA9]  }
0x2a: {  	p0 =	seq.s32 s5, $0x0;
	s5 =	sld [smem:$0x3FAA]  }
0x2b: {  	s6 =	sld [smem:$0x3FAB]  }
0x2c: {  	s7 =	sld [smem:$0x3FAC]  }
0x2d: {  	s3 =	simm.s32 $0x108;
	s8 =	sld [smem:$0x3FAD]  }
0x2e: {  	s3 =	simm.s32 @!p0 $0x1082;
	s9 =	sld [smem:$0x3FAE]  }
0x2f: {  	lr =	sadd.s32 s0, s3;
	s0 =	sld [smem:$0x3FA5]  }
0x30: {  	s3 =	sld [smem:$0x3FA8]  }
0x31: {  	[smem:$0x3FB1] =	sst s10  }
0x32: {  	s10 =	sld [smem:$0x3FAF];
	_ =	sdelay $0x3  }
0x33: {  	p0 =	seq.s32 s10, $0x1;
	s10 =	sld [smem:$0x3FB1];
	_ =	sdelay $0x3  }
0x34: {  	[smem:$0x3FB1] =	sst s10  }
0x35: {  	s10 =	sld [smem:$0x3FB0];
	_ =	sdelay $0x3  }
0x36: {  	p1 =	seq.s32 s10, $0x1;
	s10 =	sld [smem:$0x3FB1];
	_ =	sdelay $0x3  }
0x37: {  	[smem:$0x3FB1] =	sst s10  }
0x38: {  	s10 =	sld [smem:$0x3FB2]  }
0x39: {  	_ = 	snop;
	(pc) =	sbr.ind lr, $3  }
0x3a: {  	_ = 	snop  }
0x3b: {  	_ = 	snop  }
0x3c: {  	p2 =	seq.s32 s10, $0x1;
	s10 =	sld [smem:$0x3FB1]  }
0x3d: {  	_ =	shalt  }
0x3e: {  	_ =	shalt  }
0x3f: {  	_ =	shalt  }
0x40: {  	_ =	shalt  }
0x41: {  	_ =	shalt  }
0x42: {  	_ =	shalt  }
0x43: {  	_ =	shalt  }
0x44: {  	_ =	shalt  }
0x45: {  	_ =	shalt  }
0x46: {  	_ =	shalt  }
0x47: {  	_ =	shalt  }
0x48: {  	_ =	shalt  }
0x49: {  	_ =	shalt  }
0x4a: {  	_ =	shalt  }
0x4b: {  	_ =	shalt  }
0x4c: {  	_ =	shalt  }
0x4d: {  	_ =	shalt  }
0x4e: {  	_ =	shalt  }
0x4f: {  	_ =	shalt  }
0x50: {  	_ =	shalt  }
0x51: {  	_ =	shalt  }
0x52: {  	_ =	shalt  }
0x53: {  	_ =	shalt  }
0x54: {  	_ =	shalt  }
0x55: {  	_ =	shalt  }
0x56: {  	_ =	shalt  }
0x57: {  	_ =	shalt  }
0x58: {  	_ =	shalt  }
0x59: {  	_ =	shalt  }
0x5a: {  	_ =	shalt  }
0x5b: {  	_ =	shalt  }
0x5c: {  	_ =	shalt  }
0x5d: {  	_ =	shalt  }
0x5e: {  	_ =	shalt  }
0x5f: {  	_ =	shalt  }
0x60: {  	_ =	shalt  }
0x61: {  	_ =	shalt  }
0x62: {  	_ =	shalt  }
0x63: {  	_ =	shalt  }
0x64: {  	_ =	shalt  }
0x65: {  	_ =	shalt  }
0x66: {  	_ =	shalt  }
0x67: {  	_ =	shalt  }
0x68: {  	_ =	shalt  }
0x69: {  	_ =	shalt  }
0x6a: {  	_ =	shalt  }
0x6b: {  	_ =	shalt  }
0x6c: {  	_ =	shalt  }
0x6d: {  	_ =	shalt  }
0x6e: {  	_ =	shalt  }
0x6f: {  	_ =	shalt  }
0x70: {  	_ =	shalt  }
0x71: {  	_ =	shalt  }
0x72: {  	_ =	shalt  }
0x73: {  	_ =	shalt  }
0x74: {  	_ =	shalt  }
0x75: {  	_ =	shalt  }
0x76: {  	_ =	shalt  }
0x77: {  	_ =	shalt  }
0x78: {  	_ =	shalt  }
0x79: {  	_ =	shalt  }
0x7a: {  	_ =	shalt  }
0x7b: {  	_ =	shalt  }
0x7c: {  	_ =	shalt  }
0x7d: {  	_ =	shalt  }
0x7e: {  	_ =	shalt  }
0x7f: {  	_ =	shalt  }
0x80: {  	_ =	shalt  }
0x81: {  	_ =	shalt  }
0x82: {  	_ =	shalt  }
0x83: {  	_ =	shalt  }
0x84: {  	_ =	shalt  }
0x85: {  	_ =	shalt  }
0x86: {  	_ =	shalt  }
0x87: {  	_ =	shalt  }
.Lfunc_end0:
.L_simem_size_0:
called_computation.1_lowered:
.L_overlay_start_0:
0x88: {  	s2 =	sld [smem:$0x3FD9]  }
0x89: {  	s3 =	sld [smem:$0x3FFE];
	_ =	sdelay $0x1  }
0x8a: {  	s1 =	srdreg.scid  }
0x8b: {  	s0 =	sand.u32 $0x1, s1  }
0x8c: {  	s17 =	sshll.u32 s0, $0xA;
	s2 =	sadd.s32 s3, s2  }
0x8d: {  	s2 =	sadd.s32 s2, s17  }
0x8e: {  	[smem:$0x3FBD] =	sst s2  }
0x8f: {  	_ = 	snop  }
0x90: {  	s2 =	sld [smem:$0x3FD0];
	(tm) =	ssettm $0x1  }
0x91: {  	s18 =	sld [smem:$0x3FFB];
	_ =	sdelay $0x3  }
0x92: {  	_ =	strace s18  }
0x93: {  	s3 =	sld [smem:$0x3FFC];
	_ =	sdelay $0x3  }
0x94: {  	_ =	strace s3  }
0x95: {  	s3 =	sld [smem:$0x3FFD];
	_ =	sdelay $0x3  }
0x96: {  	_ =	strace s3  }
0x97: {  	_ =	strace $0x8FFFFFFF  }
0x98: {  	s19 =	sld [smem:$0x3FDB];
	_ =	sdelay $0x1  }
0x99: {  	s4 =	simm.s32 $_scs_section_size  }
0x9a: {  	s5 =	simm.s32 $_size__tile_overlayer_lowered;
	s6 =	simm.s32 $_tile_overlayer_lowered  }
0x9b: {  	s22 =	simm.s32 $0x1BFF;
	s21 =	sshll.u32 s6, $0x1;
	s3 =	sadd.s32 s4, s19  }
0x9c: {  	s7 =	simm.s32 $0x0;
	s20 =	sshll.u32 s5, $0x1;
	s5 =	sadd.s32 s21, s3  }
0x9d: {  	[timem:s7], [sflag:s22] =	dma.local [hbm:s5], s20  }
0x9e: {  	_ =	swait.ge [sflag:s22], s20  }
0x9f: {  	s4 =	ssub.s32 $0x0, s20;
	[sflag:s22] =	ssyncset.done $0x0  }
0xa0: {  	[sflag:s22] =	ssyncadd.s32 s4;
	_ =	sdelay $0x1  }
0xa1: {  	s23 =	simm.s32 $0x1B8B  }
0xa2: {  	_ =	swait.ge [sflag:s23], $0x1  }
0xa3: {  	[sflag:s23] =	ssyncset.done $0x0  }
0xa4: {  	s25 =	simm.s32 $0x1B8E;
	s24 =	sld [smem:$0x3FFE];
	[sflag:s23] =	ssyncadd.s32 $0xFFFFFFFF  }
0xa5: {  	s26 =	simm.s32 $execute0_lowered;
	[smem:$0x3FD2] =	sst s25  }
0xa6: {  	s5 =	sshll.u32 s26, $0x1;
	_ =	strace $0x80000046;
	[dreg:$0x1] =	wrdreg $0xFFFFFFFF  }
0xa7: {  	s28 =	simm.s32 $_size_execute0_lowered;
	s3 =	sadd.s32 s3, s5;
	[dreg:$0x0] =	wrdreg $0x0  }
0xa8: {  	s5 =	sshll.u32 s28, $0x1;
	[dreg:$0x2] =	wrdreg s3  }
0xa9: {  	[dreg:$0x3] =	wrdreg s5  }
0xaa: {  	[dreg:$0x4] =	wrdreg $0xC0  }
0xab: {  	_ =	task [dreg:s7], $0x5FFFF  }
0xac: {  	[dreg:$0x1] =	wrdreg $0xFFFFFFFF  }
0xad: {  	[dreg:$0x0] =	wrdreg $0x60  }
0xae: {  	[dreg:$0x2] =	wrdreg s24  }
0xaf: {  	[dreg:$0x3] =	wrdreg s2  }
0xb0: {  	[dreg:$0x4] =	wrdreg $0xC5000  }
0xb1: {  	[dreg:$0x5] =	wrdreg $0xA  }
0xb2: {  	_ =	task.clear_ibuf [dreg:s7], $0x6FFFF;
	_ =	strace $0x90000046  }
0xb3: {  	s29 =	simm.s32 $0xA;
	_ =	strace $0x80000048  }
0xb4: {  	_ =	swait.ge [sflag:s29], $0x1  }
0xb5: {  	[sflag:s29] =	ssyncadd.s32 $0xFFFFFFFF  }
0xb6: {  	_ =	strace $0x90000048  }
0xb7: {  	_ =	sfence  }
0xb8: {  	s30 =	sld [smem:$0x0];
	_ =	sdelay $0x2  }
0xb9: {  	s31 =	sshll.u32 s1, $0xD;
	s1 =	sshrl.u32 s1, $0x2  }
0xba: {  	s3 =	sand.u32 $0x4000, s31;
	s1 =	sadd.s32 s1, s30  }
0xbb: {  	s0 =	sor.u32 s3, s0;
	s1 =	sshll.u32 s1, $0x11  }
0xbc: {  	s0 =	sor.u32 s1, s0  }
0xbd: {  	s0 =	sadd.s32 $0x8F2B, s0  }
0xbe: {  	[sflag:s0] =	ssyncadd.remote.s32 $0x1  }
0xbf: {  	_ =	sfence.sel $0xFFFF  }
0xc0: {  	[dreg:$0x0] =	wrdreg $0xFFFFFFFF;
	(pc) =	sbr.abs _section_cstart, $3  }
0xc1: {  	[dreg:$0x1] =	wrdreg $0xFFFFFFFF  }
0xc2: {  	_ =	task.clear_ibuf [dreg:s7], $0x2FFFF;
	_ =	strace $0x9FFFFFFF  }
0xc3: {  	(tm) =	ssettm $0x7FFFFFFF  }
tec
execute0_lowered:
.L_overlay_start_1:
0x0: {  	(tag) =	ssettag $0x1  }
0x1: {  	s3 =	rddreg [dreg:$0x0];
	s0 =	srdreg.scid  }
0x2: {  	s1 =	rddreg [dreg:$0x1];
	s2 =	simm.s32 $0x0;
	s17 =	stileid.u32  }
0x3: {  	s5 =	sand.u32 $0x1, s0;
	[smem:$0x7FF] =	sst s2;
	s6 =	sshll.u32 s17, $0x1  }
0x4: {  	s7 =	smul.u32 $0x13800, s17;
	s8 =	sadd.s32 $0x528E00, s3;
	s0 =	ssub.s32 $0x2, s5  }
0x5: {  	s28 =	sor.u32 s5, s6;
	s5 =	smul.u32 $0x138800, s5;
	s4 =	sshrl.u32 s0, $0x1  }
0x6: {  	s6 =	sadd.s32 $0x2000, s7;
	s9 =	sadd.s32 $0x4000, s7;
	s10 =	sadd.s32 $0x6000, s7  }
0x7: {  	s11 =	sadd.s32 $0x8000, s7;
	s13 =	sadd.s32 $0xA000, s7;
	s14 =	sadd.s32 $0xC000, s7  }
0x8: {  	s21 =	sadd.s32 $0xE000, s7;
	s22 =	sadd.s32 $0x10000, s7;
	s0 =	ssub.s32 s0, s4  }
0x9: {  	s4 =	smul.u32 $0x1388, s28;
	s12 =	sadd.s32 s7, s5;
	s15 =	sadd.s32 s5, s6  }
0xa: {  	s7 =	sadd.s32 $0x12000, s7;
	s30 =	sadd.s32 s5, s9;
	s31 =	sadd.s32 s5, s10  }
0xb: {  	s16 =	sadd.s32 s5, s11;
	s19 =	sadd.s32 s5, s13;
	s20 =	sadd.s32 s5, s14  }
0xc: {  	s23 =	sadd.s32 s5, s21;
	s28 =	sadd.s32 s5, s22;
	s12 =	sshrl.u32 s12, $0x3  }
0xd: {  	s15 =	sshrl.u32 s15, $0x3;
	s16 =	sshrl.u32 s16, $0x3;
	s24 =	sshrl.u32 s20, $0x3  }
0xe: {  	s25 =	sshrl.u32 s23, $0x3;
	s5 =	sadd.s32 s5, s7;
	s12 =	sadd.s32 s8, s12  }
0xf: {  	s29 =	sadd.s32 s8, s15;
	s15 =	sshrl.u32 s31, $0x3;
	[dreg:$0x4] =	wrdreg s12  }
0x10: {  	s18 =	sadd.s32 s8, s16;
	s26 =	sadd.s32 s8, s25;
	[dreg:$0x5] =	wrdreg s29  }
0x11: {  	s5 =	sshrl.u32 s5, $0x3;
	s31 =	smul.u32 $0x4E000, s17;
	[dreg:$0x8] =	wrdreg s18  }
0x12: {  	s16 =	sadd.s32 $0xC000, s3;
	s12 =	sshrl.u32 s30, $0x3;
	[dreg:$0xb] =	wrdreg s26  }
0x13: {  	s29 =	sshrl.u32 s28, $0x3;
	s5 =	sadd.s32 s8, s5;
	s30 =	sadd.s32 $0x1388, s4  }
0x14: {  	s18 =	sshrl.u32 s4, $0x5;
	s12 =	sadd.s32 s8, s12;
	[dreg:$0xd] =	wrdreg s5  }
0x15: {  	s5 =	sshrl.u32 s30, $0x5;
	[dreg:$0x6] =	wrdreg s12;
	s12 =	sadd.s32 s8, s15  }
0x16: {  	s15 =	sadd.s32 s8, s29;
	[dreg:$0x7] =	wrdreg s12;
	s12 =	sshrl.u32 s19, $0x3  }
0x17: {  	s30 =	sshll.u32 s18, $0x3;
	[dreg:$0xc] =	wrdreg s15;
	s12 =	sadd.s32 s8, s12  }
0x18: {  	s20 =	ssub.s32 s5, s18;
	[dreg:$0x9] =	wrdreg s12;
	s12 =	sadd.s32 s8, s24  }
0x19: {  	s5 =	sshrl.u32 s31, $0x2;
	s15 =	sadd.s32 $0x15E00, s3;
	[dreg:$0xa] =	wrdreg s12  }
0x1a: {  	s29 =	sshll.u32 s4, $0x5;
	s31 =	sadd.s32 s15, s30;
	s12 =	rddreg [dreg:$0x2]  }
0x1b: {  	s4 =	sadd.s32 s16, s30;
	_ =	strace $0x80000047;
	[dreg:$0x18] =	wrdreg s31  }
0x1c: {  	s0 =	smax.u32 s0, $0x1;
	s17 =	sadd.s32 $0x501C00, s3;
	[dreg:$0x19] =	wrdreg s4  }
0x1d: {  	s19 =	sadd.s32 $0x1FC00, s3;
	s3 =	sadd.s32 s5, s12;
	[dreg:$0x1b] =	wrdreg s0  }
0x1e: {  	s8 =	sadd.s32 s6, s12;
	[dreg:$0xe] =	wrdreg s3  }
0x1f: {  	s9 =	sadd.s32 s9, s12;
	s10 =	sadd.s32 s10, s12;
	[dreg:$0xf] =	wrdreg s8  }
0x20: {  	s11 =	sadd.s32 s11, s12;
	s23 =	sadd.s32 s13, s12;
	[dreg:$0x10] =	wrdreg s9  }
0x21: {  	s24 =	sadd.s32 s14, s12;
	s25 =	sadd.s32 s21, s12;
	[dreg:$0x11] =	wrdreg s10  }
0x22: {  	s26 =	sadd.s32 s22, s12;
	s28 =	sadd.s32 s7, s12;
	[dreg:$0x12] =	wrdreg s11  }
0x23: {  	s5 =	sadd.s32 $0xFFFFFFFF, s20;
	s6 =	simm.s32 $0x480;
	[dreg:$0x13] =	wrdreg s23  }
0x24: {  	s7 =	simm.s32 $0x9;
	s13 =	simm.s32 $0x1;
	[dreg:$0x14] =	wrdreg s24  }
0x25: {  	s14 =	simm.s32 $0x2;
	s0 =	simm.s32 $0x4;
	[dreg:$0x15] =	wrdreg s25  }
.Ltmp0:
0x26: {  	s4 =	simm.s32 $0x6;
	[dreg:$0x16] =	wrdreg s26;
	(pc) =	sbr.rel .LBB2_1-.Ltmp0, $4  }
0x27: {  	s21 =	simm.s32 $0x6480;
	s22 =	simm.s32 $0xA500;
	[dreg:$0x17] =	wrdreg s28  }
0x28: {  	s3 =	sand.u32 $0x7FFC00, s29;
	s8 =	simm.s32 $0x40;
	s9 =	simm.s32 $0x400  }
0x29: {  	s10 =	simm.s32 $0x4480;
	s11 =	simm.s32 $0x3;
	s3 =	sadd.s32 s19, s3  }
0x2a: {  	v0 =	vimm.f32 $0.0e+00;
	s23 =	simm.s32 $0x0;
	[dreg:$0x1a] =	wrdreg s3;
	s3 =	simm.s32 $0x5  }
.LBB2_13:
0x2b: {  	s24 =	simm.s32 $0x7  }
0x2c: {  	_ =	swait.ge [sflag:s24], $0x2000  }
0x2d: {  	[sflag:s24] =	ssyncset.done $0x0  }
0x2e: {  	s28 =	simm.s32 $0x8;
	[sflag:s24] =	ssyncadd.s32 $0xFFFFE000  }
0x2f: {  	_ =	swait.ge [sflag:s28], $0x2000  }
0x30: {  	[sflag:s28] =	ssyncset.done $0x0  }
0x31: {  	[sflag:s28] =	ssyncadd.s32 $0xFFFFE000  }
0x32: {  	[bflag:$0x0] =	sbarrier.arrive $0xFFFF  }
0x33: {  	s29 =	rddreg [dreg:$0xe]  }
0x34: {  	[tilespmem:s6], [sflag:$0x9] =	stream.linear.gather [spmem:s29], $0x2000, $0x38;
	[tilespmem:$0x1FD80] =	vst v63  }
0x35: {  	_ =	swait.ge [sflag:s7], $0x2000  }
0x36: {  	[sflag:s7] =	ssyncset.done $0x0  }
0x37: {  	s30 =	rddreg [dreg:$0x4];
	[sflag:s7] =	ssyncadd.s32 $0xFFFFE000  }
0x38: {  	[hbm4b:s30+s2] =	stream.linear.scatter [tilespmem:s6], [sflag:$0x9], $0x2000, $0x38;
	[tilespmem:$0x1FD80] =	vst v63  }
0x39: {  	_ =	swait.ge [sflag:s7], $0x2000  }
0x3a: {  	[sflag:s7] =	ssyncset.done $0x0  }
0x3b: {  	s31 =	rddreg [dreg:$0xf];
	[sflag:s7] =	ssyncadd.s32 $0xFFFFE000  }
0x3c: {  	[tilespmem:s6], [sflag:$0x9] =	stream.linear.gather [spmem:s31], $0x2000, $0x38;
	[tilespmem:$0x1FD80] =	vst v63  }
0x3d: {  	_ =	swait.ge [sflag:s7], $0x2000  }
0x3e: {  	[sflag:s7] =	ssyncset.done $0x0  }
0x3f: {  	s25 =	rddreg [dreg:$0x5];
	[sflag:s7] =	ssyncadd.s32 $0xFFFFE000  }
0x40: {  	[hbm4b:s25+s2] =	stream.linear.scatter [tilespmem:s6], [sflag:$0x9], $0x2000, $0x38;
	[tilespmem:$0x1FD80] =	vst v63  }
0x41: {  	_ =	swait.ge [sflag:s7], $0x2000  }
0x42: {  	[sflag:s7] =	ssyncset.done $0x0  }
0x43: {  	s26 =	rddreg [dreg:$0x10];
	[sflag:s7] =	ssyncadd.s32 $0xFFFFE000  }
0x44: {  	[tilespmem:s6], [sflag:$0x9] =	stream.linear.gather [spmem:s26], $0x2000, $0x38;
	[tilespmem:$0x1FD80] =	vst v63  }
0x45: {  	_ =	swait.ge [sflag:s7], $0x2000  }
0x46: {  	[sflag:s7] =	ssyncset.done $0x0  }
0x47: {  	s28 =	rddreg [dreg:$0x6];
	[sflag:s7] =	ssyncadd.s32 $0xFFFFE000  }
0x48: {  	[hbm4b:s28+s2] =	stream.linear.scatter [tilespmem:s6], [sflag:$0x9], $0x2000, $0x38;
	[tilespmem:$0x1FD80] =	vst v63  }
0x49: {  	_ =	swait.ge [sflag:s7], $0x2000  }
0x4a: {  	[sflag:s7] =	ssyncset.done $0x0  }
0x4b: {  	s29 =	rddreg [dreg:$0x11];
	[sflag:s7] =	ssyncadd.s32 $0xFFFFE000  }
0x4c: {  	[tilespmem:s6], [sflag:$0x9] =	stream.linear.gather [spmem:s29], $0x2000, $0x38;
	[tilespmem:$0x1FD80] =	vst v63  }
0x4d: {  	_ =	swait.ge [sflag:s7], $0x2000  }
0x4e: {  	[sflag:s7] =	ssyncset.done $0x0  }
0x4f: {  	s30 =	rddreg [dreg:$0x7];
	[sflag:s7] =	ssyncadd.s32 $0xFFFFE000  }
0x50: {  	[hbm4b:s30+s2] =	stream.linear.scatter [tilespmem:s6], [sflag:$0x9], $0x2000, $0x38;
	[tilespmem:$0x1FD80] =	vst v63  }
0x51: {  	_ =	swait.ge [sflag:s7], $0x2000  }
0x52: {  	[sflag:s7] =	ssyncset.done $0x0  }
0x53: {  	s31 =	rddreg [dreg:$0x12];
	[sflag:s7] =	ssyncadd.s32 $0xFFFFE000  }
0x54: {  	[tilespmem:s6], [sflag:$0x9] =	stream.linear.gather [spmem:s31], $0x2000, $0x38;
	[tilespmem:$0x1FD80] =	vst v63  }
0x55: {  	_ =	swait.ge [sflag:s7], $0x2000  }
0x56: {  	[sflag:s7] =	ssyncset.done $0x0  }
0x57: {  	s25 =	rddreg [dreg:$0x8];
	[sflag:s7] =	ssyncadd.s32 $0xFFFFE000  }
0x58: {  	[hbm4b:s25+s2] =	stream.linear.scatter [tilespmem:s6], [sflag:$0x9], $0x2000, $0x38;
	[tilespmem:$0x1FD80] =	vst v63  }
0x59: {  	_ =	swait.ge [sflag:s7], $0x2000  }
0x5a: {  	[sflag:s7] =	ssyncset.done $0x0  }
0x5b: {  	s26 =	rddreg [dreg:$0x13];
	[sflag:s7] =	ssyncadd.s32 $0xFFFFE000  }
0x5c: {  	[tilespmem:s6], [sflag:$0x9] =	stream.linear.gather [spmem:s26], $0x2000, $0x38;
	[tilespmem:$0x1FD80] =	vst v63  }
0x5d: {  	_ =	swait.ge [sflag:s7], $0x2000  }
0x5e: {  	[sflag:s7] =	ssyncset.done $0x0  }
0x5f: {  	s28 =	rddreg [dreg:$0x9];
	[sflag:s7] =	ssyncadd.s32 $0xFFFFE000  }
0x60: {  	[hbm4b:s28+s2] =	stream.linear.scatter [tilespmem:s6], [sflag:$0x9], $0x2000, $0x38;
	[tilespmem:$0x1FD80] =	vst v63  }
0x61: {  	_ =	swait.ge [sflag:s7], $0x2000  }
0x62: {  	[sflag:s7] =	ssyncset.done $0x0  }
0x63: {  	s29 =	rddreg [dreg:$0x14];
	[sflag:s7] =	ssyncadd.s32 $0xFFFFE000  }
0x64: {  	[tilespmem:s6], [sflag:$0x9] =	stream.linear.gather [spmem:s29], $0x2000, $0x38;
	[tilespmem:$0x1FD80] =	vst v63  }
0x65: {  	_ =	swait.ge [sflag:s7], $0x2000  }
0x66: {  	[sflag:s7] =	ssyncset.done $0x0  }
0x67: {  	s30 =	rddreg [dreg:$0xa];
	[sflag:s7] =	ssyncadd.s32 $0xFFFFE000  }
0x68: {  	[hbm4b:s30+s2] =	stream.linear.scatter [tilespmem:s6], [sflag:$0x9], $0x2000, $0x38;
	[tilespmem:$0x1FD80] =	vst v63  }
0x69: {  	_ =	swait.ge [sflag:s7], $0x2000  }
0x6a: {  	[sflag:s7] =	ssyncset.done $0x0  }
0x6b: {  	s31 =	rddreg [dreg:$0x15];
	[sflag:s7] =	ssyncadd.s32 $0xFFFFE000  }
0x6c: {  	[tilespmem:s6], [sflag:$0x9] =	stream.linear.gather [spmem:s31], $0x2000, $0x38;
	[tilespmem:$0x1FD80] =	vst v63  }
0x6d: {  	_ =	swait.ge [sflag:s7], $0x2000  }
0x6e: {  	[sflag:s7] =	ssyncset.done $0x0  }
0x6f: {  	s25 =	rddreg [dreg:$0xb];
	[sflag:s7] =	ssyncadd.s32 $0xFFFFE000  }
0x70: {  	[hbm4b:s25+s2] =	stream.linear.scatter [tilespmem:s6], [sflag:$0x9], $0x2000, $0x38;
	[tilespmem:$0x1FD80] =	vst v63  }
0x71: {  	_ =	swait.ge [sflag:s7], $0x2000  }
0x72: {  	[sflag:s7] =	ssyncset.done $0x0  }
0x73: {  	s26 =	rddreg [dreg:$0x16];
	[sflag:s7] =	ssyncadd.s32 $0xFFFFE000  }
0x74: {  	[tilespmem:s6], [sflag:$0x9] =	stream.linear.gather [spmem:s26], $0x2000, $0x38;
	[tilespmem:$0x1FD80] =	vst v63  }
0x75: {  	_ =	swait.ge [sflag:s7], $0x2000  }
0x76: {  	[sflag:s7] =	ssyncset.done $0x0  }
0x77: {  	s28 =	rddreg [dreg:$0xc];
	[sflag:s7] =	ssyncadd.s32 $0xFFFFE000  }
0x78: {  	[hbm4b:s28+s2] =	stream.linear.scatter [tilespmem:s6], [sflag:$0x9], $0x2000, $0x38;
	[tilespmem:$0x1FD80] =	vst v63  }
0x79: {  	_ =	swait.ge [sflag:s7], $0x2000  }
0x7a: {  	[sflag:s7] =	ssyncset.done $0x0  }
0x7b: {  	s29 =	rddreg [dreg:$0x17];
	[sflag:s7] =	ssyncadd.s32 $0xFFFFE000  }
0x7c: {  	[tilespmem:s6], [sflag:$0x9] =	stream.linear.gather [spmem:s29], $0x2000, $0x38;
	[tilespmem:$0x1FD80] =	vst v63  }
0x7d: {  	_ =	swait.ge [sflag:s7], $0x2000  }
0x7e: {  	[sflag:s7] =	ssyncset.done $0x0  }
0x7f: {  	s30 =	rddreg [dreg:$0xd];
	[sflag:s7] =	ssyncadd.s32 $0xFFFFE000  }
0x80: {  	[hbm4b:s30+s2] =	stream.linear.scatter [tilespmem:s6], [sflag:$0x9], $0x2000, $0x38;
	[tilespmem:$0x1FD80] =	vst v63  }
0x81: {  	_ =	swait.ge [sflag:s7], $0x2000  }
0x82: {  	s23 =	sadd.s32 $0x1, s23;
	s31 =	rddreg [dreg:$0x1b]  }
0x83: {  	p0 =	sne.s32 s23, s31  }
.Ltmp1:
0x84: {  	_ = 	snop;
	(pc) =	sbr.rel @!p0 .LBB2_14-.Ltmp1, $3  }
0x85: {  	_ =	sdelay $0x1  }
0x86: {  	[sflag:s7] =	ssyncset.done $0x0  }
0x87: {  	[sflag:s7] =	ssyncadd.s32 $0xFFFFE000  }
.LBB2_1:
0x88: {  	s24 =	simm.s32 $0x0;
	s25 =	simm.s32 $0x200  }
.LBB2_2:
0x89: {  	p0 =	sne.s32 s25, $0x7E00;
	[tilespmem:s24+$0x4F0] =	vst v0  }
0x8a: {  	[tilespmem:s24+$0x480] =	vst v0  }
0x8b: {  	[tilespmem:s24+$0x490] =	vst v0  }
.Ltmp2:
0x8c: {  	[tilespmem:s24+$0x4A0] =	vst v0;
	(pc) =	sbr.rel @p0 .LBB2_2-.Ltmp2, $4  }
0x8d: {  	[tilespmem:s24+$0x4B0] =	vst v0  }
0x8e: {  	[tilespmem:s24+$0x4C0] =	vst v0  }
0x8f: {  	[tilespmem:s24+$0x4D0] =	vst v0  }
0x90: {  	[tilespmem:s24+$0x4E0] =	vst v0;
	s24 =	sshra.s32 s25, $0x2;
	s25 =	sadd.s32 $0x200, s25  }
0x91: {  	[tilespmem:s24+$0x4F0] =	vst v0  }
0x92: {  	[tilespmem:s24+$0x480] =	vst v0  }
0x93: {  	[tilespmem:s24+$0x490] =	vst v0  }
0x94: {  	[tilespmem:s24+$0x4A0] =	vst v0  }
0x95: {  	[tilespmem:s24+$0x4B0] =	vst v0  }
0x96: {  	[tilespmem:s24+$0x4C0] =	vst v0  }
0x97: {  	[tilespmem:s24+$0x4D0] =	vst v0  }
0x98: {  	[tilespmem:s24+$0x4E0] =	vst v0;
	s31 =	rddreg [dreg:$0xe]  }
0x99: {  	[spmem:s31] =	stream.linear.scatter [tilespmem:s6], [sflag:$0x9], $0x2000, $0x38;
	[tilespmem:$0x1FD80] =	vst v63  }
0x9a: {  	_ =	swait.ge [sflag:s7], $0x2000  }
0x9b: {  	[sflag:s7] =	ssyncset.done $0x0  }
0x9c: {  	s25 =	rddreg [dreg:$0xf];
	[sflag:s7] =	ssyncadd.s32 $0xFFFFE000  }
0x9d: {  	[spmem:s25] =	stream.linear.scatter [tilespmem:s6], [sflag:$0x9], $0x2000, $0x38;
	[tilespmem:$0x1FD80] =	vst v63  }
0x9e: {  	_ =	swait.ge [sflag:s7], $0x2000  }
0x9f: {  	[sflag:s7] =	ssyncset.done $0x0  }
0xa0: {  	s26 =	rddreg [dreg:$0x10];
	[sflag:s7] =	ssyncadd.s32 $0xFFFFE000  }
0xa1: {  	[spmem:s26] =	stream.linear.scatter [tilespmem:s6], [sflag:$0x9], $0x2000, $0x38;
	[tilespmem:$0x1FD80] =	vst v63  }
0xa2: {  	_ =	swait.ge [sflag:s7], $0x2000  }
0xa3: {  	[sflag:s7] =	ssyncset.done $0x0  }
0xa4: {  	s28 =	rddreg [dreg:$0x11];
	[sflag:s7] =	ssyncadd.s32 $0xFFFFE000  }
0xa5: {  	[spmem:s28] =	stream.linear.scatter [tilespmem:s6], [sflag:$0x9], $0x2000, $0x38;
	[tilespmem:$0x1FD80] =	vst v63  }
0xa6: {  	_ =	swait.ge [sflag:s7], $0x2000  }
0xa7: {  	[sflag:s7] =	ssyncset.done $0x0  }
0xa8: {  	s29 =	rddreg [dreg:$0x12];
	[sflag:s7] =	ssyncadd.s32 $0xFFFFE000  }
0xa9: {  	[spmem:s29] =	stream.linear.scatter [tilespmem:s6], [sflag:$0x9], $0x2000, $0x38;
	[tilespmem:$0x1FD80] =	vst v63  }
0xaa: {  	_ =	swait.ge [sflag:s7], $0x2000  }
0xab: {  	[sflag:s7] =	ssyncset.done $0x0  }
0xac: {  	s30 =	rddreg [dreg:$0x13];
	[sflag:s7] =	ssyncadd.s32 $0xFFFFE000  }
0xad: {  	[spmem:s30] =	stream.linear.scatter [tilespmem:s6], [sflag:$0x9], $0x2000, $0x38;
	[tilespmem:$0x1FD80] =	vst v63  }
0xae: {  	_ =	swait.ge [sflag:s7], $0x2000  }
0xaf: {  	[sflag:s7] =	ssyncset.done $0x0  }
0xb0: {  	s31 =	rddreg [dreg:$0x14];
	[sflag:s7] =	ssyncadd.s32 $0xFFFFE000  }
0xb1: {  	[spmem:s31] =	stream.linear.scatter [tilespmem:s6], [sflag:$0x9], $0x2000, $0x38;
	[tilespmem:$0x1FD80] =	vst v63  }
0xb2: {  	_ =	swait.ge [sflag:s7], $0x2000  }
0xb3: {  	[sflag:s7] =	ssyncset.done $0x0  }
0xb4: {  	s25 =	rddreg [dreg:$0x15];
	[sflag:s7] =	ssyncadd.s32 $0xFFFFE000  }
0xb5: {  	[spmem:s25] =	stream.linear.scatter [tilespmem:s6], [sflag:$0x9], $0x2000, $0x38;
	[tilespmem:$0x1FD80] =	vst v63  }
0xb6: {  	_ =	swait.ge [sflag:s7], $0x2000  }
0xb7: {  	[sflag:s7] =	ssyncset.done $0x0  }
0xb8: {  	s26 =	rddreg [dreg:$0x16];
	[sflag:s7] =	ssyncadd.s32 $0xFFFFE000  }
0xb9: {  	[spmem:s26] =	stream.linear.scatter [tilespmem:s6], [sflag:$0x9], $0x2000, $0x38;
	[tilespmem:$0x1FD80] =	vst v63  }
0xba: {  	_ =	swait.ge [sflag:s7], $0x2000  }
0xbb: {  	[sflag:s7] =	ssyncset.done $0x0  }
0xbc: {  	s28 =	rddreg [dreg:$0x17];
	[sflag:s7] =	ssyncadd.s32 $0xFFFFE000  }
0xbd: {  	[spmem:s28] =	stream.linear.scatter [tilespmem:s6], [sflag:$0x9], $0x2000, $0x38;
	[tilespmem:$0x1FD80] =	vst v63  }
0xbe: {  	_ =	swait.ge [sflag:s7], $0x2000  }
0xbf: {  	[sflag:s7] =	ssyncset.done $0x0  }
0xc0: {  	[sflag:s7] =	ssyncadd.s32 $0xFFFFE000  }
0xc1: {  	[bflag:$0x0] =	sbarrier.arrive $0xFFFF  }
0xc2: {  	s24 =	simm.s32 $0x0;
	s25 =	rddreg [dreg:$0x18]  }
0xc3: {  	[tilespmem:s24], [sflag:$0x9] =	stream.linear.gather [hbm4b:s25+s24], $0x200, $0x38;
	[tilespmem:$0x1FD80] =	vst v63  }
0xc4: {  	_ =	swait.ge [sflag:s7], $0x200  }
0xc5: {  	[sflag:s7] =	ssyncset.done $0x0  }
0xc6: {  	s26 =	simm.s32 $0x200;
	s29 =	rddreg [dreg:$0x19];
	[sflag:s7] =	ssyncadd.s32 $0xFFFFFE00  }
0xc7: {  	[tilespmem:s26], [sflag:$0x9] =	stream.linear.gather [hbm4b:s29+s24], $0x200, $0x38;
	[tilespmem:$0x1FD80] =	vst v63  }
0xc8: {  	_ =	swait.ge [sflag:s7], $0x200  }
0xc9: {  	[sflag:s7] =	ssyncset.done $0x0  }
0xca: {  	[sflag:s7] =	ssyncadd.s32 $0xFFFFFE00  }
0xcb: {  	v1 =	vld [tilespmem:$0x200]  }
0xcc: {  	v2 =	vld [tilespmem:$0x210]  }
0xcd: {  	v3 =	vld [tilespmem:$0x220]  }
0xce: {  	v4 =	vld [tilespmem:$0x230];
	_ =	sdelay $0x1  }
0xcf: {  	[tilespmem:$0x400] =	vst v1  }
0xd0: {  	[tilespmem:$0x410] =	vst v2  }
0xd1: {  	[tilespmem:$0x420] =	vst v3  }
0xd2: {  	[tilespmem:$0x430] =	vst v4  }
0xd3: {  	[tilespmem:s6], [sflag:$0x1] =	stream.indirect.gather [hbm4b:s1+s8], $0x80, s24, s8, $0xb8;
	[tilespmem:$0x1FD80] =	vst v63  }
.Ltmp3:
0xd4: {  	_ = 	snop;
	(pc) =	sbr.rel .LBB2_4-.Ltmp3, $4  }
0xd5: {  	s30 =	simm.s32 $0x2480  }
0xd6: {  	[tilespmem:s30], [sflag:$0x2] =	stream.indirect.gather [hbm4b:s17+s8], $0x80, s9, s8, $0xb8;
	[tilespmem:$0x1FD80] =	vst v63  }
0xd7: {  	s31 =	rddreg [dreg:$0x1a]  }
0xd8: {  	[tilespmem:s10], [sflag:$0x3] =	stream.linear.gather [hbm4b:s31+s24], $0x2000, $0x38;
	[tilespmem:$0x1FD80] =	vst v63  }
.LBB2_12:
0xd9: {  	s24 =	sadd.s32 $0x1, s24  }
0xda: {  	p0 =	sne.s32 s24, $0x4F  }
.Ltmp4:
0xdb: {  	_ = 	snop;
	(pc) =	sbr.rel @!p0 .LBB2_13-.Ltmp4, $1  }
0xdc: {  	_ =	sdelay $0x3  }
.LBB2_4:
0xdd: {  	s25 =	sshll.u32 s24, $0x1  }
0xde: {  	p0 =	sge.s32 s25, s20  }
.Ltmp5:
0xdf: {  	_ = 	snop;
	(pc) =	sbr.rel @p0 .LBB2_8-.Ltmp5, $1  }
0xe0: {  	_ =	sdelay $0x3  }
0xe1: {  	_ =	swait.ge [sflag:s13], $0x2000  }
0xe2: {  	[sflag:s13] =	ssyncset.done $0x0  }
0xe3: {  	[sflag:s13] =	ssyncadd.s32 $0xFFFFE000  }
0xe4: {  	_ =	swait.ge [sflag:s14], $0x2000  }
0xe5: {  	s26 =	sor.u32 $0x1, s25;
	[sflag:s14] =	ssyncset.done $0x0  }
0xe6: {  	p0 =	sge.u32 s26, s20;
	[sflag:s14] =	ssyncadd.s32 $0xFFFFE000  }
0xe7: {  	p1 =	seq.s32 @!p0 s24, $0x0;
	_ =	swait.ge [sflag:s11], $0x2000  }
0xe8: {  	p1 =	por p1, p0;
	[sflag:s11] =	ssyncset.done $0x0  }
0xe9: {  	s28 =	simm.s32 @!p1 $0x8;
	[sflag:s11] =	ssyncadd.s32 $0xFFFFE000  }
0xea: {  	_ =	swait.ge @!p1 [sflag:s28], $0x2000  }
0xeb: {  	s29 =	sshll.u32 @!p0 s26, $0x6;
	[sflag:s28] =	ssyncset.done @!p1 $0x0  }
0xec: {  	[sflag:s28] =	ssyncadd.s32 @!p1 $0xFFFFE000;
	s28 =	sand.u32 @!p0 $0x1C0, s29  }
0xed: {  	v1 =	vld @!p0 [tilespmem:s28+$0x200];
	_ =	sdelay $0x4  }
0xee: {  	s29 =	sand.u32 @!p0 $0x180, s29;
	[tilespmem:$0x6480] =	vst @!p0 v1  }
0xef: {  	v1 =	vld @!p0 [tilespmem:s29+$0x250];
	_ =	sdelay $0x4  }
0xf0: {  	[tilespmem:$0x6490] =	vst @!p0 v1  }
0xf1: {  	v1 =	vld @!p0 [tilespmem:s29+$0x260];
	_ =	sdelay $0x4  }
0xf2: {  	[tilespmem:$0x64A0] =	vst @!p0 v1  }
0xf3: {  	v1 =	vld @!p0 [tilespmem:s29+$0x270];
	_ =	sdelay $0x4  }
0xf4: {  	s30 =	simm.s32 @!p0 $0x6500;
	s26 =	sadd.s32 @!p0 s18, s26;
	s29 =	simm.s32 @!p0 $0x40;
	[tilespmem:$0x64B0] =	vst @!p0 v1  }
0xf5: {  	[tilespmem:s30], [sflag:$0x4] =	stream.indirect.gather @!p0 [hbm4b:s1+s29], $0x80, s28, s29, $0xb8;
	[tilespmem:$0x1FD80] =	vst v63  }
0xf6: {  	s26 =	sshll.u32 @!p0 s26, $0xA;
	s28 =	simm.s32 @!p0 $0x6480;
	s30 =	simm.s32 @!p0 $0x8500  }
0xf7: {  	[tilespmem:s30], [sflag:$0x5] =	stream.indirect.gather @!p0 [hbm4b:s17+s29], $0x80, s28, s29, $0xb8;
	[tilespmem:$0x1FD80] =	vst v63  }
0xf8: {  	s26 =	sadd.s32 @!p0 s19, s26;
	s28 =	simm.s32 @!p0 $0x0;
	s29 =	simm.s32 @!p0 $0xA500  }
0xf9: {  	[tilespmem:s29], [sflag:$0x6] =	stream.linear.gather @!p0 [hbm4b:s26+s28], $0x2000, $0x38;
	[tilespmem:$0x1FD80] =	vst v63  }
0xfa: {  	s26 =	simm.s32 $0x0  }
0xfb: {  	v13 =	vld [tilespmem:s26+$0x480]  }
0xfc: {  	v18 =	vld [tilespmem:s26+$0x2480]  }
0xfd: {  	v20 =	vld [tilespmem:s26+$0x490]  }
0xfe: {  	v21 =	vld [tilespmem:s26+$0x2490]  }
0xff: {  	v6 =	vld [tilespmem:s26+$0x4A0]  }
0x100: {  	v10 =	vld [tilespmem:s26+$0x24A0]  }
0x101: {  	v8 =	vld [tilespmem:s26+$0x4B0]  }
0x102: {  	v12 =	vld [tilespmem:s26+$0x24B0]  }
0x103: {  	v9 =	vld [tilespmem:s26+$0x4C0]  }
0x104: {  	v11 =	vld [tilespmem:s26+$0x24C0]  }
0x105: {  	v5 =	vld [tilespmem:s26+$0x4D0]  }
0x106: {  	v7 =	vld [tilespmem:s26+$0x24D0]  }
0x107: {  	v3 =	vld [tilespmem:s26+$0x4E0]  }
0x108: {  	v4 =	vld [tilespmem:s26+$0x24E0]  }
0x109: {  	v1 =	vld [tilespmem:s26+$0x4F0]  }
0x10a: {  	v2 =	vld [tilespmem:s26+$0x24F0]  }
0x10b: {  	v17 =	vld [tilespmem:s26+$0x4480]  }
0x10c: {  	v16 =	vld [tilespmem:s26+$0x4490]  }
0x10d: {  	v15 =	vld [tilespmem:s26+$0x44A0]  }
0x10e: {  	v14 =	vld [tilespmem:s26+$0x44B0];
	v19 =	vadd.f32 v18, v13  }
0x10f: {  	s28 =	simm.s32 $0x200;
	v18 =	vadd.f32 v21, v20;
	v13 =	vld [tilespmem:s26+$0x44C0]  }
.LBB2_6:
0x110: {  	p0 =	sne.s32 s28, $0x7E00;
	v17 =	vadd.f32 v17, v19;
	v6 =	vadd.f32 v10, v6;
	v10 =	vld [tilespmem:s26+$0x44D0]  }
0x111: {  	v8 =	vadd.f32 v12, v8;
	v16 =	vadd.f32 v16, v18;
	v12 =	vld [tilespmem:s26+$0x44E0]  }
0x112: {  	s29 =	sshra.s32 s28, $0x2;
	v9 =	vadd.f32 v11, v9;
	v17 =	vmax.f32 v17, $0.0e+00;
	v6 =	vadd.f32 v15, v6;
	v11 =	vld [tilespmem:s26+$0x44F0]  }
0x113: {  	v5 =	vadd.f32 v7, v5;
	v18 =	vld [tilespmem:s29+$0x480];
	[tilespmem:s26+$0x4480] =	vst v17;
	v15 =	vmax.f32 v16, $0.0e+00;
	v8 =	vadd.f32 v14, v8  }
0x114: {  	v3 =	vadd.f32 v4, v3;
	v14 =	vld [tilespmem:s29+$0x2480];
	[tilespmem:s26+$0x4490] =	vst v15;
	v6 =	vmax.f32 v6, $0.0e+00;
	v7 =	vadd.f32 v13, v9  }
0x115: {  	v1 =	vadd.f32 v2, v1;
	v13 =	vld [tilespmem:s29+$0x490];
	[tilespmem:s26+$0x44A0] =	vst v6;
	v4 =	vmax.f32 v8, $0.0e+00;
	v5 =	vadd.f32 v10, v5  }
0x116: {  	v20 =	vld [tilespmem:s29+$0x2490];
	[tilespmem:s26+$0x44B0] =	vst v4;
	v2 =	vmax.f32 v7, $0.0e+00;
	v3 =	vadd.f32 v12, v3  }
0x117: {  	v6 =	vld [tilespmem:s29+$0x4A0];
	[tilespmem:s26+$0x44C0] =	vst v2;
	v2 =	vmax.f32 v5, $0.0e+00;
	v1 =	vadd.f32 v11, v1  }
0x118: {  	v10 =	vld [tilespmem:s29+$0x24A0];
	[tilespmem:s26+$0x44D0] =	vst v2;
	v2 =	vmax.f32 v3, $0.0e+00  }
0x119: {  	v8 =	vld [tilespmem:s29+$0x4B0];
	[tilespmem:s26+$0x44E0] =	vst v2;
	v1 =	vmax.f32 v1, $0.0e+00  }
0x11a: {  	v12 =	vld [tilespmem:s29+$0x24B0];
	[tilespmem:s26+$0x44F0] =	vst v1;
	s26 =	smov.u32 s29  }
0x11b: {  	v9 =	vld [tilespmem:s26+$0x4C0]  }
0x11c: {  	v11 =	vld [tilespmem:s26+$0x24C0]  }
0x11d: {  	v5 =	vld [tilespmem:s26+$0x4D0]  }
0x11e: {  	v7 =	vld [tilespmem:s26+$0x24D0]  }
0x11f: {  	v3 =	vld [tilespmem:s26+$0x4E0]  }
0x120: {  	v4 =	vld [tilespmem:s26+$0x24E0]  }
0x121: {  	v1 =	vld [tilespmem:s26+$0x4F0]  }
0x122: {  	v2 =	vld [tilespmem:s26+$0x24F0]  }
.Ltmp6:
0x123: {  	v17 =	vld [tilespmem:s26+$0x4480];
	(pc) =	sbr.rel @p0 .LBB2_6-.Ltmp6, $4  }
0x124: {  	v16 =	vld [tilespmem:s26+$0x4490]  }
0x125: {  	v15 =	vld [tilespmem:s26+$0x44A0]  }
0x126: {  	v19 =	vadd.f32 v14, v18;
	v14 =	vld [tilespmem:s26+$0x44B0]  }
0x127: {  	s28 =	sadd.s32 $0x200, s28;
	v18 =	vadd.f32 v20, v13;
	v13 =	vld [tilespmem:s26+$0x44C0]  }
0x128: {  	v17 =	vadd.f32 v17, v19;
	v6 =	vadd.f32 v10, v6;
	v58 =	vld [tilespmem:s26+$0x44D0]  }
0x129: {  	v8 =	vadd.f32 v12, v8;
	v60 =	vld [tilespmem:s26+$0x44F0];
	v16 =	vadd.f32 v16, v18  }
0x12a: {  	v59 =	vld [tilespmem:s26+$0x44E0];
	v9 =	vadd.f32 v11, v9;
	v17 =	vmax.f32 v17, $0.0e+00;
	v6 =	vadd.f32 v15, v6  }
0x12b: {  	v5 =	vadd.f32 v7, v5;
	[tilespmem:s26+$0x4480] =	vst v17;
	v61 =	vmax.f32 v16, $0.0e+00;
	v8 =	vadd.f32 v14, v8  }
0x12c: {  	v1 =	vadd.f32 v2, v1;
	[tilespmem:s26+$0x4490] =	vst v61;
	v6 =	vmax.f32 v6, $0.0e+00;
	v62 =	vadd.f32 v13, v9  }
0x12d: {  	v3 =	vadd.f32 v4, v3;
	[tilespmem:s26+$0x44A0] =	vst v6;
	v63 =	vmax.f32 v8, $0.0e+00;
	v5 =	vadd.f32 v58, v5  }
0x12e: {  	v1 =	vadd.f32 v60, v1;
	[tilespmem:s26+$0x44B0] =	vst v63;
	v2 =	vmax.f32 v62, $0.0e+00  }
0x12f: {  	v3 =	vadd.f32 v59, v3;
	[tilespmem:s26+$0x44C0] =	vst v2;
	v2 =	vmax.f32 v5, $0.0e+00  }
0x130: {  	v1 =	vmax.f32 v1, $0.0e+00;
	[tilespmem:s26+$0x44D0] =	vst v2  }
0x131: {  	v2 =	vmax.f32 v3, $0.0e+00;
	[tilespmem:s26+$0x44F0] =	vst v1  }
0x132: {  	[tilespmem:s26+$0x44E0] =	vst v2  }
0x133: {  	[spmem:s12] =	stream.indirect.scatter.add.f32 [tilespmem:s10], [sflag:$0x7], $0x80, s9, s8, $0xb8;
	[tilespmem:$0x1FD80] =	vst v63  }
.LBB2_8:
0x134: {  	p0 =	sge.s32 s25, s5  }
.Ltmp7:
0x135: {  	_ = 	snop;
	(pc) =	sbr.rel @p0 .LBB2_12-.Ltmp7, $1  }
0x136: {  	_ =	sdelay $0x3  }
0x137: {  	_ =	swait.ge [sflag:s0], $0x2000  }
0x138: {  	[sflag:s0] =	ssyncset.done $0x0  }
0x139: {  	[sflag:s0] =	ssyncadd.s32 $0xFFFFE000  }
0x13a: {  	_ =	swait.ge [sflag:s3], $0x2000  }
0x13b: {  	[sflag:s3] =	ssyncset.done $0x0  }
0x13c: {  	s25 =	sadd.s32 $0x2, s25;
	[sflag:s3] =	ssyncadd.s32 $0xFFFFE000  }
0x13d: {  	p0 =	sge.s32 s25, s20;
	_ =	swait.ge [sflag:s4], $0x2000  }
0x13e: {  	s26 =	sand.u32 @!p0 $0x6, s25;
	[sflag:s4] =	ssyncset.done $0x0  }
0x13f: {  	s28 =	simm.s32 @!p0 $0x7;
	p1 =	sne.s32 @!p0 s26, $0x0;
	[sflag:s4] =	ssyncadd.s32 $0xFFFFE000  }
0x140: {  	s25 =	sadd.s32 @!p0 s18, s25;
	p1 =	por p1, p0;
	_ =	swait.ge @!p0 [sflag:s28], $0x2000  }
0x141: {  	s29 =	sshll.u32 @!p1 s25, $0x3;
	[sflag:s28] =	ssyncset.done @!p0 $0x0  }
0x142: {  	s30 =	simm.s32 @!p1 $0x0;
	[sflag:s28] =	ssyncadd.s32 @!p0 $0xFFFFE000;
	s28 =	sadd.s32 @!p1 s15, s29  }
0x143: {  	[tilespmem:s30], [sflag:$0x9] =	stream.linear.gather @!p1 [hbm4b:s28+s30], $0x200, $0x38;
	[tilespmem:$0x1FD80] =	vst v63  }
0x144: {  	s28 =	simm.s32 @!p1 $0x9  }
0x145: {  	_ =	swait.ge @!p1 [sflag:s28], $0x200  }
0x146: {  	[sflag:s28] =	ssyncset.done @!p1 $0x0  }
0x147: {  	s31 =	simm.s32 @!p1 $0x200;
	s29 =	sadd.s32 @!p1 s16, s29;
	[sflag:s28] =	ssyncadd.s32 @!p1 $0xFFFFFE00  }
0x148: {  	[tilespmem:s31], [sflag:$0x9] =	stream.linear.gather @!p1 [hbm4b:s29+s30], $0x200, $0x38;
	[tilespmem:$0x1FD80] =	vst v63  }
0x149: {  	_ =	swait.ge @!p1 [sflag:s28], $0x200  }
0x14a: {  	[sflag:s28] =	ssyncset.done @!p1 $0x0  }
0x14b: {  	s26 =	sshll.u32 @!p0 s26, $0x6;
	[sflag:s28] =	ssyncadd.s32 @!p1 $0xFFFFFE00  }
0x14c: {  	v1 =	vld @!p0 [tilespmem:s26+$0x200];
	_ =	sdelay $0x4  }
0x14d: {  	[tilespmem:$0x400] =	vst @!p0 v1  }
0x14e: {  	v1 =	vld @!p0 [tilespmem:s26+$0x210];
	_ =	sdelay $0x4  }
0x14f: {  	[tilespmem:$0x410] =	vst @!p0 v1  }
0x150: {  	v1 =	vld @!p0 [tilespmem:s26+$0x220];
	_ =	sdelay $0x4  }
0x151: {  	[tilespmem:$0x420] =	vst @!p0 v1  }
0x152: {  	v1 =	vld @!p0 [tilespmem:s26+$0x230];
	_ =	sdelay $0x4  }
0x153: {  	s29 =	simm.s32 @!p0 $0x480;
	s28 =	simm.s32 @!p0 $0x40;
	[tilespmem:$0x430] =	vst @!p0 v1  }
0x154: {  	[tilespmem:s29], [sflag:$0x1] =	stream.indirect.gather @!p0 [hbm4b:s1+s28], $0x80, s26, s28, $0xb8;
	[tilespmem:$0x1FD80] =	vst v63  }
0x155: {  	s25 =	sshll.u32 @!p0 s25, $0xA;
	s26 =	simm.s32 @!p0 $0x400;
	s29 =	simm.s32 @!p0 $0x2480  }
0x156: {  	[tilespmem:s29], [sflag:$0x2] =	stream.indirect.gather @!p0 [hbm4b:s17+s28], $0x80, s26, s28, $0xb8;
	[tilespmem:$0x1FD80] =	vst v63  }
0x157: {  	s25 =	sadd.s32 @!p0 s19, s25;
	s26 =	simm.s32 @!p0 $0x0;
	s28 =	simm.s32 @!p0 $0x4480  }
0x158: {  	[tilespmem:s28], [sflag:$0x3] =	stream.linear.gather @!p0 [hbm4b:s25+s26], $0x2000, $0x38;
	[tilespmem:$0x1FD80] =	vst v63  }
0x159: {  	s25 =	simm.s32 $0x0  }
0x15a: {  	v13 =	vld [tilespmem:s25+$0x6500]  }
0x15b: {  	v18 =	vld [tilespmem:s25+$0x8500]  }
0x15c: {  	v20 =	vld [tilespmem:s25+$0x6510]  }
0x15d: {  	v21 =	vld [tilespmem:s25+$0x8510]  }
0x15e: {  	v6 =	vld [tilespmem:s25+$0x6520]  }
0x15f: {  	v10 =	vld [tilespmem:s25+$0x8520]  }
0x160: {  	v8 =	vld [tilespmem:s25+$0x6530]  }
0x161: {  	v12 =	vld [tilespmem:s25+$0x8530]  }
0x162: {  	v9 =	vld [tilespmem:s25+$0x6540]  }
0x163: {  	v11 =	vld [tilespmem:s25+$0x8540]  }
0x164: {  	v5 =	vld [tilespmem:s25+$0x6550]  }
0x165: {  	v7 =	vld [tilespmem:s25+$0x8550]  }
0x166: {  	v3 =	vld [tilespmem:s25+$0x6560]  }
0x167: {  	v4 =	vld [tilespmem:s25+$0x8560]  }
0x168: {  	v1 =	vld [tilespmem:s25+$0x6570]  }
0x169: {  	v2 =	vld [tilespmem:s25+$0x8570]  }
0x16a: {  	v17 =	vld [tilespmem:s25+$0xA500]  }
0x16b: {  	v16 =	vld [tilespmem:s25+$0xA510]  }
0x16c: {  	v15 =	vld [tilespmem:s25+$0xA520]  }
0x16d: {  	v14 =	vld [tilespmem:s25+$0xA530];
	v19 =	vadd.f32 v18, v13  }
0x16e: {  	s26 =	simm.s32 $0x200;
	v18 =	vadd.f32 v21, v20;
	v13 =	vld [tilespmem:s25+$0xA540]  }
.LBB2_10:
0x16f: {  	p0 =	sne.s32 s26, $0x7E00;
	v17 =	vadd.f32 v17, v19;
	v6 =	vadd.f32 v10, v6;
	v10 =	vld [tilespmem:s25+$0xA550]  }
0x170: {  	v8 =	vadd.f32 v12, v8;
	v16 =	vadd.f32 v16, v18;
	v12 =	vld [tilespmem:s25+$0xA560]  }
0x171: {  	s28 =	sshra.s32 s26, $0x2;
	v9 =	vadd.f32 v11, v9;
	v17 =	vmax.f32 v17, $0.0e+00;
	v6 =	vadd.f32 v15, v6;
	v11 =	vld [tilespmem:s25+$0xA570]  }
0x172: {  	v5 =	vadd.f32 v7, v5;
	v18 =	vld [tilespmem:s28+$0x6500];
	[tilespmem:s25+$0xA500] =	vst v17;
	v15 =	vmax.f32 v16, $0.0e+00;
	v8 =	vadd.f32 v14, v8  }
0x173: {  	v3 =	vadd.f32 v4, v3;
	v14 =	vld [tilespmem:s28+$0x8500];
	[tilespmem:s25+$0xA510] =	vst v15;
	v6 =	vmax.f32 v6, $0.0e+00;
	v7 =	vadd.f32 v13, v9  }
0x174: {  	v1 =	vadd.f32 v2, v1;
	v13 =	vld [tilespmem:s28+$0x6510];
	[tilespmem:s25+$0xA520] =	vst v6;
	v4 =	vmax.f32 v8, $0.0e+00;
	v5 =	vadd.f32 v10, v5  }
0x175: {  	v20 =	vld [tilespmem:s28+$0x8510];
	[tilespmem:s25+$0xA530] =	vst v4;
	v2 =	vmax.f32 v7, $0.0e+00;
	v3 =	vadd.f32 v12, v3  }
0x176: {  	v6 =	vld [tilespmem:s28+$0x6520];
	[tilespmem:s25+$0xA540] =	vst v2;
	v2 =	vmax.f32 v5, $0.0e+00;
	v1 =	vadd.f32 v11, v1  }
0x177: {  	v10 =	vld [tilespmem:s28+$0x8520];
	[tilespmem:s25+$0xA550] =	vst v2;
	v2 =	vmax.f32 v3, $0.0e+00  }
0x178: {  	v8 =	vld [tilespmem:s28+$0x6530];
	[tilespmem:s25+$0xA560] =	vst v2;
	v1 =	vmax.f32 v1, $0.0e+00  }
0x179: {  	v12 =	vld [tilespmem:s28+$0x8530];
	[tilespmem:s25+$0xA570] =	vst v1;
	s25 =	smov.u32 s28  }
0x17a: {  	v9 =	vld [tilespmem:s25+$0x6540]  }
0x17b: {  	v11 =	vld [tilespmem:s25+$0x8540]  }
0x17c: {  	v5 =	vld [tilespmem:s25+$0x6550]  }
0x17d: {  	v7 =	vld [tilespmem:s25+$0x8550]  }
0x17e: {  	v3 =	vld [tilespmem:s25+$0x6560]  }
0x17f: {  	v4 =	vld [tilespmem:s25+$0x8560]  }
0x180: {  	v1 =	vld [tilespmem:s25+$0x6570]  }
0x181: {  	v2 =	vld [tilespmem:s25+$0x8570]  }
.Ltmp8:
0x182: {  	v17 =	vld [tilespmem:s25+$0xA500];
	(pc) =	sbr.rel @p0 .LBB2_10-.Ltmp8, $4  }
0x183: {  	v16 =	vld [tilespmem:s25+$0xA510]  }
0x184: {  	v15 =	vld [tilespmem:s25+$0xA520]  }
0x185: {  	v19 =	vadd.f32 v14, v18;
	v14 =	vld [tilespmem:s25+$0xA530]  }
0x186: {  	s26 =	sadd.s32 $0x200, s26;
	v18 =	vadd.f32 v20, v13;
	v13 =	vld [tilespmem:s25+$0xA540]  }
0x187: {  	v17 =	vadd.f32 v17, v19;
	v6 =	vadd.f32 v10, v6;
	v58 =	vld [tilespmem:s25+$0xA550]  }
0x188: {  	v8 =	vadd.f32 v12, v8;
	v60 =	vld [tilespmem:s25+$0xA570];
	v16 =	vadd.f32 v16, v18  }
0x189: {  	v59 =	vld [tilespmem:s25+$0xA560];
	v9 =	vadd.f32 v11, v9;
	v17 =	vmax.f32 v17, $0.0e+00;
	v6 =	vadd.f32 v15, v6  }
0x18a: {  	v5 =	vadd.f32 v7, v5;
	[tilespmem:s25+$0xA500] =	vst v17;
	v61 =	vmax.f32 v16, $0.0e+00;
	v8 =	vadd.f32 v14, v8  }
0x18b: {  	v1 =	vadd.f32 v2, v1;
	[tilespmem:s25+$0xA510] =	vst v61;
	v6 =	vmax.f32 v6, $0.0e+00;
	v62 =	vadd.f32 v13, v9  }
0x18c: {  	v3 =	vadd.f32 v4, v3;
	[tilespmem:s25+$0xA520] =	vst v6;
	v63 =	vmax.f32 v8, $0.0e+00;
	v5 =	vadd.f32 v58, v5  }
0x18d: {  	v1 =	vadd.f32 v60, v1;
	[tilespmem:s25+$0xA530] =	vst v63;
	v2 =	vmax.f32 v62, $0.0e+00  }
.Ltmp9:
0x18e: {  	v3 =	vadd.f32 v59, v3;
	[tilespmem:s25+$0xA540] =	vst v2;
	v2 =	vmax.f32 v5, $0.0e+00;
	(pc) =	sbr.rel .LBB2_12-.Ltmp9, $4  }
0x18f: {  	v1 =	vmax.f32 v1, $0.0e+00;
	[tilespmem:s25+$0xA550] =	vst v2  }
0x190: {  	v2 =	vmax.f32 v3, $0.0e+00;
	[tilespmem:s25+$0xA570] =	vst v1  }
0x191: {  	[tilespmem:s25+$0xA560] =	vst v2  }
0x192: {  	[spmem:s12] =	stream.indirect.scatter.add.f32 [tilespmem:s22], [sflag:$0x8], $0x80, s21, s8, $0xb8;
	[tilespmem:$0x1FD80] =	vst v63  }
.LBB2_14:
0x193: {  	_ =	sfence.sel $0x180000  }
0x194: {  	[bflag:$0x0] =	sbarrier.arrive $0xFFFF  }
0x195: {  	_ =	strace $0x90000047  }
0x196: {  	s0 =	stileid.u32;
	[bflag:$0x2] =	sbarrier.arrive $0xFFFF  }
0x197: {  	p0 =	sne.s32 s0, $0x0;
	s0 =	rddreg [dreg:$0x3]  }
0x198: {  	s0 =	sadd.s32 @!p0 $0x100000, s0  }
0x199: {  	[sflag:s0] =	ssyncadd.tile.s32 @!p0 $0x1;
	_ =	shalt  }
.Lfunc_end2:
_tile_overlayer_lowered:
.L_overlay_start_2:
0x19a: {  	(tag) =	ssettag $0x2  }
0x19b: {  	s0 =	rddreg [dreg:$0x0];
	s2 =	stileid.u32  }
0x19c: {  	s1 =	rddreg [dreg:$0x1];
	p0 =	sne.s32 s2, $0x0  }
0x19d: {  	s3 =	rddreg [dreg:$0x2];
	[bflag:$0x3] =	sbarrier.arrive $0xFFFF;
	s2 =	simm.s32 @!p0 $0x1C09  }
0x19e: {  	[timem:s3], [sflag:s2] =	dma.local @!p0 [hbm:s0], s1  }
0x19f: {  	s0 =	simm.s32 @!p0 $0x9  }
0x1a0: {  	_ =	swait.ge @!p0 [sflag:s0], s1  }
0x1a1: {  	s1 =	ssub.s32 @!p0 $0x0, s1;
	[sflag:s0] =	ssyncset.done @!p0 $0x0  }
0x1a2: {  	[sflag:s0] =	ssyncadd.s32 @!p0 s1  }
0x1a3: {  	[bflag:$0x3] =	sbarrier.arrive $0xFFFF  }
0x1a4: {  	_ =	shalt  }

// kernel: kernel.7.cloned.1.call-start
scs
__scs_entry_jumppad:
0x0: {  	(pc) =	sbr.rel $0x88, $3  }
0x1: {  	(tag) =	ssettag $0x0;
	lr =	simm.s32 $0x1  }
0x2: {  	[smem:$0x3F96] =	sst lr;
	_ =	strace $0xD0000000  }
0x3: {  	_ = 	snop  }
0x4: {  	_ = 	snop  }
0x5: {  	_ = 	snop  }
0x6: {  	_ = 	snop  }
0x7: {  	_ = 	snop  }
__scs_overlays_trampoline_lowered:
0x8: {  	[smem:$0x3FA5] =	sst s0  }
0x9: {  	[smem:$0x3FA6] =	sst s1  }
0xa: {  	[smem:$0x3FA7] =	sst s2  }
0xb: {  	[smem:$0x3FA8] =	sst s3  }
0xc: {  	[smem:$0x3FA9] =	sst s4  }
0xd: {  	[smem:$0x3FAA] =	sst s5  }
0xe: {  	[smem:$0x3FAB] =	sst s6  }
0xf: {  	[smem:$0x3FAC] =	sst s7  }
0x10: {  	[smem:$0x3FAD] =	sst s8  }
0x11: {  	[smem:$0x3FAE] =	sst s9;
	s0 =	simm.s32 @!p0 $0x0  }
0x12: {  	s1 =	sld [smem:$0x3F94];
	s0 =	simm.s32 @p0 $0x1  }
0x13: {  	[smem:$0x3FAF] =	sst s0;
	s0 =	simm.s32 @!p1 $0x0  }
0x14: {  	s2 =	sld [smem:$0x3F93];
	s0 =	simm.s32 @p1 $0x1  }
0x15: {  	[smem:$0x3FB0] =	sst s0;
	s0 =	simm.s32 @!p2 $0x0  }
0x16: {  	s3 =	sld [smem:$0x3FDB];
	s0 =	simm.s32 @p2 $0x1  }
0x17: {  	s4 =	simm.s32 $0x1BF5;
	[smem:$0x3FB2] =	sst s0  }
0x18: {  	s0 =	sld [smem:$0x3F95];
	_ =	swait.ge [sflag:s4], $0x0  }
0x19: {  	s7 =	sld [smem:$0x3F96]  }
0x1a: {  	s8 =	sadd.s32 $0xFFFFE003, lr  }
0x1b: {  	s9 =	sadd.s32 $0xFFFFFEF7, lr;
	s5 =	simm.s32 $0xFFFFFFFF;
	p2 =	slt.u32 s8, $0xFFFFF086  }
0x1c: {  	p1 =	slt.u32 s9, $0xF7A;
	s5 =	simm.s32 @!p2 $0x0  }
0x1d: {  	s5 =	simm.s32 @p1 $0x1;
	p0 =	seq.s32 s7, s2  }
0x1e: {  	s7 =	smul.u32 @!p0 $0xF7A, s2;
	p2 =	seq.s32 @!p0 s5, $0x0  }
0x1f: {  	s9 =	smul.u32 $0xF7A, s1;
	s8 =	simm.s32 @!p0 $0x1BF5;
	p2 =	por !p2, p0  }
0x20: {  	[sflag:s8] =	ssyncset.s32 @!p0 $0xFFFFF086;
	s6 =	sadd.s32 @!p0 s3, s7;
	s7 =	simm.s32 @!p0 $0x108  }
0x21: {  	s3 =	sadd.s32 s3, s9;
	s6 =	sadd.s32 @!p0 $0x88, s6;
	s7 =	simm.s32 @p2 $0x1082  }
0x22: {  	[simem:s7], [sflag:s8] =	dma.local @!p0 [hbm:s6], $0xF7A  }
0x23: {  	s9 =	sor.u32 $0xD0000000, s2;
	s6 =	simm.s32 $0x108;
	_ =	swait.ge @!p0 [sflag:s8], $0x0  }
0x24: {  	s3 =	sadd.s32 $0x88, s3;
	s6 =	simm.s32 @!p1 $0x1082;
	[sflag:s4] =	ssyncset.s32 $0xFFFFF086  }
0x25: {  	[simem:s6], [sflag:s4] =	dma.local [hbm:s3], $0xF7A  }
0x26: {  	[smem:$0x3F96] =	sst s1;
	(tag) =	ssettag s2;
	_ =	strace s9  }
0x27: {  	s1 =	sld [smem:$0x3FA6]  }
0x28: {  	s2 =	sld [smem:$0x3FA7]  }
0x29: {  	s4 =	sld [smem:$0x3FA9]  }
0x2a: {  	p0 =	seq.s32 s5, $0x0;
	s5 =	sld [smem:$0x3FAA]  }
0x2b: {  	s6 =	sld [smem:$0x3FAB]  }
0x2c: {  	s7 =	sld [smem:$0x3FAC]  }
0x2d: {  	s3 =	simm.s32 $0x108;
	s8 =	sld [smem:$0x3FAD]  }
0x2e: {  	s3 =	simm.s32 @!p0 $0x1082;
	s9 =	sld [smem:$0x3FAE]  }
0x2f: {  	lr =	sadd.s32 s0, s3;
	s0 =	sld [smem:$0x3FA5]  }
0x30: {  	s3 =	sld [smem:$0x3FA8]  }
0x31: {  	[smem:$0x3FB1] =	sst s10  }
0x32: {  	s10 =	sld [smem:$0x3FAF];
	_ =	sdelay $0x3  }
0x33: {  	p0 =	seq.s32 s10, $0x1;
	s10 =	sld [smem:$0x3FB1];
	_ =	sdelay $0x3  }
0x34: {  	[smem:$0x3FB1] =	sst s10  }
0x35: {  	s10 =	sld [smem:$0x3FB0];
	_ =	sdelay $0x3  }
0x36: {  	p1 =	seq.s32 s10, $0x1;
	s10 =	sld [smem:$0x3FB1];
	_ =	sdelay $0x3  }
0x37: {  	[smem:$0x3FB1] =	sst s10  }
0x38: {  	s10 =	sld [smem:$0x3FB2]  }
0x39: {  	_ = 	snop;
	(pc) =	sbr.ind lr, $3  }
0x3a: {  	_ = 	snop  }
0x3b: {  	_ = 	snop  }
0x3c: {  	p2 =	seq.s32 s10, $0x1;
	s10 =	sld [smem:$0x3FB1]  }
0x3d: {  	_ =	shalt  }
0x3e: {  	_ =	shalt  }
0x3f: {  	_ =	shalt  }
0x40: {  	_ =	shalt  }
0x41: {  	_ =	shalt  }
0x42: {  	_ =	shalt  }
0x43: {  	_ =	shalt  }
0x44: {  	_ =	shalt  }
0x45: {  	_ =	shalt  }
0x46: {  	_ =	shalt  }
0x47: {  	_ =	shalt  }
0x48: {  	_ =	shalt  }
0x49: {  	_ =	shalt  }
0x4a: {  	_ =	shalt  }
0x4b: {  	_ =	shalt  }
0x4c: {  	_ =	shalt  }
0x4d: {  	_ =	shalt  }
0x4e: {  	_ =	shalt  }
0x4f: {  	_ =	shalt  }
0x50: {  	_ =	shalt  }
0x51: {  	_ =	shalt  }
0x52: {  	_ =	shalt  }
0x53: {  	_ =	shalt  }
0x54: {  	_ =	shalt  }
0x55: {  	_ =	shalt  }
0x56: {  	_ =	shalt  }
0x57: {  	_ =	shalt  }
0x58: {  	_ =	shalt  }
0x59: {  	_ =	shalt  }
0x5a: {  	_ =	shalt  }
0x5b: {  	_ =	shalt  }
0x5c: {  	_ =	shalt  }
0x5d: {  	_ =	shalt  }
0x5e: {  	_ =	shalt  }
0x5f: {  	_ =	shalt  }
0x60: {  	_ =	shalt  }
0x61: {  	_ =	shalt  }
0x62: {  	_ =	shalt  }
0x63: {  	_ =	shalt  }
0x64: {  	_ =	shalt  }
0x65: {  	_ =	shalt  }
0x66: {  	_ =	shalt  }
0x67: {  	_ =	shalt  }
0x68: {  	_ =	shalt  }
0x69: {  	_ =	shalt  }
0x6a: {  	_ =	shalt  }
0x6b: {  	_ =	shalt  }
0x6c: {  	_ =	shalt  }
0x6d: {  	_ =	shalt  }
0x6e: {  	_ =	shalt  }
0x6f: {  	_ =	shalt  }
0x70: {  	_ =	shalt  }
0x71: {  	_ =	shalt  }
0x72: {  	_ =	shalt  }
0x73: {  	_ =	shalt  }
0x74: {  	_ =	shalt  }
0x75: {  	_ =	shalt  }
0x76: {  	_ =	shalt  }
0x77: {  	_ =	shalt  }
0x78: {  	_ =	shalt  }
0x79: {  	_ =	shalt  }
0x7a: {  	_ =	shalt  }
0x7b: {  	_ =	shalt  }
0x7c: {  	_ =	shalt  }
0x7d: {  	_ =	shalt  }
0x7e: {  	_ =	shalt  }
0x7f: {  	_ =	shalt  }
0x80: {  	_ =	shalt  }
0x81: {  	_ =	shalt  }
0x82: {  	_ =	shalt  }
0x83: {  	_ =	shalt  }
0x84: {  	_ =	shalt  }
0x85: {  	_ =	shalt  }
0x86: {  	_ =	shalt  }
0x87: {  	_ =	shalt  }
.Lfunc_end0:
.L_simem_size_0:
called_computation_lowered:
.L_overlay_start_0:
0x88: {  	s2 =	sld [smem:$0x3FD9]  }
0x89: {  	s3 =	sld [smem:$0x3FFE];
	_ =	sdelay $0x1  }
0x8a: {  	s1 =	srdreg.scid  }
0x8b: {  	s0 =	sand.u32 $0x1, s1  }
0x8c: {  	s17 =	sshll.u32 s0, $0xA;
	s2 =	sadd.s32 s3, s2  }
0x8d: {  	s2 =	sadd.s32 s2, s17  }
0x8e: {  	[smem:$0x3FBD] =	sst s2  }
0x8f: {  	_ = 	snop  }
0x90: {  	(tm) =	ssettm $0x1  }
0x91: {  	s18 =	sld [smem:$0x3FFB];
	_ =	sdelay $0x3  }
0x92: {  	_ =	strace s18  }
0x93: {  	s2 =	sld [smem:$0x3FFC];
	_ =	sdelay $0x3  }
0x94: {  	_ =	strace s2  }
0x95: {  	s2 =	sld [smem:$0x3FFD];
	_ =	sdelay $0x3  }
0x96: {  	_ =	strace s2  }
0x97: {  	_ =	strace $0x8FFFFFFF  }
0x98: {  	s19 =	sld [smem:$0x3FDB];
	_ =	sdelay $0x1  }
0x99: {  	s20 =	simm.s32 $_scs_section_size  }
0x9a: {  	s4 =	simm.s32 $_size__tile_overlayer_lowered;
	s5 =	simm.s32 $_tile_overlayer_lowered  }
0x9b: {  	s6 =	simm.s32 $0x1BFF;
	s21 =	sshll.u32 s5, $0x1;
	s3 =	sadd.s32 s20, s19  }
0x9c: {  	s22 =	simm.s32 $0x0;
	s4 =	sshll.u32 s4, $0x1;
	s5 =	sadd.s32 s21, s3  }
0x9d: {  	[timem:s22], [sflag:s6] =	dma.local [hbm:s5], s4  }
0x9e: {  	_ =	swait.ge [sflag:s6], s4  }
0x9f: {  	s4 =	ssub.s32 $0x0, s4;
	[sflag:s6] =	ssyncset.done $0x0  }
0xa0: {  	[sflag:s6] =	ssyncadd.s32 s4;
	_ =	sdelay $0x1  }
0xa1: {  	s23 =	simm.s32 $0x1B8B  }
0xa2: {  	_ =	swait.ge [sflag:s23], $0x1  }
0xa3: {  	[sflag:s23] =	ssyncset.done $0x0  }
0xa4: {  	[sflag:s23] =	ssyncadd.s32 $0xFFFFFFFF  }
0xa5: {  	s4 =	sld [smem:$0x0]  }
0xa6: {  	s5 =	sand.u32 $0xFFFFFFFE, s1  }
0xa7: {  	p0 =	sne.s32 s1, s5  }
0xa8: {  	s5 =	sshll.u32 @p0 s5, $0xE  }
0xa9: {  	s5 =	sadd.s32 @p0 $0x11B8D, s5;
	s6 =	sshll.u32 @p0 s4, $0x11  }
0xaa: {  	s5 =	sor.u32 @p0 s6, s5  }
0xab: {  	[sflag:s5] =	ssyncadd.remote.s32 @p0 $0x1;
	_ =	sdelay $0x1  }
0xac: {  	s5 =	simm.s32 @p0 $0x1B8D  }
0xad: {  	_ =	swait.eq @p0 [sflag:s5], $0x1  }
0xae: {  	[sflag:s5] =	ssyncadd.s32 @p0 $0xFFFFFFFF  }
0xaf: {  	s6 =	sshll.u32 @!p0 s1, $0xE  }
0xb0: {  	s6 =	sor.u32 @!p0 $0x4000, s6;
	s5 =	simm.s32 @!p0 $0x1B8D  }
0xb1: {  	s4 =	sshll.u32 @!p0 s4, $0x11;
	s6 =	sadd.s32 @!p0 $0x11B8D, s6;
	_ =	swait.eq @!p0 [sflag:s5], $0x1  }
0xb2: {  	s4 =	sor.u32 @!p0 s4, s6;
	[sflag:s5] =	ssyncadd.s32 @!p0 $0xFFFFFFFF  }
0xb3: {  	s25 =	simm.s32 $0x1B8E;
	s24 =	sld [smem:$0x3FFE];
	[sflag:s4] =	ssyncadd.remote.s32 @!p0 $0x1  }
0xb4: {  	s26 =	simm.s32 $execute0_lowered;
	[smem:$0x3FD2] =	sst s25  }
0xb5: {  	s5 =	sshll.u32 s26, $0x1;
	_ =	strace $0x80000049;
	[dreg:$0x1] =	wrdreg $0xFFFFFFFF  }
0xb6: {  	s28 =	simm.s32 $_size_execute0_lowered;
	s3 =	sadd.s32 s3, s5;
	[dreg:$0x0] =	wrdreg $0x0  }
0xb7: {  	s5 =	sshll.u32 s28, $0x1;
	[dreg:$0x2] =	wrdreg s3  }
0xb8: {  	[dreg:$0x3] =	wrdreg s5  }
0xb9: {  	[dreg:$0x4] =	wrdreg $0xC0  }
0xba: {  	_ =	task [dreg:s22], $0x5FFFF  }
0xbb: {  	[dreg:$0x1] =	wrdreg $0xFFFFFFFF  }
0xbc: {  	[dreg:$0x0] =	wrdreg $0x60  }
0xbd: {  	[dreg:$0x2] =	wrdreg s24  }
0xbe: {  	[dreg:$0x3] =	wrdreg $0x6000  }
0xbf: {  	[dreg:$0x4] =	wrdreg $0x9  }
0xc0: {  	_ =	task.clear_ibuf [dreg:s22], $0x5FFFF;
	_ =	strace $0x90000049  }
0xc1: {  	s29 =	simm.s32 $0x9;
	_ =	strace $0x8000004B  }
0xc2: {  	_ =	swait.ge [sflag:s29], $0x1  }
0xc3: {  	[sflag:s29] =	ssyncadd.s32 $0xFFFFFFFF  }
0xc4: {  	_ =	strace $0x9000004B  }
0xc5: {  	_ =	sfence  }
0xc6: {  	s30 =	sld [smem:$0x0];
	_ =	sdelay $0x2  }
0xc7: {  	s31 =	sshll.u32 s1, $0xD;
	s1 =	sshrl.u32 s1, $0x2  }
0xc8: {  	s4 =	sand.u32 $0x4000, s31;
	s1 =	sadd.s32 s1, s30  }
0xc9: {  	s0 =	sor.u32 s4, s0;
	s1 =	sshll.u32 s1, $0x11  }
0xca: {  	s0 =	sor.u32 s1, s0  }
0xcb: {  	s0 =	sadd.s32 $0x8F2B, s0  }
0xcc: {  	[sflag:s0] =	ssyncadd.remote.s32 $0x1  }
0xcd: {  	_ =	sfence.sel $0xFFFF  }
0xce: {  	[dreg:$0x0] =	wrdreg $0xFFFFFFFF;
	(pc) =	sbr.abs _section_cstart, $3  }
0xcf: {  	[dreg:$0x1] =	wrdreg $0xFFFFFFFF  }
0xd0: {  	_ =	task.clear_ibuf [dreg:s22], $0x2FFFF;
	_ =	strace $0x9FFFFFFF  }
0xd1: {  	(tm) =	ssettm $0x7FFFFFFF  }
tec
execute0_lowered:
.L_overlay_start_1:
0x0: {  	(tag) =	ssettag $0x1  }
0x1: {  	s5 =	rddreg [dreg:$0x0]  }
0x2: {  	s1 =	srdreg.scid;
	s0 =	stileid.u32  }
0x3: {  	s2 =	rddreg [dreg:$0x1];
	s3 =	simm.s32 $0x0;
	s11 =	simm.s32 $0x1  }
0x4: {  	s12 =	simm.s32 $0x80;
	s13 =	simm.s32 $0x100;
	s14 =	simm.s32 $0x0  }
0x5: {  	s9 =	sand.u32 $0x1, s1;
	s6 =	smul.u32 $0x270, s0;
	s1 =	rddreg [dreg:$0x2]  }
0x6: {  	[smem:$0x7FF] =	sst s3;
	s10 =	sshll.u32 s0, $0x1;
	s31 =	sshll.u32 s0, $0x8  }
0x7: {  	s4 =	smul.u32 $0x2710, s9;
	_ =	strace $0x8000004A;
	s8 =	ssub.s32 $0x2, s9  }
0x8: {  	s10 =	sor.u32 s10, s9;
	s9 =	sshll.u32 s9, $0x7;
	s29 =	sshrl.u32 s8, $0x1  }
0x9: {  	s30 =	ssub.s32 $0x9E3, s10;
	s9 =	sor.u32 s9, s31;
	s7 =	sadd.s32 s6, s4  }
0xa: {  	s10 =	simm.s32 $0x380;
	s4 =	sadd.s32 $0x2200, s5;
	s7 =	sshrl.u32 s7, $0x3  }
0xb: {  	s8 =	ssub.s32 s8, s29;
	s7 =	sadd.s32 s7, s5;
	s5 =	sadd.s32 s6, s2  }
0xc: {  	v0 =	vimm.f32 $1.000000000e+00;
	v1 =	vimm.f32 $0.0e+00;
	s6 =	sadd.s32 $0x577000, s7;
	s7 =	smax.u32 s8, $0x1;
	s8 =	sshrl.u32 s30, $0x5  }
.LBB2_1:
0xd: {  	[tilespmem:$0x80] =	vst v0  }
0xe: {  	[tilespmem:$0x90] =	vst v0  }
0xf: {  	[tilespmem:$0xA0] =	vst v0  }
0x10: {  	[tilespmem:$0xB0] =	vst v0  }
0x11: {  	[tilespmem:$0xC0] =	vst v0  }
0x12: {  	[tilespmem:$0xD0] =	vst v0  }
0x13: {  	[tilespmem:$0xE0] =	vst v0  }
0x14: {  	[tilespmem:$0xF0] =	vst v0  }
0x15: {  	[tilespmem:$0x380] =	vst v1  }
0x16: {  	[tilespmem:$0x390] =	vst v1  }
0x17: {  	[tilespmem:$0x3A0] =	vst v1  }
0x18: {  	[tilespmem:$0x3B0] =	vst v1  }
0x19: {  	[tilespmem:$0x3C0] =	vst v1  }
0x1a: {  	[tilespmem:$0x3D0] =	vst v1  }
0x1b: {  	[tilespmem:$0x3E0] =	vst v1  }
0x1c: {  	[tilespmem:$0x3F0] =	vst v1  }
0x1d: {  	[tilespmem:$0x400] =	vst v1  }
0x1e: {  	[tilespmem:$0x410] =	vst v1  }
0x1f: {  	[tilespmem:$0x420] =	vst v1  }
0x20: {  	[tilespmem:$0x430] =	vst v1  }
0x21: {  	[tilespmem:$0x440] =	vst v1  }
0x22: {  	[tilespmem:$0x450] =	vst v1  }
0x23: {  	[tilespmem:$0x460] =	vst v1  }
0x24: {  	[tilespmem:$0x470] =	vst v1  }
0x25: {  	[tilespmem:$0x480] =	vst v1  }
0x26: {  	[tilespmem:$0x490] =	vst v1  }
0x27: {  	[tilespmem:$0x4A0] =	vst v1  }
0x28: {  	[tilespmem:$0x4B0] =	vst v1  }
0x29: {  	[tilespmem:$0x4C0] =	vst v1  }
0x2a: {  	[tilespmem:$0x4D0] =	vst v1  }
0x2b: {  	[tilespmem:$0x4E0] =	vst v1  }
0x2c: {  	[tilespmem:$0x4F0] =	vst v1  }
0x2d: {  	[tilespmem:$0x500] =	vst v1  }
0x2e: {  	[tilespmem:$0x510] =	vst v1  }
0x2f: {  	[tilespmem:$0x520] =	vst v1  }
0x30: {  	[tilespmem:$0x530] =	vst v1  }
0x31: {  	[tilespmem:$0x540] =	vst v1  }
0x32: {  	[tilespmem:$0x550] =	vst v1  }
0x33: {  	[tilespmem:$0x560] =	vst v1  }
0x34: {  	[tilespmem:$0x570] =	vst v1  }
0x35: {  	[tilespmem:$0x580] =	vst v1  }
0x36: {  	[tilespmem:$0x590] =	vst v1  }
0x37: {  	[tilespmem:$0x5A0] =	vst v1  }
0x38: {  	[tilespmem:$0x5B0] =	vst v1  }
0x39: {  	[tilespmem:$0x5C0] =	vst v1  }
0x3a: {  	[tilespmem:$0x5D0] =	vst v1  }
0x3b: {  	[tilespmem:$0x5E0] =	vst v1  }
0x3c: {  	[tilespmem:$0x5F0] =	vst v1;
	p1 =	sne.s32 s8, $0x1  }
0x3d: {  	[spmem:s5] =	stream.linear.scatter [tilespmem:s10], [sflag:$0x1], $0x280, $0x38;
	[tilespmem:$0x878] =	vst v63  }
.Ltmp0:
0x3e: {  	_ =	swait.ge [sflag:s11], $0x280;
	(pc) =	sbr.rel @!p1 .LBB2_4-.Ltmp0, $4  }
0x3f: {  	[sflag:s11] =	ssyncset.done $0x0  }
0x40: {  	[sflag:s11] =	ssyncadd.s32 $0xFFFFFD80  }
0x41: {  	[bflag:$0x0] =	sbarrier.arrive $0xFFFF  }
0x42: {  	s15 =	sadd.s32 $0xFFFFFFFF, s8;
	s17 =	sshrl.u32 s9, $0x3;
	p0 =	por $0x0, $0x0  }
0x43: {  	s16 =	sadd.s32 s4, s17  }
0x44: {  	[tilespmem:s3], [sflag:$0x1] =	stream.linear.gather [hbm4b:s16+s3], $0x80, $0x38;
	[tilespmem:$0x878] =	vst v63  }
0x45: {  	p1 =	sne.s32 s15, $0x1;
	_ =	swait.ge [sflag:s11], $0x80  }
.Ltmp1:
0x46: {  	[sflag:s11] =	ssyncset.done $0x0;
	(pc) =	sbr.rel @!p1 .LBB2_4-.Ltmp1, $4  }
0x47: {  	[sflag:s11] =	ssyncadd.s32 $0xFFFFFF80  }
0x48: {  	[spmem:s2] =	stream.indirect.scatter.add.f32 [tilespmem:s12], [sflag:$0x1], $0x1, s3, s12, $0xb8;
	[tilespmem:$0x878] =	vst v63  }
0x49: {  	s15 =	sadd.s32 $0xFFFFFFFF, s15;
	s16 =	sadd.s32 $0x1000, s9;
	_ =	swait.ge [sflag:s11], $0x80  }
0x4a: {  	p0 =	por $0x1, $0x1;
	s17 =	sshrl.u32 s16, $0x3;
	[sflag:s11] =	ssyncset.done $0x0  }
.LBB2_3:
0x4b: {  	p1 =	sne.s32 s15, $0x1;
	s17 =	sadd.s32 s4, s17;
	[sflag:s11] =	ssyncadd.s32 $0xFFFFFF80  }
0x4c: {  	[tilespmem:s3], [sflag:$0x1] =	stream.linear.gather [hbm4b:s17+s3], $0x80, $0x38;
	[tilespmem:$0x878] =	vst v63  }
0x4d: {  	s15 =	sadd.s32 $0xFFFFFFFF, s15;
	_ =	swait.ge [sflag:s11], $0x80  }
.Ltmp2:
0x4e: {  	[sflag:s11] =	ssyncset.done $0x0;
	(pc) =	sbr.rel @p1 .LBB2_3-.Ltmp2, $4  }
0x4f: {  	[sflag:s11] =	ssyncadd.s32 $0xFFFFFF80  }
0x50: {  	[spmem:s2] =	stream.indirect.scatter.add.f32 [tilespmem:s12], [sflag:$0x1], $0x1, s3, s12, $0xb8;
	[tilespmem:$0x878] =	vst v63  }
0x51: {  	s16 =	sadd.s32 $0x1000, s16;
	_ =	swait.ge [sflag:s11], $0x80  }
0x52: {  	s17 =	sshrl.u32 s16, $0x3;
	[sflag:s11] =	ssyncset.done $0x0  }
.LBB2_4:
0x53: {  	s15 =	sadd.s32 s4, s17;
	[sflag:s11] =	ssyncadd.s32 @p0 $0xFFFFFF80  }
0x54: {  	[tilespmem:s3], [sflag:$0x1] =	stream.linear.gather [hbm4b:s15+s3], $0x80, $0x38;
	[tilespmem:$0x878] =	vst v63  }
0x55: {  	_ =	swait.ge [sflag:s11], $0x80  }
0x56: {  	[sflag:s11] =	ssyncset.done $0x0  }
0x57: {  	[sflag:s11] =	ssyncadd.s32 $0xFFFFFF80  }
0x58: {  	[spmem:s2] =	stream.indirect.scatter.add.f32 [tilespmem:s12], [sflag:$0x1], $0x1, s3, s12, $0xb8;
	[tilespmem:$0x878] =	vst v63  }
0x59: {  	_ =	swait.ge [sflag:s11], $0x80  }
0x5a: {  	[sflag:s11] =	ssyncset.done $0x0  }
0x5b: {  	[sflag:s11] =	ssyncadd.s32 $0xFFFFFF80  }
0x5c: {  	[bflag:$0x0] =	sbarrier.arrive $0xFFFF  }
0x5d: {  	[tilespmem:s13], [sflag:$0x1] =	stream.linear.gather [spmem:s5], $0x280, $0x38;
	[tilespmem:$0x878] =	vst v63  }
0x5e: {  	s14 =	sadd.s32 $0x1, s14;
	_ =	swait.ge [sflag:s11], $0x280  }
0x5f: {  	p0 =	sne.s32 s14, s7;
	[sflag:s11] =	ssyncset.done $0x0  }
.Ltmp3:
0x60: {  	[sflag:s11] =	ssyncadd.s32 $0xFFFFFD80;
	(pc) =	sbr.rel @p0 .LBB2_1-.Ltmp3, $4  }
0x61: {  	[hbm4b:s6+s3] =	stream.linear.scatter [tilespmem:s13], [sflag:$0x1], $0x280, $0x38;
	[tilespmem:$0x878] =	vst v63  }
0x62: {  	_ =	swait.ge [sflag:s11], $0x280  }
0x63: {  	[sflag:s11] =	ssyncset.done $0x0  }
0x64: {  	[sflag:s11] =	ssyncadd.s32 $0xFFFFFD80  }
0x65: {  	_ =	sfence.sel $0x180000  }
0x66: {  	[bflag:$0x0] =	sbarrier.arrive $0xFFFF  }
0x67: {  	p0 =	sne.s32 s0, $0x0;
	_ =	strace $0x9000004A  }
0x68: {  	s0 =	sadd.s32 @!p0 $0x100000, s1;
	[bflag:$0x2] =	sbarrier.arrive $0xFFFF  }
0x69: {  	[sflag:s0] =	ssyncadd.tile.s32 @!p0 $0x1;
	_ =	shalt  }
.Lfunc_end2:
_tile_overlayer_lowered:
.L_overlay_start_2:
0x6a: {  	(tag) =	ssettag $0x2  }
0x6b: {  	s0 =	rddreg [dreg:$0x0];
	s2 =	stileid.u32  }
0x6c: {  	s1 =	rddreg [dreg:$0x1];
	p0 =	sne.s32 s2, $0x0  }
0x6d: {  	s3 =	rddreg [dreg:$0x2];
	[bflag:$0x3] =	sbarrier.arrive $0xFFFF;
	s2 =	simm.s32 @!p0 $0x1C01  }
0x6e: {  	[timem:s3], [sflag:s2] =	dma.local @!p0 [hbm:s0], s1  }
0x6f: {  	s0 =	simm.s32 @!p0 $0x1  }
0x70: {  	_ =	swait.ge @!p0 [sflag:s0], s1  }
0x71: {  	s1 =	ssub.s32 @!p0 $0x0, s1;
	[sflag:s0] =	ssyncset.done @!p0 $0x0  }
0x72: {  	[sflag:s0] =	ssyncadd.s32 @!p0 s1  }
0x73: {  	[bflag:$0x3] =	sbarrier.arrive $0xFFFF  }
0x74: {  	_ =	shalt  }

</sc_bundles>
